<compile_context>
chip_gen: v7x
topology: tpu7x:2x2x1
jax: 0.10.2.dev20260603
libtpu: 0.0.44.dev20260713+nightly
codegen_flags: <defaults>
</compile_context>

<pallas_src>
import functools

import jax
import jax.numpy as jnp
from jax import lax
from jax.experimental import pallas as pl
from jax.experimental.pallas import tpu as pltpu
from jax.experimental.pallas import tpu_sc as plsc

N = 10000
E = 320000
H = 128
MAXZ = 1000
NGRAPH = 512

CH = 128
EPC = 80
GCH = 80
NGC = N // GCH
NROW = N + GCH
NRC = NROW // GCH


def _sc_mesh():
    return plsc.VectorSubcoreMesh(core_axis_name="c", subcore_axis_name="s")


def _rows_loop(ns, sid, nblocks, fn):
    def body(i, _):
        j = sid + i * ns

        @pl.when(j < nblocks)
        def _():
            fn(pl.multiple_of(j * GCH, GCH))
        return 0
    lax.fori_loop(0, (nblocks + ns - 1) // ns, body, 0)


@functools.lru_cache(maxsize=None)
def _make_embed():
    mesh = _sc_mesh()
    nc, ns = mesh.num_cores, mesh.num_subcores
    nw = nc * ns

    @functools.partial(
        pl.kernel,
        out_type=jax.ShapeDtypeStruct((N, H), jnp.float32),
        mesh=mesh,
        scratch_types=[
            pltpu.VMEM((GCH,), jnp.int32),
            pltpu.VMEM((GCH, H), jnp.float32),
            pltpu.SemaphoreType.DMA,
        ],
    )
    def k(z_hbm, ztab_hbm, h0_hbm, zidx_v, grows_v, sem):
        cid = lax.axis_index("c")
        sid = lax.axis_index("s")
        wid = sid * nc + cid

        def gbody(i, _):
            kk = wid + i * nw

            @pl.when(kk < NGC)
            def _():
                base = pl.multiple_of(kk * GCH, GCH)
                pltpu.sync_copy(z_hbm.at[pl.ds(base, GCH)], zidx_v)
                pltpu.async_copy(ztab_hbm.at[zidx_v], grows_v, sem).wait()
                pltpu.sync_copy(grows_v, h0_hbm.at[pl.ds(base, GCH)])
            return 0
        lax.fori_loop(0, (NGC + nw - 1) // nw, gbody, 0)

    return k


@functools.lru_cache(maxsize=None)
def _make_agg():
    mesh = _sc_mesh()
    nc, ns = mesh.num_cores, mesh.num_subcores

    @functools.partial(
        pl.kernel,
        out_type=jax.ShapeDtypeStruct((nc, N, H), jnp.float32),
        mesh=mesh,
        scratch_types=[
            pltpu.VMEM((EPC * CH,), jnp.int32),
            pltpu.VMEM((CH,), jnp.int32),
            pltpu.VMEM((CH,), jnp.int32),
            pltpu.VMEM((CH, H), jnp.float32),
            pltpu.VMEM((CH, H), jnp.float32),
            pltpu.VMEM_SHARED((NROW, H), jnp.float32),
            pltpu.SemaphoreType.DMA,
            pltpu.SemaphoreType.DMA,
            pltpu.SemaphoreType.DMA,
            pltpu.SemaphoreType.DMA,
        ],
    )
    def k(h_hbm, src_hbm, dst_hbm, zeros_hbm, part_hbm,
          sidxf_v, didx0_v, didx1_v, rows0_v, rows1_v,
          acc, sem0, sem1, semd0, semd1):
        cid = lax.axis_index("c")
        sid = lax.axis_index("s")
        wid = sid * nc + cid

        _rows_loop(ns, sid, NRC, lambda base: pltpu.sync_copy(
            zeros_hbm.at[pl.ds(base, GCH)], acc.at[pl.ds(base, GCH)]))

        def ebase(j):
            return pl.multiple_of((wid * EPC + j) * CH, CH)

        pltpu.sync_copy(src_hbm.at[pl.ds(ebase(0), EPC * CH)], sidxf_v)
        plsc.subcore_barrier()

        def sslice(j):
            return sidxf_v.at[pl.ds(j * CH, CH)]

        pltpu.async_copy(dst_hbm.at[pl.ds(ebase(0), CH)], didx0_v, semd0)
        pltpu.async_copy(h_hbm.at[sslice(0)], rows0_v, sem0)

        def body(jo, _):
            j0 = jo * 2
            pltpu.async_copy(dst_hbm.at[pl.ds(ebase(j0 + 1), CH)], didx1_v,
                             semd1)
            pltpu.async_copy(h_hbm.at[sslice(j0 + 1)], rows1_v, sem1)
            pltpu.make_async_copy(h_hbm.at[sslice(j0)], rows0_v, sem0).wait()
            pltpu.make_async_copy(dst_hbm.at[pl.ds(ebase(j0), CH)], didx0_v,
                                  semd0).wait()
            pltpu.sync_copy(rows0_v, acc.at[didx0_v], add=True)

            @pl.when(jo + 1 < EPC // 2)
            def _():
                pltpu.async_copy(dst_hbm.at[pl.ds(ebase(j0 + 2), CH)],
                                 didx0_v, semd0)
                pltpu.async_copy(h_hbm.at[sslice(j0 + 2)], rows0_v, sem0)
            pltpu.make_async_copy(h_hbm.at[sslice(j0 + 1)], rows1_v,
                                  sem1).wait()
            pltpu.make_async_copy(dst_hbm.at[pl.ds(ebase(j0 + 1), CH)],
                                  didx1_v, semd1).wait()
            pltpu.sync_copy(rows1_v, acc.at[didx1_v], add=True)
            return 0
        lax.fori_loop(0, EPC // 2, body, 0)

        plsc.subcore_barrier()
        _rows_loop(ns, sid, NGC, lambda base: pltpu.sync_copy(
            acc.at[pl.ds(base, GCH)], part_hbm.at[cid, pl.ds(base, GCH)]))

    return k


NQ = 79
NF = NQ * H


def _tc_pre(dst, batch):
    ec = 1280
    nst = E // ec
    nbc = 10
    rows_per = N // nbc

    def body(dst_ref, batch_ref, cnt_ref, ci_ref, m_ref):
        i = pl.program_id(0)

        @pl.when(i == 0)
        def _():
            m_ref[...] = jnp.zeros((NQ, H), jnp.float32)
            gi = lax.broadcasted_iota(jnp.int32, (1, NGRAPH), 1)
            ci = jnp.zeros((1, NGRAPH), jnp.int32)
            for t in range(nbc):
                bc = batch_ref[pl.ds(t * rows_per, rows_per)]
                ci = ci + jnp.sum((bc[:, None] < gi).astype(jnp.int32),
                                  axis=0, keepdims=True)
            ci_t = ci.reshape(NGRAPH, 1)
            ci_ref[...] = jnp.concatenate(
                [jnp.minimum(ci_t, N - 1), jnp.minimum(ci_t + 1, N - 1)],
                axis=1)

        d = dst_ref[0, 0]
        ohq = ((d[:, None] >> 7) ==
               lax.broadcasted_iota(jnp.int32, (ec, NQ), 1)
               ).astype(jnp.float32)
        ohr = ((d[:, None] & 127) ==
               lax.broadcasted_iota(jnp.int32, (ec, H), 1)
               ).astype(jnp.float32)
        m_ref[...] = m_ref[...] + lax.dot_general(
            ohq, ohr, (((0,), (0,)), ((), ())),
            preferred_element_type=jnp.float32)

        @pl.when(i == nst - 1)
        def _():
            cnt_ref[...] = m_ref[...]

    return pl.pallas_call(
        body,
        grid=(nst,),
        in_specs=[
            pl.BlockSpec((1, 1, ec), lambda i: (i, 0, 0)),
            pl.BlockSpec((N,), lambda i: (0,)),
        ],
        out_specs=[
            pl.BlockSpec((NQ, H), lambda i: (0, 0)),
            pl.BlockSpec((NGRAPH, 2), lambda i: (0, 0)),
        ],
        out_shape=[
            jax.ShapeDtypeStruct((NQ, H), jnp.float32),
            jax.ShapeDtypeStruct((NGRAPH, 2), jnp.int32),
        ],
        scratch_shapes=[pltpu.VMEM((NQ, H), jnp.float32)],
    )(dst.reshape(nst, 1, ec), batch)



def _dot_t(a, w):
    return lax.dot_general(a, w, (((1,), (1,)), ((), ())),
                           preferred_element_type=jnp.float32)


def _tc_layer0(part, cntf, h, wl, wr, b):
    def body(part_ref, cntf_ref, h_ref, wl_ref, wr_ref, b_ref,
             h1_ref, inv_ref):
        cnt = jnp.maximum(cntf_ref[pl.ds(0, N)], 1.0)
        inv_ref[...] = cnt
        mean = (part_ref[0] + part_ref[1]) / cnt
        out = _dot_t(mean, wl_ref[...]) + _dot_t(h_ref[...], wr_ref[...])
        out = out + b_ref[...][None, :]
        h1_ref[...] = jnp.maximum(out, 0.0)

    return pl.pallas_call(
        body,
        out_shape=[
            jax.ShapeDtypeStruct((N, H), jnp.float32),
            jax.ShapeDtypeStruct((N, 1), jnp.float32),
        ],
    )(part, cntf, h, wl, wr, b)


def _tc_layer(part, inv, h, wl, wr, b):
    def body(part_ref, inv_ref, h_ref, wl_ref, wr_ref, b_ref, h1_ref):
        mean = (part_ref[0] + part_ref[1]) / inv_ref[...]
        out = _dot_t(mean, wl_ref[...]) + _dot_t(h_ref[...], wr_ref[...])
        out = out + b_ref[...][None, :]
        h1_ref[...] = jnp.maximum(out, 0.0)

    return pl.pallas_call(
        body,
        out_shape=jax.ShapeDtypeStruct((N, H), jnp.float32),
    )(part, inv, h, wl, wr, b)


def _tc_final(part, inv, h, ci, wl, wr, b, w1, b1l, w2, b2l):
    nchunks = 10
    rows_per = N // nchunks

    def body(part_ref, inv_ref, h_ref, ci_ref, wl_ref, wr_ref, b_ref,
             w1_ref, b1l_ref, w2_ref, out_ref):
        mean = (part_ref[0] + part_ref[1]) / inv_ref[...]
        h3 = _dot_t(mean, wl_ref[...]) + _dot_t(h_ref[...], wr_ref[...])
        h3 = h3 + b_ref[...][None, :]

        ci_a = ci_ref[...][:, 0:1]
        ci_b = ci_ref[...][:, 1:2]

        pa = jnp.zeros((NGRAPH, H), jnp.float32)
        pb = jnp.zeros((NGRAPH, H), jnp.float32)
        for t in range(nchunks):
            rows = h3[t * rows_per:(t + 1) * rows_per]
            nid = (lax.broadcasted_iota(jnp.int32, (NGRAPH, rows_per), 1)
                   + t * rows_per)
            oh_a = (ci_a == nid).astype(jnp.float32)
            oh_b = (ci_b == nid).astype(jnp.float32)
            pa = pa + jnp.dot(oh_a, rows, preferred_element_type=jnp.float32)
            pb = pb + jnp.dot(oh_b, rows, preferred_element_type=jnp.float32)

        p = pa * pb
        q = jnp.maximum(_dot_t(p, w1_ref[...]) + b1l_ref[...][None, :], 0.0)
        out_ref[...] = _dot_t(q, w2_ref[...])

    out = pl.pallas_call(
        body,
        out_shape=jax.ShapeDtypeStruct((NGRAPH, 1), jnp.float32),
    )(part, inv, h, ci, wl, wr, b, w1, b1l, w2)
    return out + b2l[None, :]


def kernel(z, edge_index, batch, x, edge_weight, node_id, z_table,
           Wl0, Wr0, b0, Wl1, Wr1, b1, Wl2, Wr2, b2, W1, b1l, W2, b2l):
    src = edge_index[0].astype(jnp.int32)
    dst = edge_index[1].astype(jnp.int32)
    z = z.astype(jnp.int32)
    batch = batch.astype(jnp.int32)

    mesh = _sc_mesh()
    nw = mesh.num_cores * mesh.num_subcores
    epad = nw * EPC * CH - E
    pad_i = jnp.arange(epad, dtype=jnp.int32)
    srcp = jnp.concatenate([src, pad_i % N])
    dstp = jnp.concatenate([dst, N + (pad_i % GCH)])

    zeros_nh = jnp.zeros((NROW, H), jnp.float32)

    h0 = _make_embed()(z, z_table)
    cnt2d, ci = _tc_pre(dst, batch)
    cntf = cnt2d.reshape(NF, 1)
    part0 = _make_agg()(h0, srcp, dstp, zeros_nh)
    h1, inv = _tc_layer0(part0, cntf, h0, Wl0, Wr0, b0)
    part1 = _make_agg()(h1, srcp, dstp, zeros_nh)
    h2 = _tc_layer(part1, inv, h1, Wl1, Wr1, b1)
    part2 = _make_agg()(h2, srcp, dstp, zeros_nh)
    return _tc_final(part2, inv, h2, ci, Wl2, Wr2, b2, W1, b1l, W2, b2l)

# --- scband reference (transcript-rebuilt; emitter-appended) ---
"""Pipeline reference for scband-sage-32512902431457 (READ-ONLY COPY).

The authoritative reference and input builder live on the scoring server;
editing this copy changes nothing except your own understanding.
"""

import jax, jax.numpy as jnp
import numpy as np

N = 10000
E = 320000
H = 128
MAXZ = 1000
NGRAPH = 512


def setup_inputs(seed: int = 0):
    key = jax.random.key(seed)
    ks = jax.random.split(key, 16)
    z = jax.random.randint(ks[0], (N,), 0, MAXZ)
    edge_index = jax.random.randint(ks[1], (2, E), 0, N)
    batch = jnp.sort(jax.random.randint(ks[2], (N,), 0, NGRAPH))
    batch = batch.at[-1].set(batch[-2])  # guarantee center_indices+1 stays in range
    x = jax.random.normal(ks[3], (N, H), dtype=jnp.float32)
    edge_weight = jax.random.uniform(ks[4], (E,), dtype=jnp.float32)
    node_id = jnp.arange(N)
    s = 0.05
    z_table = jax.random.normal(ks[5], (MAXZ, H), dtype=jnp.float32) * s
    Wl0 = jax.random.normal(ks[6], (H, H), dtype=jnp.float32) * s
    Wr0 = jax.random.normal(ks[7], (H, H), dtype=jnp.float32) * s
    b0 = jnp.zeros((H,), dtype=jnp.float32)
    Wl1 = jax.random.normal(ks[8], (H, H), dtype=jnp.float32) * s
    Wr1 = jax.random.normal(ks[9], (H, H), dtype=jnp.float32) * s
    b1 = jnp.zeros((H,), dtype=jnp.float32)
    Wl2 = jax.random.normal(ks[10], (H, H), dtype=jnp.float32) * s
    Wr2 = jax.random.normal(ks[11], (H, H), dtype=jnp.float32) * s
    b2 = jnp.zeros((H,), dtype=jnp.float32)
    W1 = jax.random.normal(ks[12], (H, H), dtype=jnp.float32) * s
    b1l = jnp.zeros((H,), dtype=jnp.float32)
    W2 = jax.random.normal(ks[13], (1, H), dtype=jnp.float32) * s
    b2l = jnp.zeros((1,), dtype=jnp.float32)
    return {
        'z': z, 'edge_index': edge_index, 'batch': batch, 'x': x,
        'edge_weight': edge_weight, 'node_id': node_id, 'z_table': z_table,
        'Wl0': Wl0, 'Wr0': Wr0, 'b0': b0,
        'Wl1': Wl1, 'Wr1': Wr1, 'b1': b1,
        'Wl2': Wl2, 'Wr2': Wr2, 'b2': b2,
        'W1': W1, 'b1l': b1l, 'W2': W2, 'b2l': b2l,
    }


def _sage(h, src, dst, Wl, Wr, b):
    # PyG SAGEConv (aggr='mean'): out = lin_l(mean_{j->i} x_j) + lin_r(x_i)
    agg = jax.ops.segment_sum(h[src], dst, num_segments=N)
    cnt = jax.ops.segment_sum(jnp.ones((src.shape[0],), dtype=h.dtype), dst, num_segments=N)
    mean = agg / jnp.clip(cnt, 1.0)[:, None]
    return mean @ Wl.T + h @ Wr.T + b


def reference(z, edge_index, batch, x, edge_weight, node_id, z_table,
              Wl0, Wr0, b0, Wl1, Wr1, b1, Wl2, Wr2, b2, W1, b1l, W2, b2l):
    src = edge_index[0]
    dst = edge_index[1]
    # z_embedding lookup (use_feature=False, node_embedding=None -> h = z_emb)
    h = jnp.take(z_table, z, axis=0)
    h = jax.nn.relu(_sage(h, src, dst, Wl0, Wr0, b0))  # dropout: eval mode -> identity
    h = jax.nn.relu(_sage(h, src, dst, Wl1, Wr1, b1))
    h = _sage(h, src, dst, Wl2, Wr2, b2)
    ci = jnp.searchsorted(batch, jnp.arange(NGRAPH))
    p = h[ci] * h[ci + 1]
    p = jax.nn.relu(p @ W1.T + b1l)
    out = p @ W2.T + b2l
    return out

if __name__ == "__main__":
    import jax
    _d = setup_inputs()
    print(jax.jit(kernel)(*tuple(_d.values())))

</pallas_src>

<mosaic_0001>
#map = affine_map<(d0, d1) -> (0, 0)>
#map1 = affine_map<(d0, d1) -> (0)>
#map2 = affine_map<(d0, d1) -> (0, 0, 0)>
module attributes {stable_mosaic.version = 14 : i64} {
  func.func @k(%arg0: i32, %arg1: i32, %arg2: memref<10000x128xf32, #tpu.memory_space<hbm>>, %arg3: memref<327680xi32, #tpu.memory_space<hbm>>, %arg4: memref<327680xi32, #tpu.memory_space<hbm>>, %arg5: memref<10080x128xf32, #tpu.memory_space<hbm>>, %arg6: memref<2x10000x128xf32, #tpu.memory_space<hbm>>, %arg7: memref<10240xi32, #tpu.memory_space<vmem>>, %arg8: memref<128xi32, #tpu.memory_space<vmem>>, %arg9: memref<128xi32, #tpu.memory_space<vmem>>, %arg10: memref<128x128xf32, #tpu.memory_space<vmem>>, %arg11: memref<128x128xf32, #tpu.memory_space<vmem>>, %arg12: memref<10080x128xf32, #tpu.memory_space<vmem_shared>>, %arg13: memref<!tpu.dma_semaphore, #tpu.memory_space<semaphore_mem>>, %arg14: memref<!tpu.dma_semaphore, #tpu.memory_space<semaphore_mem>>, %arg15: memref<!tpu.dma_semaphore, #tpu.memory_space<semaphore_mem>>, %arg16: memref<!tpu.dma_semaphore, #tpu.memory_space<semaphore_mem>>) attributes {dimension_semantics = [#tpu.dimension_semantics<core_parallel>, #tpu.dimension_semantics<subcore_parallel>], iteration_bounds = array<i64: 2, 16>, scalar_prefetch = 0 : i64, scratch_operands = 10 : i64, tpu.core_type = #tpu.core_type<sc_vector_subcore>, window_params = [{transform_indices = #map}, {transform_indices = #map1}, {transform_indices = #map1}, {transform_indices = #map}, {transform_indices = #map2}]} {
    %mul3A = arith.constant 2 : i32
    %mul3A_0 = arith.muli %arg1, %mul3A : i32
    %add3A = arith.addi %mul3A_0, %arg0 : i32
    %scan3A = arith.constant 0 : i32
    %scan3A_1 = arith.constant 0 : i32
    %scan3A_2 = arith.constant 8 : i32
    %scan3A_3 = arith.addi %scan3A_1, %scan3A_2 : i32
    %scan3A_4 = arith.constant 1 : i32
    %scan3A_5 = scf.for %scan3A_41 = %scan3A_1 to %scan3A_3 step %scan3A_4 iter_args(%scan3A_42 = %scan3A) -> (i32)  : i32 {
      %mul3A_43 = arith.constant 16 : i32
      %mul3A_44 = arith.muli %scan3A_41, %mul3A_43 : i32
      %add3A_45 = arith.addi %arg1, %mul3A_44 : i32
      %lt3A = arith.constant 126 : i32
      %lt3A_46 = arith.cmpi slt, %add3A_45, %lt3A : i32
      %convert_element_type3A = arith.extui %lt3A_46 : i1 to i32
      %cond3A = arith.constant 0 : i32
      %cond3A_47 = arith.cmpi ne, %convert_element_type3A, %cond3A : i32
      scf.if %cond3A_47 {
        %mul3A_49 = arith.constant 80 : i32
        %mul3A_50 = arith.muli %add3A_45, %mul3A_49 : i32
        %multiple_of3A_51 = tpu.assume_multiple %mul3A_50, 80 : i32
        "tpu.region"() ({
          %run_scoped3A = tpu.sem_alloc : memref<!tpu.dma_semaphore, #tpu.memory_space<semaphore_mem>>
          %dma_start3A_52 = arith.constant 0 : i32
          %dma_start3A_53 = tpu.memref_slice %arg12[%multiple_of3A_51, %dma_start3A_52] : memref<10080x128xf32, #tpu.memory_space<vmem_shared>> -> memref<80x128xf32, #tpu.memory_space<vmem_shared>>
          %dma_start3A_54 = arith.constant 0 : i32
          %dma_start3A_55 = tpu.memref_slice %arg5[%multiple_of3A_51, %dma_start3A_54] : memref<10080x128xf32, #tpu.memory_space<hbm>> -> memref<80x128xf32, #tpu.memory_space<hbm>>
          tpu.enqueue_dma source(%dma_start3A_55 : memref<80x128xf32, #tpu.memory_space<hbm>>) target(%dma_start3A_53 : memref<80x128xf32, #tpu.memory_space<vmem_shared>>) target_semaphore(%run_scoped3A : memref<!tpu.dma_semaphore, #tpu.memory_space<semaphore_mem>>)
          %dma_wait3A = arith.constant 0 : i32
          %dma_wait3A_56 = tpu.memref_slice %arg12[%multiple_of3A_51, %dma_wait3A] : memref<10080x128xf32, #tpu.memory_space<vmem_shared>> -> memref<80x128xf32, #tpu.memory_space<vmem_shared>>
          %dma_wait3A_57 = arith.constant 0 : i32
          %dma_wait3A_58 = tpu.memref_slice %arg5[%multiple_of3A_51, %dma_wait3A_57] : memref<10080x128xf32, #tpu.memory_space<hbm>> -> memref<80x128xf32, #tpu.memory_space<hbm>>
          tpu.wait_dma2 semaphore(%run_scoped3A : memref<!tpu.dma_semaphore, #tpu.memory_space<semaphore_mem>>) src(%dma_wait3A_58 : memref<80x128xf32, #tpu.memory_space<hbm>>) dst(%dma_wait3A_56 : memref<80x128xf32, #tpu.memory_space<vmem_shared>>)
          tpu.yield
        }) : () -> ()
      } else {
      }
      %scan3A_48 = arith.constant 0 : i32
      scf.yield %scan3A_48 : i32
    }
    %scan3A_6 = arith.constant 8 : i32
    %mul3A_7 = arith.constant 80 : i32
    %mul3A_8 = arith.muli %add3A, %mul3A_7 : i32
    %add3A_9 = arith.constant 0 : i32
    %add3A_10 = arith.addi %mul3A_8, %add3A_9 : i32
    %mul3A_11 = arith.constant 128 : i32
    %mul3A_12 = arith.muli %add3A_10, %mul3A_11 : i32
    %multiple_of3A = tpu.assume_multiple %mul3A_12, 128 : i32
    "tpu.region"() ({
      %run_scoped3A = tpu.sem_alloc : memref<!tpu.dma_semaphore, #tpu.memory_space<semaphore_mem>>
      %dma_start3A_41 = tpu.memref_slice %arg3[%multiple_of3A] : memref<327680xi32, #tpu.memory_space<hbm>> -> memref<10240xi32, #tpu.memory_space<hbm>>
      %dma_start3A_42 = tpu.memref_slice %arg3[%multiple_of3A] : memref<327680xi32, #tpu.memory_space<hbm>> -> memref<10240xi32, #tpu.memory_space<hbm>>
      tpu.enqueue_dma source(%dma_start3A_42 : memref<10240xi32, #tpu.memory_space<hbm>>) target(%arg7 : memref<10240xi32, #tpu.memory_space<vmem>>) target_semaphore(%run_scoped3A : memref<!tpu.dma_semaphore, #tpu.memory_space<semaphore_mem>>)
      %dma_wait3A = tpu.memref_slice %arg3[%multiple_of3A] : memref<327680xi32, #tpu.memory_space<hbm>> -> memref<10240xi32, #tpu.memory_space<hbm>>
      %dma_wait3A_43 = tpu.memref_slice %arg3[%multiple_of3A] : memref<327680xi32, #tpu.memory_space<hbm>> -> memref<10240xi32, #tpu.memory_space<hbm>>
      tpu.wait_dma2 semaphore(%run_scoped3A : memref<!tpu.dma_semaphore, #tpu.memory_space<semaphore_mem>>) src(%dma_wait3A_43 : memref<10240xi32, #tpu.memory_space<hbm>>) dst(%arg7 : memref<10240xi32, #tpu.memory_space<vmem>>)
      tpu.yield
    }) : () -> ()
    %barrier3A = arith.constant 0 : index
    tpu.barrier barrier_id(%barrier3A)
    %mul3A_13 = arith.constant 80 : i32
    %mul3A_14 = arith.muli %add3A, %mul3A_13 : i32
    %add3A_15 = arith.constant 0 : i32
    %add3A_16 = arith.addi %mul3A_14, %add3A_15 : i32
    %mul3A_17 = arith.constant 128 : i32
    %mul3A_18 = arith.muli %add3A_16, %mul3A_17 : i32
    %multiple_of3A_19 = tpu.assume_multiple %mul3A_18, 128 : i32
    %dma_start3A = tpu.memref_slice %arg4[%multiple_of3A_19] : memref<327680xi32, #tpu.memory_space<hbm>> -> memref<128xi32, #tpu.memory_space<hbm>>
    %dma_start3A_20 = tpu.memref_slice %arg4[%multiple_of3A_19] : memref<327680xi32, #tpu.memory_space<hbm>> -> memref<128xi32, #tpu.memory_space<hbm>>
    tpu.enqueue_dma source(%dma_start3A_20 : memref<128xi32, #tpu.memory_space<hbm>>) target(%arg8 : memref<128xi32, #tpu.memory_space<vmem>>) target_semaphore(%arg15 : memref<!tpu.dma_semaphore, #tpu.memory_space<semaphore_mem>>)
    %dma_start3A_21 = arith.constant 0 : i32
    %dma_start3A_22 = tpu.memref_slice %arg7[%dma_start3A_21] : memref<10240xi32, #tpu.memory_space<vmem>> -> memref<128xi32, #tpu.memory_space<vmem>>
    %dma_start3A_23 = arith.constant 0 : i32
    %dma_start3A_24 = arith.constant 0 : i32
    %dma_start3A_25 = tpu.memref_slice %arg2[%dma_start3A_23, %dma_start3A_24] : memref<10000x128xf32, #tpu.memory_space<hbm>> -> memref<10000x128xf32, #tpu.memory_space<hbm>>
    tpu.enqueue_indirect_dma source(%dma_start3A_25 : memref<10000x128xf32, #tpu.memory_space<hbm>>) target(%arg10 : memref<128x128xf32, #tpu.memory_space<vmem>>) offsets(%dma_start3A_22 : memref<128xi32, #tpu.memory_space<vmem>>) semaphore(%arg13 : memref<!tpu.dma_semaphore, #tpu.memory_space<semaphore_mem>>)
    %scan3A_26 = arith.constant 0 : i32
    %scan3A_27 = arith.constant 0 : i32
    %scan3A_28 = arith.constant 40 : i32
    %scan3A_29 = arith.addi %scan3A_27, %scan3A_28 : i32
    %scan3A_30 = arith.constant 1 : i32
    %scan3A_31 = scf.for %scan3A_41 = %scan3A_27 to %scan3A_29 step %scan3A_30 iter_args(%scan3A_42 = %scan3A_26) -> (i32)  : i32 {
      %mul3A_43 = arith.constant 2 : i32
      %mul3A_44 = arith.muli %scan3A_41, %mul3A_43 : i32
      %add3A_45 = arith.constant 1 : i32
      %add3A_46 = arith.addi %mul3A_44, %add3A_45 : i32
      %mul3A_47 = arith.constant 80 : i32
      %mul3A_48 = arith.muli %add3A, %mul3A_47 : i32
      %add3A_49 = arith.addi %mul3A_48, %add3A_46 : i32
      %mul3A_50 = arith.constant 128 : i32
      %mul3A_51 = arith.muli %add3A_49, %mul3A_50 : i32
      %multiple_of3A_52 = tpu.assume_multiple %mul3A_51, 128 : i32
      %dma_start3A_53 = tpu.memref_slice %arg4[%multiple_of3A_52] : memref<327680xi32, #tpu.memory_space<hbm>> -> memref<128xi32, #tpu.memory_space<hbm>>
      %dma_start3A_54 = tpu.memref_slice %arg4[%multiple_of3A_52] : memref<327680xi32, #tpu.memory_space<hbm>> -> memref<128xi32, #tpu.memory_space<hbm>>
      tpu.enqueue_dma source(%dma_start3A_54 : memref<128xi32, #tpu.memory_space<hbm>>) target(%arg9 : memref<128xi32, #tpu.memory_space<vmem>>) target_semaphore(%arg16 : memref<!tpu.dma_semaphore, #tpu.memory_space<semaphore_mem>>)
      %add3A_55 = arith.constant 1 : i32
      %add3A_56 = arith.addi %mul3A_44, %add3A_55 : i32
      %mul3A_57 = arith.constant 128 : i32
      %mul3A_58 = arith.muli %add3A_56, %mul3A_57 : i32
      %dma_start3A_59 = tpu.memref_slice %arg7[%mul3A_58] : memref<10240xi32, #tpu.memory_space<vmem>> -> memref<128xi32, #tpu.memory_space<vmem>>
      %dma_start3A_60 = arith.constant 0 : i32
      %dma_start3A_61 = arith.constant 0 : i32
      %dma_start3A_62 = tpu.memref_slice %arg2[%dma_start3A_60, %dma_start3A_61] : memref<10000x128xf32, #tpu.memory_space<hbm>> -> memref<10000x128xf32, #tpu.memory_space<hbm>>
      tpu.enqueue_indirect_dma source(%dma_start3A_62 : memref<10000x128xf32, #tpu.memory_space<hbm>>) target(%arg11 : memref<128x128xf32, #tpu.memory_space<vmem>>) offsets(%dma_start3A_59 : memref<128xi32, #tpu.memory_space<vmem>>) semaphore(%arg14 : memref<!tpu.dma_semaphore, #tpu.memory_space<semaphore_mem>>)
      %mul3A_63 = arith.constant 128 : i32
      %mul3A_64 = arith.muli %mul3A_44, %mul3A_63 : i32
      %dma_wait3A = tpu.memref_slice %arg7[%mul3A_64] : memref<10240xi32, #tpu.memory_space<vmem>> -> memref<128xi32, #tpu.memory_space<vmem>>
      %dma_wait3A_65 = arith.constant 0 : i32
      %dma_wait3A_66 = arith.constant 0 : i32
      %dma_wait3A_67 = tpu.memref_slice %arg2[%dma_wait3A_65, %dma_wait3A_66] : memref<10000x128xf32, #tpu.memory_space<hbm>> -> memref<10000x128xf32, #tpu.memory_space<hbm>>
      tpu.wait_indirect_dma semaphore(%arg13 : memref<!tpu.dma_semaphore, #tpu.memory_space<semaphore_mem>>) src(%dma_wait3A_67 : memref<10000x128xf32, #tpu.memory_space<hbm>>) dst(%arg10 : memref<128x128xf32, #tpu.memory_space<vmem>>)
      %mul3A_68 = arith.constant 80 : i32
      %mul3A_69 = arith.muli %add3A, %mul3A_68 : i32
      %add3A_70 = arith.addi %mul3A_69, %mul3A_44 : i32
      %mul3A_71 = arith.constant 128 : i32
      %mul3A_72 = arith.muli %add3A_70, %mul3A_71 : i32
      %multiple_of3A_73 = tpu.assume_multiple %mul3A_72, 128 : i32
      %dma_wait3A_74 = tpu.memref_slice %arg4[%multiple_of3A_73] : memref<327680xi32, #tpu.memory_space<hbm>> -> memref<128xi32, #tpu.memory_space<hbm>>
      %dma_wait3A_75 = tpu.memref_slice %arg4[%multiple_of3A_73] : memref<327680xi32, #tpu.memory_space<hbm>> -> memref<128xi32, #tpu.memory_space<hbm>>
      tpu.wait_dma2 semaphore(%arg15 : memref<!tpu.dma_semaphore, #tpu.memory_space<semaphore_mem>>) src(%dma_wait3A_75 : memref<128xi32, #tpu.memory_space<hbm>>) dst(%arg8 : memref<128xi32, #tpu.memory_space<vmem>>)
      "tpu.region"() ({
        %run_scoped3A = tpu.sem_alloc : memref<!tpu.dma_semaphore, #tpu.memory_space<semaphore_mem>>
        %dma_start3A_99 = arith.constant 0 : i32
        %dma_start3A_100 = arith.constant 0 : i32
        %dma_start3A_101 = tpu.memref_slice %arg12[%dma_start3A_99, %dma_start3A_100] : memref<10080x128xf32, #tpu.memory_space<vmem_shared>> -> memref<10080x128xf32, #tpu.memory_space<vmem_shared>>
        tpu.enqueue_indirect_dma source(%arg10 : memref<128x128xf32, #tpu.memory_space<vmem>>) target(%dma_start3A_101 : memref<10080x128xf32, #tpu.memory_space<vmem_shared>>) offsets(%arg8 : memref<128xi32, #tpu.memory_space<vmem>>) semaphore(%run_scoped3A : memref<!tpu.dma_semaphore, #tpu.memory_space<semaphore_mem>>) {add = true}
        %dma_wait3A_102 = arith.constant 0 : i32
        %dma_wait3A_103 = arith.constant 0 : i32
        %dma_wait3A_104 = tpu.memref_slice %arg12[%dma_wait3A_102, %dma_wait3A_103] : memref<10080x128xf32, #tpu.memory_space<vmem_shared>> -> memref<10080x128xf32, #tpu.memory_space<vmem_shared>>
        tpu.wait_indirect_dma semaphore(%run_scoped3A : memref<!tpu.dma_semaphore, #tpu.memory_space<semaphore_mem>>) src(%arg10 : memref<128x128xf32, #tpu.memory_space<vmem>>) dst(%dma_wait3A_104 : memref<10080x128xf32, #tpu.memory_space<vmem_shared>>)
        tpu.yield
      }) : () -> ()
      %add3A_76 = arith.constant 1 : i32
      %add3A_77 = arith.addi %scan3A_41, %add3A_76 : i32
      %lt3A = arith.constant 40 : i32
      %lt3A_78 = arith.cmpi slt, %add3A_77, %lt3A : i32
      %convert_element_type3A = arith.extui %lt3A_78 : i1 to i32
      %cond3A = arith.constant 0 : i32
      %cond3A_79 = arith.cmpi ne, %convert_element_type3A, %cond3A : i32
      scf.if %cond3A_79 {
        %add3A_99 = arith.constant 2 : i32
        %add3A_100 = arith.addi %mul3A_44, %add3A_99 : i32
        %mul3A_101 = arith.constant 80 : i32
        %mul3A_102 = arith.muli %add3A, %mul3A_101 : i32
        %add3A_103 = arith.addi %mul3A_102, %add3A_100 : i32
        %mul3A_104 = arith.constant 128 : i32
        %mul3A_105 = arith.muli %add3A_103, %mul3A_104 : i32
        %multiple_of3A_106 = tpu.assume_multiple %mul3A_105, 128 : i32
        %dma_start3A_107 = tpu.memref_slice %arg4[%multiple_of3A_106] : memref<327680xi32, #tpu.memory_space<hbm>> -> memref<128xi32, #tpu.memory_space<hbm>>
        %dma_start3A_108 = tpu.memref_slice %arg4[%multiple_of3A_106] : memref<327680xi32, #tpu.memory_space<hbm>> -> memref<128xi32, #tpu.memory_space<hbm>>
        tpu.enqueue_dma source(%dma_start3A_108 : memref<128xi32, #tpu.memory_space<hbm>>) target(%arg8 : memref<128xi32, #tpu.memory_space<vmem>>) target_semaphore(%arg15 : memref<!tpu.dma_semaphore, #tpu.memory_space<semaphore_mem>>)
        %add3A_109 = arith.constant 2 : i32
        %add3A_110 = arith.addi %mul3A_44, %add3A_109 : i32
        %mul3A_111 = arith.constant 128 : i32
        %mul3A_112 = arith.muli %add3A_110, %mul3A_111 : i32
        %dma_start3A_113 = tpu.memref_slice %arg7[%mul3A_112] : memref<10240xi32, #tpu.memory_space<vmem>> -> memref<128xi32, #tpu.memory_space<vmem>>
        %dma_start3A_114 = arith.constant 0 : i32
        %dma_start3A_115 = arith.constant 0 : i32
        %dma_start3A_116 = tpu.memref_slice %arg2[%dma_start3A_114, %dma_start3A_115] : memref<10000x128xf32, #tpu.memory_space<hbm>> -> memref<10000x128xf32, #tpu.memory_space<hbm>>
        tpu.enqueue_indirect_dma source(%dma_start3A_116 : memref<10000x128xf32, #tpu.memory_space<hbm>>) target(%arg10 : memref<128x128xf32, #tpu.memory_space<vmem>>) offsets(%dma_start3A_113 : memref<128xi32, #tpu.memory_space<vmem>>) semaphore(%arg13 : memref<!tpu.dma_semaphore, #tpu.memory_space<semaphore_mem>>)
      } else {
      }
      %add3A_80 = arith.constant 1 : i32
      %add3A_81 = arith.addi %mul3A_44, %add3A_80 : i32
      %mul3A_82 = arith.constant 128 : i32
      %mul3A_83 = arith.muli %add3A_81, %mul3A_82 : i32
      %dma_wait3A_84 = tpu.memref_slice %arg7[%mul3A_83] : memref<10240xi32, #tpu.memory_space<vmem>> -> memref<128xi32, #tpu.memory_space<vmem>>
      %dma_wait3A_85 = arith.constant 0 : i32
      %dma_wait3A_86 = arith.constant 0 : i32
      %dma_wait3A_87 = tpu.memref_slice %arg2[%dma_wait3A_85, %dma_wait3A_86] : memref<10000x128xf32, #tpu.memory_space<hbm>> -> memref<10000x128xf32, #tpu.memory_space<hbm>>
      tpu.wait_indirect_dma semaphore(%arg14 : memref<!tpu.dma_semaphore, #tpu.memory_space<semaphore_mem>>) src(%dma_wait3A_87 : memref<10000x128xf32, #tpu.memory_space<hbm>>) dst(%arg11 : memref<128x128xf32, #tpu.memory_space<vmem>>)
      %add3A_88 = arith.constant 1 : i32
      %add3A_89 = arith.addi %mul3A_44, %add3A_88 : i32
      %mul3A_90 = arith.constant 80 : i32
      %mul3A_91 = arith.muli %add3A, %mul3A_90 : i32
      %add3A_92 = arith.addi %mul3A_91, %add3A_89 : i32
      %mul3A_93 = arith.constant 128 : i32
      %mul3A_94 = arith.muli %add3A_92, %mul3A_93 : i32
      %multiple_of3A_95 = tpu.assume_multiple %mul3A_94, 128 : i32
      %dma_wait3A_96 = tpu.memref_slice %arg4[%multiple_of3A_95] : memref<327680xi32, #tpu.memory_space<hbm>> -> memref<128xi32, #tpu.memory_space<hbm>>
      %dma_wait3A_97 = tpu.memref_slice %arg4[%multiple_of3A_95] : memref<327680xi32, #tpu.memory_space<hbm>> -> memref<128xi32, #tpu.memory_space<hbm>>
      tpu.wait_dma2 semaphore(%arg16 : memref<!tpu.dma_semaphore, #tpu.memory_space<semaphore_mem>>) src(%dma_wait3A_97 : memref<128xi32, #tpu.memory_space<hbm>>) dst(%arg9 : memref<128xi32, #tpu.memory_space<vmem>>)
      "tpu.region"() ({
        %run_scoped3A = tpu.sem_alloc : memref<!tpu.dma_semaphore, #tpu.memory_space<semaphore_mem>>
        %dma_start3A_99 = arith.constant 0 : i32
        %dma_start3A_100 = arith.constant 0 : i32
        %dma_start3A_101 = tpu.memref_slice %arg12[%dma_start3A_99, %dma_start3A_100] : memref<10080x128xf32, #tpu.memory_space<vmem_shared>> -> memref<10080x128xf32, #tpu.memory_space<vmem_shared>>
        tpu.enqueue_indirect_dma source(%arg11 : memref<128x128xf32, #tpu.memory_space<vmem>>) target(%dma_start3A_101 : memref<10080x128xf32, #tpu.memory_space<vmem_shared>>) offsets(%arg9 : memref<128xi32, #tpu.memory_space<vmem>>) semaphore(%run_scoped3A : memref<!tpu.dma_semaphore, #tpu.memory_space<semaphore_mem>>) {add = true}
        %dma_wait3A_102 = arith.constant 0 : i32
        %dma_wait3A_103 = arith.constant 0 : i32
        %dma_wait3A_104 = tpu.memref_slice %arg12[%dma_wait3A_102, %dma_wait3A_103] : memref<10080x128xf32, #tpu.memory_space<vmem_shared>> -> memref<10080x128xf32, #tpu.memory_space<vmem_shared>>
        tpu.wait_indirect_dma semaphore(%run_scoped3A : memref<!tpu.dma_semaphore, #tpu.memory_space<semaphore_mem>>) src(%arg11 : memref<128x128xf32, #tpu.memory_space<vmem>>) dst(%dma_wait3A_104 : memref<10080x128xf32, #tpu.memory_space<vmem_shared>>)
        tpu.yield
      }) : () -> ()
      %scan3A_98 = arith.constant 0 : i32
      scf.yield %scan3A_98 : i32
    }
    %scan3A_32 = arith.constant 40 : i32
    %barrier3A_33 = arith.constant 0 : index
    tpu.barrier barrier_id(%barrier3A_33)
    %scan3A_34 = arith.constant 0 : i32
    %scan3A_35 = arith.constant 0 : i32
    %scan3A_36 = arith.constant 8 : i32
    %scan3A_37 = arith.addi %scan3A_35, %scan3A_36 : i32
    %scan3A_38 = arith.constant 1 : i32
    %scan3A_39 = scf.for %scan3A_41 = %scan3A_35 to %scan3A_37 step %scan3A_38 iter_args(%scan3A_42 = %scan3A_34) -> (i32)  : i32 {
      %mul3A_43 = arith.constant 16 : i32
      %mul3A_44 = arith.muli %scan3A_41, %mul3A_43 : i32
      %add3A_45 = arith.addi %arg1, %mul3A_44 : i32
      %lt3A = arith.constant 125 : i32
      %lt3A_46 = arith.cmpi slt, %add3A_45, %lt3A : i32
      %convert_element_type3A = arith.extui %lt3A_46 : i1 to i32
      %cond3A = arith.constant 0 : i32
      %cond3A_47 = arith.cmpi ne, %convert_element_type3A, %cond3A : i32
      scf.if %cond3A_47 {
        %mul3A_49 = arith.constant 80 : i32
        %mul3A_50 = arith.muli %add3A_45, %mul3A_49 : i32
        %multiple_of3A_51 = tpu.assume_multiple %mul3A_50, 80 : i32
        "tpu.region"() ({
          %run_scoped3A = tpu.sem_alloc : memref<!tpu.dma_semaphore, #tpu.memory_space<semaphore_mem>>
          %dma_start3A_52 = arith.constant 0 : i32
          %dma_start3A_53 = tpu.memref_slice %arg6[%arg0, %multiple_of3A_51, %dma_start3A_52] : memref<2x10000x128xf32, #tpu.memory_space<hbm>> -> memref<1x80x128xf32, #tpu.memory_space<hbm>>
          %dma_start3A_54 = tpu.memref_squeeze %dma_start3A_53 : memref<1x80x128xf32, #tpu.memory_space<hbm>> -> memref<80x128xf32, #tpu.memory_space<hbm>>
          %dma_start3A_55 = arith.constant 0 : i32
          %dma_start3A_56 = tpu.memref_slice %arg12[%multiple_of3A_51, %dma_start3A_55] : memref<10080x128xf32, #tpu.memory_space<vmem_shared>> -> memref<80x128xf32, #tpu.memory_space<vmem_shared>>
          tpu.enqueue_dma source(%dma_start3A_56 : memref<80x128xf32, #tpu.memory_space<vmem_shared>>) target(%dma_start3A_54 : memref<80x128xf32, #tpu.memory_space<hbm>>) target_semaphore(%run_scoped3A : memref<!tpu.dma_semaphore, #tpu.memory_space<semaphore_mem>>)
          %dma_wait3A = arith.constant 0 : i32
          %dma_wait3A_57 = tpu.memref_slice %arg6[%arg0, %multiple_of3A_51, %dma_wait3A] : memref<2x10000x128xf32, #tpu.memory_space<hbm>> -> memref<1x80x128xf32, #tpu.memory_space<hbm>>
          %dma_wait3A_58 = tpu.memref_squeeze %dma_wait3A_57 : memref<1x80x128xf32, #tpu.memory_space<hbm>> -> memref<80x128xf32, #tpu.memory_space<hbm>>
          %dma_wait3A_59 = arith.constant 0 : i32
          %dma_wait3A_60 = tpu.memref_slice %arg12[%multiple_of3A_51, %dma_wait3A_59] : memref<10080x128xf32, #tpu.memory_space<vmem_shared>> -> memref<80x128xf32, #tpu.memory_space<vmem_shared>>
          tpu.wait_dma2 semaphore(%run_scoped3A : memref<!tpu.dma_semaphore, #tpu.memory_space<semaphore_mem>>) src(%dma_wait3A_60 : memref<80x128xf32, #tpu.memory_space<vmem_shared>>) dst(%dma_wait3A_58 : memref<80x128xf32, #tpu.memory_space<hbm>>)
          tpu.yield
        }) : () -> ()
      } else {
      }
      %scan3A_48 = arith.constant 0 : i32
      scf.yield %scan3A_48 : i32
    }
    %scan3A_40 = arith.constant 8 : i32
    return
  }
}

#map = affine_map<(d0, d1) -> (0)>
#map1 = affine_map<(d0, d1) -> (0, 0)>
module attributes {stable_mosaic.version = 14 : i64} {
  func.func @k(%arg0: i32, %arg1: i32, %arg2: memref<10000xi32, #tpu.memory_space<hbm>>, %arg3: memref<1000x128xf32, #tpu.memory_space<hbm>>, %arg4: memref<10000x128xf32, #tpu.memory_space<hbm>>, %arg5: memref<80xi32, #tpu.memory_space<vmem>>, %arg6: memref<80x128xf32, #tpu.memory_space<vmem>>, %arg7: memref<!tpu.dma_semaphore, #tpu.memory_space<semaphore_mem>>) attributes {dimension_semantics = [#tpu.dimension_semantics<core_parallel>, #tpu.dimension_semantics<subcore_parallel>], iteration_bounds = array<i64: 2, 16>, scalar_prefetch = 0 : i64, scratch_operands = 3 : i64, tpu.core_type = #tpu.core_type<sc_vector_subcore>, window_params = [{transform_indices = #map}, {transform_indices = #map1}, {transform_indices = #map1}]} {
    %mul3A = arith.constant 2 : i32
    %mul3A_0 = arith.muli %arg1, %mul3A : i32
    %add3A = arith.addi %mul3A_0, %arg0 : i32
    %scan3A = arith.constant 0 : i32
    %scan3A_1 = arith.constant 0 : i32
    %scan3A_2 = arith.constant 4 : i32
    %scan3A_3 = arith.addi %scan3A_1, %scan3A_2 : i32
    %scan3A_4 = arith.constant 1 : i32
    %scan3A_5 = scf.for %scan3A_7 = %scan3A_1 to %scan3A_3 step %scan3A_4 iter_args(%scan3A_8 = %scan3A) -> (i32)  : i32 {
      %mul3A_9 = arith.constant 32 : i32
      %mul3A_10 = arith.muli %scan3A_7, %mul3A_9 : i32
      %add3A_11 = arith.addi %add3A, %mul3A_10 : i32
      %lt3A = arith.constant 125 : i32
      %lt3A_12 = arith.cmpi slt, %add3A_11, %lt3A : i32
      %convert_element_type3A = arith.extui %lt3A_12 : i1 to i32
      %cond3A = arith.constant 0 : i32
      %cond3A_13 = arith.cmpi ne, %convert_element_type3A, %cond3A : i32
      scf.if %cond3A_13 {
        %mul3A_15 = arith.constant 80 : i32
        %mul3A_16 = arith.muli %add3A_11, %mul3A_15 : i32
        %multiple_of3A = tpu.assume_multiple %mul3A_16, 80 : i32
        "tpu.region"() ({
          %run_scoped3A = tpu.sem_alloc : memref<!tpu.dma_semaphore, #tpu.memory_space<semaphore_mem>>
          %dma_start3A_21 = tpu.memref_slice %arg2[%multiple_of3A] : memref<10000xi32, #tpu.memory_space<hbm>> -> memref<80xi32, #tpu.memory_space<hbm>>
          %dma_start3A_22 = tpu.memref_slice %arg2[%multiple_of3A] : memref<10000xi32, #tpu.memory_space<hbm>> -> memref<80xi32, #tpu.memory_space<hbm>>
          tpu.enqueue_dma source(%dma_start3A_22 : memref<80xi32, #tpu.memory_space<hbm>>) target(%arg5 : memref<80xi32, #tpu.memory_space<vmem>>) target_semaphore(%run_scoped3A : memref<!tpu.dma_semaphore, #tpu.memory_space<semaphore_mem>>)
          %dma_wait3A_23 = tpu.memref_slice %arg2[%multiple_of3A] : memref<10000xi32, #tpu.memory_space<hbm>> -> memref<80xi32, #tpu.memory_space<hbm>>
          %dma_wait3A_24 = tpu.memref_slice %arg2[%multiple_of3A] : memref<10000xi32, #tpu.memory_space<hbm>> -> memref<80xi32, #tpu.memory_space<hbm>>
          tpu.wait_dma2 semaphore(%run_scoped3A : memref<!tpu.dma_semaphore, #tpu.memory_space<semaphore_mem>>) src(%dma_wait3A_24 : memref<80xi32, #tpu.memory_space<hbm>>) dst(%arg5 : memref<80xi32, #tpu.memory_space<vmem>>)
          tpu.yield
        }) : () -> ()
        %dma_start3A = arith.constant 0 : i32
        %dma_start3A_17 = arith.constant 0 : i32
        %dma_start3A_18 = tpu.memref_slice %arg3[%dma_start3A, %dma_start3A_17] : memref<1000x128xf32, #tpu.memory_space<hbm>> -> memref<1000x128xf32, #tpu.memory_space<hbm>>
        tpu.enqueue_indirect_dma source(%dma_start3A_18 : memref<1000x128xf32, #tpu.memory_space<hbm>>) target(%arg6 : memref<80x128xf32, #tpu.memory_space<vmem>>) offsets(%arg5 : memref<80xi32, #tpu.memory_space<vmem>>) semaphore(%arg7 : memref<!tpu.dma_semaphore, #tpu.memory_space<semaphore_mem>>)
        %dma_wait3A = arith.constant 0 : i32
        %dma_wait3A_19 = arith.constant 0 : i32
        %dma_wait3A_20 = tpu.memref_slice %arg3[%dma_wait3A, %dma_wait3A_19] : memref<1000x128xf32, #tpu.memory_space<hbm>> -> memref<1000x128xf32, #tpu.memory_space<hbm>>
        tpu.wait_indirect_dma semaphore(%arg7 : memref<!tpu.dma_semaphore, #tpu.memory_space<semaphore_mem>>) src(%dma_wait3A_20 : memref<1000x128xf32, #tpu.memory_space<hbm>>) dst(%arg6 : memref<80x128xf32, #tpu.memory_space<vmem>>)
        "tpu.region"() ({
          %run_scoped3A = tpu.sem_alloc : memref<!tpu.dma_semaphore, #tpu.memory_space<semaphore_mem>>
          %dma_start3A_21 = arith.constant 0 : i32
          %dma_start3A_22 = tpu.memref_slice %arg4[%multiple_of3A, %dma_start3A_21] : memref<10000x128xf32, #tpu.memory_space<hbm>> -> memref<80x128xf32, #tpu.memory_space<hbm>>
          %dma_start3A_23 = arith.constant 0 : i32
          %dma_start3A_24 = tpu.memref_slice %arg4[%multiple_of3A, %dma_start3A_23] : memref<10000x128xf32, #tpu.memory_space<hbm>> -> memref<80x128xf32, #tpu.memory_space<hbm>>
          tpu.enqueue_dma source(%arg6 : memref<80x128xf32, #tpu.memory_space<vmem>>) target(%dma_start3A_24 : memref<80x128xf32, #tpu.memory_space<hbm>>) target_semaphore(%run_scoped3A : memref<!tpu.dma_semaphore, #tpu.memory_space<semaphore_mem>>)
          %dma_wait3A_25 = arith.constant 0 : i32
          %dma_wait3A_26 = tpu.memref_slice %arg4[%multiple_of3A, %dma_wait3A_25] : memref<10000x128xf32, #tpu.memory_space<hbm>> -> memref<80x128xf32, #tpu.memory_space<hbm>>
          %dma_wait3A_27 = arith.constant 0 : i32
          %dma_wait3A_28 = tpu.memref_slice %arg4[%multiple_of3A, %dma_wait3A_27] : memref<10000x128xf32, #tpu.memory_space<hbm>> -> memref<80x128xf32, #tpu.memory_space<hbm>>
          tpu.wait_dma2 semaphore(%run_scoped3A : memref<!tpu.dma_semaphore, #tpu.memory_space<semaphore_mem>>) src(%arg6 : memref<80x128xf32, #tpu.memory_space<vmem>>) dst(%dma_wait3A_28 : memref<80x128xf32, #tpu.memory_space<hbm>>)
          tpu.yield
        }) : () -> ()
      } else {
      }
      %scan3A_14 = arith.constant 0 : i32
      scf.yield %scan3A_14 : i32
    }
    %scan3A_6 = arith.constant 4 : i32
    return
  }
}

#map = affine_map<(d0, d1) -> (0, 0)>
#map1 = affine_map<(d0, d1) -> (0)>
#map2 = affine_map<(d0, d1) -> (0, 0, 0)>
module attributes {stable_mosaic.version = 14 : i64} {
  func.func @k(%arg0: i32, %arg1: i32, %arg2: memref<10000x128xf32, #tpu.memory_space<hbm>>, %arg3: memref<327680xi32, #tpu.memory_space<hbm>>, %arg4: memref<327680xi32, #tpu.memory_space<hbm>>, %arg5: memref<10080x128xf32, #tpu.memory_space<hbm>>, %arg6: memref<2x10000x128xf32, #tpu.memory_space<hbm>>, %arg7: memref<10240xi32, #tpu.memory_space<vmem>>, %arg8: memref<128xi32, #tpu.memory_space<vmem>>, %arg9: memref<128xi32, #tpu.memory_space<vmem>>, %arg10: memref<128x128xf32, #tpu.memory_space<vmem>>, %arg11: memref<128x128xf32, #tpu.memory_space<vmem>>, %arg12: memref<10080x128xf32, #tpu.memory_space<vmem_shared>>, %arg13: memref<!tpu.dma_semaphore, #tpu.memory_space<semaphore_mem>>, %arg14: memref<!tpu.dma_semaphore, #tpu.memory_space<semaphore_mem>>, %arg15: memref<!tpu.dma_semaphore, #tpu.memory_space<semaphore_mem>>, %arg16: memref<!tpu.dma_semaphore, #tpu.memory_space<semaphore_mem>>) attributes {dimension_semantics = [#tpu.dimension_semantics<core_parallel>, #tpu.dimension_semantics<subcore_parallel>], iteration_bounds = array<i64: 2, 16>, scalar_prefetch = 0 : i64, scratch_operands = 10 : i64, tpu.core_type = #tpu.core_type<sc_vector_subcore>, window_params = [{transform_indices = #map}, {transform_indices = #map1}, {transform_indices = #map1}, {transform_indices = #map}, {transform_indices = #map2}]} {
    %mul3A = arith.constant 2 : i32
    %mul3A_0 = arith.muli %arg1, %mul3A : i32
    %add3A = arith.addi %mul3A_0, %arg0 : i32
    %scan3A = arith.constant 0 : i32
    %scan3A_1 = arith.constant 0 : i32
    %scan3A_2 = arith.constant 8 : i32
    %scan3A_3 = arith.addi %scan3A_1, %scan3A_2 : i32
    %scan3A_4 = arith.constant 1 : i32
    %scan3A_5 = scf.for %scan3A_41 = %scan3A_1 to %scan3A_3 step %scan3A_4 iter_args(%scan3A_42 = %scan3A) -> (i32)  : i32 {
      %mul3A_43 = arith.constant 16 : i32
      %mul3A_44 = arith.muli %scan3A_41, %mul3A_43 : i32
      %add3A_45 = arith.addi %arg1, %mul3A_44 : i32
      %lt3A = arith.constant 126 : i32
      %lt3A_46 = arith.cmpi slt, %add3A_45, %lt3A : i32
      %convert_element_type3A = arith.extui %lt3A_46 : i1 to i32
      %cond3A = arith.constant 0 : i32
      %cond3A_47 = arith.cmpi ne, %convert_element_type3A, %cond3A : i32
      scf.if %cond3A_47 {
        %mul3A_49 = arith.constant 80 : i32
        %mul3A_50 = arith.muli %add3A_45, %mul3A_49 : i32
        %multiple_of3A_51 = tpu.assume_multiple %mul3A_50, 80 : i32
        "tpu.region"() ({
          %run_scoped3A = tpu.sem_alloc : memref<!tpu.dma_semaphore, #tpu.memory_space<semaphore_mem>>
          %dma_start3A_52 = arith.constant 0 : i32
          %dma_start3A_53 = tpu.memref_slice %arg12[%multiple_of3A_51, %dma_start3A_52] : memref<10080x128xf32, #tpu.memory_space<vmem_shared>> -> memref<80x128xf32, #tpu.memory_space<vmem_shared>>
          %dma_start3A_54 = arith.constant 0 : i32
          %dma_start3A_55 = tpu.memref_slice %arg5[%multiple_of3A_51, %dma_start3A_54] : memref<10080x128xf32, #tpu.memory_space<hbm>> -> memref<80x128xf32, #tpu.memory_space<hbm>>
          tpu.enqueue_dma source(%dma_start3A_55 : memref<80x128xf32, #tpu.memory_space<hbm>>) target(%dma_start3A_53 : memref<80x128xf32, #tpu.memory_space<vmem_shared>>) target_semaphore(%run_scoped3A : memref<!tpu.dma_semaphore, #tpu.memory_space<semaphore_mem>>)
          %dma_wait3A = arith.constant 0 : i32
          %dma_wait3A_56 = tpu.memref_slice %arg12[%multiple_of3A_51, %dma_wait3A] : memref<10080x128xf32, #tpu.memory_space<vmem_shared>> -> memref<80x128xf32, #tpu.memory_space<vmem_shared>>
          %dma_wait3A_57 = arith.constant 0 : i32
          %dma_wait3A_58 = tpu.memref_slice %arg5[%multiple_of3A_51, %dma_wait3A_57] : memref<10080x128xf32, #tpu.memory_space<hbm>> -> memref<80x128xf32, #tpu.memory_space<hbm>>
          tpu.wait_dma2 semaphore(%run_scoped3A : memref<!tpu.dma_semaphore, #tpu.memory_space<semaphore_mem>>) src(%dma_wait3A_58 : memref<80x128xf32, #tpu.memory_space<hbm>>) dst(%dma_wait3A_56 : memref<80x128xf32, #tpu.memory_space<vmem_shared>>)
          tpu.yield
        }) : () -> ()
      } else {
      }
      %scan3A_48 = arith.constant 0 : i32
      scf.yield %scan3A_48 : i32
    }
    %scan3A_6 = arith.constant 8 : i32
    %mul3A_7 = arith.constant 80 : i32
    %mul3A_8 = arith.muli %add3A, %mul3A_7 : i32
    %add3A_9 = arith.constant 0 : i32
    %add3A_10 = arith.addi %mul3A_8, %add3A_9 : i32
    %mul3A_11 = arith.constant 128 : i32
    %mul3A_12 = arith.muli %add3A_10, %mul3A_11 : i32
    %multiple_of3A = tpu.assume_multiple %mul3A_12, 128 : i32
    "tpu.region"() ({
      %run_scoped3A = tpu.sem_alloc : memref<!tpu.dma_semaphore, #tpu.memory_space<semaphore_mem>>
      %dma_start3A_41 = tpu.memref_slice %arg3[%multiple_of3A] : memref<327680xi32, #tpu.memory_space<hbm>> -> memref<10240xi32, #tpu.memory_space<hbm>>
      %dma_start3A_42 = tpu.memref_slice %arg3[%multiple_of3A] : memref<327680xi32, #tpu.memory_space<hbm>> -> memref<10240xi32, #tpu.memory_space<hbm>>
      tpu.enqueue_dma source(%dma_start3A_42 : memref<10240xi32, #tpu.memory_space<hbm>>) target(%arg7 : memref<10240xi32, #tpu.memory_space<vmem>>) target_semaphore(%run_scoped3A : memref<!tpu.dma_semaphore, #tpu.memory_space<semaphore_mem>>)
      %dma_wait3A = tpu.memref_slice %arg3[%multiple_of3A] : memref<327680xi32, #tpu.memory_space<hbm>> -> memref<10240xi32, #tpu.memory_space<hbm>>
      %dma_wait3A_43 = tpu.memref_slice %arg3[%multiple_of3A] : memref<327680xi32, #tpu.memory_space<hbm>> -> memref<10240xi32, #tpu.memory_space<hbm>>
      tpu.wait_dma2 semaphore(%run_scoped3A : memref<!tpu.dma_semaphore, #tpu.memory_space<semaphore_mem>>) src(%dma_wait3A_43 : memref<10240xi32, #tpu.memory_space<hbm>>) dst(%arg7 : memref<10240xi32, #tpu.memory_space<vmem>>)
      tpu.yield
    }) : () -> ()
    %barrier3A = arith.constant 0 : index
    tpu.barrier barrier_id(%barrier3A)
    %mul3A_13 = arith.constant 80 : i32
    %mul3A_14 = arith.muli %add3A, %mul3A_13 : i32
    %add3A_15 = arith.constant 0 : i32
    %add3A_16 = arith.addi %mul3A_14, %add3A_15 : i32
    %mul3A_17 = arith.constant 128 : i32
    %mul3A_18 = arith.muli %add3A_16, %mul3A_17 : i32
    %multiple_of3A_19 = tpu.assume_multiple %mul3A_18, 128 : i32
    %dma_start3A = tpu.memref_slice %arg4[%multiple_of3A_19] : memref<327680xi32, #tpu.memory_space<hbm>> -> memref<128xi32, #tpu.memory_space<hbm>>
    %dma_start3A_20 = tpu.memref_slice %arg4[%multiple_of3A_19] : memref<327680xi32, #tpu.memory_space<hbm>> -> memref<128xi32, #tpu.memory_space<hbm>>
    tpu.enqueue_dma source(%dma_start3A_20 : memref<128xi32, #tpu.memory_space<hbm>>) target(%arg8 : memref<128xi32, #tpu.memory_space<vmem>>) target_semaphore(%arg15 : memref<!tpu.dma_semaphore, #tpu.memory_space<semaphore_mem>>)
    %dma_start3A_21 = arith.constant 0 : i32
    %dma_start3A_22 = tpu.memref_slice %arg7[%dma_start3A_21] : memref<10240xi32, #tpu.memory_space<vmem>> -> memref<128xi32, #tpu.memory_space<vmem>>
    %dma_start3A_23 = arith.constant 0 : i32
    %dma_start3A_24 = arith.constant 0 : i32
    %dma_start3A_25 = tpu.memref_slice %arg2[%dma_start3A_23, %dma_start3A_24] : memref<10000x128xf32, #tpu.memory_space<hbm>> -> memref<10000x128xf32, #tpu.memory_space<hbm>>
    tpu.enqueue_indirect_dma source(%dma_start3A_25 : memref<10000x128xf32, #tpu.memory_space<hbm>>) target(%arg10 : memref<128x128xf32, #tpu.memory_space<vmem>>) offsets(%dma_start3A_22 : memref<128xi32, #tpu.memory_space<vmem>>) semaphore(%arg13 : memref<!tpu.dma_semaphore, #tpu.memory_space<semaphore_mem>>)
    %scan3A_26 = arith.constant 0 : i32
    %scan3A_27 = arith.constant 0 : i32
    %scan3A_28 = arith.constant 40 : i32
    %scan3A_29 = arith.addi %scan3A_27, %scan3A_28 : i32
    %scan3A_30 = arith.constant 1 : i32
    %scan3A_31 = scf.for %scan3A_41 = %scan3A_27 to %scan3A_29 step %scan3A_30 iter_args(%scan3A_42 = %scan3A_26) -> (i32)  : i32 {
      %mul3A_43 = arith.constant 2 : i32
      %mul3A_44 = arith.muli %scan3A_41, %mul3A_43 : i32
      %add3A_45 = arith.constant 1 : i32
      %add3A_46 = arith.addi %mul3A_44, %add3A_45 : i32
      %mul3A_47 = arith.constant 80 : i32
      %mul3A_48 = arith.muli %add3A, %mul3A_47 : i32
      %add3A_49 = arith.addi %mul3A_48, %add3A_46 : i32
      %mul3A_50 = arith.constant 128 : i32
      %mul3A_51 = arith.muli %add3A_49, %mul3A_50 : i32
      %multiple_of3A_52 = tpu.assume_multiple %mul3A_51, 128 : i32
      %dma_start3A_53 = tpu.memref_slice %arg4[%multiple_of3A_52] : memref<327680xi32, #tpu.memory_space<hbm>> -> memref<128xi32, #tpu.memory_space<hbm>>
      %dma_start3A_54 = tpu.memref_slice %arg4[%multiple_of3A_52] : memref<327680xi32, #tpu.memory_space<hbm>> -> memref<128xi32, #tpu.memory_space<hbm>>
      tpu.enqueue_dma source(%dma_start3A_54 : memref<128xi32, #tpu.memory_space<hbm>>) target(%arg9 : memref<128xi32, #tpu.memory_space<vmem>>) target_semaphore(%arg16 : memref<!tpu.dma_semaphore, #tpu.memory_space<semaphore_mem>>)
      %add3A_55 = arith.constant 1 : i32
      %add3A_56 = arith.addi %mul3A_44, %add3A_55 : i32
      %mul3A_57 = arith.constant 128 : i32
      %mul3A_58 = arith.muli %add3A_56, %mul3A_57 : i32
      %dma_start3A_59 = tpu.memref_slice %arg7[%mul3A_58] : memref<10240xi32, #tpu.memory_space<vmem>> -> memref<128xi32, #tpu.memory_space<vmem>>
      %dma_start3A_60 = arith.constant 0 : i32
      %dma_start3A_61 = arith.constant 0 : i32
      %dma_start3A_62 = tpu.memref_slice %arg2[%dma_start3A_60, %dma_start3A_61] : memref<10000x128xf32, #tpu.memory_space<hbm>> -> memref<10000x128xf32, #tpu.memory_space<hbm>>
      tpu.enqueue_indirect_dma source(%dma_start3A_62 : memref<10000x128xf32, #tpu.memory_space<hbm>>) target(%arg11 : memref<128x128xf32, #tpu.memory_space<vmem>>) offsets(%dma_start3A_59 : memref<128xi32, #tpu.memory_space<vmem>>) semaphore(%arg14 : memref<!tpu.dma_semaphore, #tpu.memory_space<semaphore_mem>>)
      %mul3A_63 = arith.constant 128 : i32
      %mul3A_64 = arith.muli %mul3A_44, %mul3A_63 : i32
      %dma_wait3A = tpu.memref_slice %arg7[%mul3A_64] : memref<10240xi32, #tpu.memory_space<vmem>> -> memref<128xi32, #tpu.memory_space<vmem>>
      %dma_wait3A_65 = arith.constant 0 : i32
      %dma_wait3A_66 = arith.constant 0 : i32
      %dma_wait3A_67 = tpu.memref_slice %arg2[%dma_wait3A_65, %dma_wait3A_66] : memref<10000x128xf32, #tpu.memory_space<hbm>> -> memref<10000x128xf32, #tpu.memory_space<hbm>>
      tpu.wait_indirect_dma semaphore(%arg13 : memref<!tpu.dma_semaphore, #tpu.memory_space<semaphore_mem>>) src(%dma_wait3A_67 : memref<10000x128xf32, #tpu.memory_space<hbm>>) dst(%arg10 : memref<128x128xf32, #tpu.memory_space<vmem>>)
      %mul3A_68 = arith.constant 80 : i32
      %mul3A_69 = arith.muli %add3A, %mul3A_68 : i32
      %add3A_70 = arith.addi %mul3A_69, %mul3A_44 : i32
      %mul3A_71 = arith.constant 128 : i32
      %mul3A_72 = arith.muli %add3A_70, %mul3A_71 : i32
      %multiple_of3A_73 = tpu.assume_multiple %mul3A_72, 128 : i32
      %dma_wait3A_74 = tpu.memref_slice %arg4[%multiple_of3A_73] : memref<327680xi32, #tpu.memory_space<hbm>> -> memref<128xi32, #tpu.memory_space<hbm>>
      %dma_wait3A_75 = tpu.memref_slice %arg4[%multiple_of3A_73] : memref<327680xi32, #tpu.memory_space<hbm>> -> memref<128xi32, #tpu.memory_space<hbm>>
      tpu.wait_dma2 semaphore(%arg15 : memref<!tpu.dma_semaphore, #tpu.memory_space<semaphore_mem>>) src(%dma_wait3A_75 : memref<128xi32, #tpu.memory_space<hbm>>) dst(%arg8 : memref<128xi32, #tpu.memory_space<vmem>>)
      "tpu.region"() ({
        %run_scoped3A = tpu.sem_alloc : memref<!tpu.dma_semaphore, #tpu.memory_space<semaphore_mem>>
        %dma_start3A_99 = arith.constant 0 : i32
        %dma_start3A_100 = arith.constant 0 : i32
        %dma_start3A_101 = tpu.memref_slice %arg12[%dma_start3A_99, %dma_start3A_100] : memref<10080x128xf32, #tpu.memory_space<vmem_shared>> -> memref<10080x128xf32, #tpu.memory_space<vmem_shared>>
        tpu.enqueue_indirect_dma source(%arg10 : memref<128x128xf32, #tpu.memory_space<vmem>>) target(%dma_start3A_101 : memref<10080x128xf32, #tpu.memory_space<vmem_shared>>) offsets(%arg8 : memref<128xi32, #tpu.memory_space<vmem>>) semaphore(%run_scoped3A : memref<!tpu.dma_semaphore, #tpu.memory_space<semaphore_mem>>) {add = true}
        %dma_wait3A_102 = arith.constant 0 : i32
        %dma_wait3A_103 = arith.constant 0 : i32
        %dma_wait3A_104 = tpu.memref_slice %arg12[%dma_wait3A_102, %dma_wait3A_103] : memref<10080x128xf32, #tpu.memory_space<vmem_shared>> -> memref<10080x128xf32, #tpu.memory_space<vmem_shared>>
        tpu.wait_indirect_dma semaphore(%run_scoped3A : memref<!tpu.dma_semaphore, #tpu.memory_space<semaphore_mem>>) src(%arg10 : memref<128x128xf32, #tpu.memory_space<vmem>>) dst(%dma_wait3A_104 : memref<10080x128xf32, #tpu.memory_space<vmem_shared>>)
        tpu.yield
      }) : () -> ()
      %add3A_76 = arith.constant 1 : i32
      %add3A_77 = arith.addi %scan3A_41, %add3A_76 : i32
      %lt3A = arith.constant 40 : i32
      %lt3A_78 = arith.cmpi slt, %add3A_77, %lt3A : i32
      %convert_element_type3A = arith.extui %lt3A_78 : i1 to i32
      %cond3A = arith.constant 0 : i32
      %cond3A_79 = arith.cmpi ne, %convert_element_type3A, %cond3A : i32
      scf.if %cond3A_79 {
        %add3A_99 = arith.constant 2 : i32
        %add3A_100 = arith.addi %mul3A_44, %add3A_99 : i32
        %mul3A_101 = arith.constant 80 : i32
        %mul3A_102 = arith.muli %add3A, %mul3A_101 : i32
        %add3A_103 = arith.addi %mul3A_102, %add3A_100 : i32
        %mul3A_104 = arith.constant 128 : i32
        %mul3A_105 = arith.muli %add3A_103, %mul3A_104 : i32
        %multiple_of3A_106 = tpu.assume_multiple %mul3A_105, 128 : i32
        %dma_start3A_107 = tpu.memref_slice %arg4[%multiple_of3A_106] : memref<327680xi32, #tpu.memory_space<hbm>> -> memref<128xi32, #tpu.memory_space<hbm>>
        %dma_start3A_108 = tpu.memref_slice %arg4[%multiple_of3A_106] : memref<327680xi32, #tpu.memory_space<hbm>> -> memref<128xi32, #tpu.memory_space<hbm>>
        tpu.enqueue_dma source(%dma_start3A_108 : memref<128xi32, #tpu.memory_space<hbm>>) target(%arg8 : memref<128xi32, #tpu.memory_space<vmem>>) target_semaphore(%arg15 : memref<!tpu.dma_semaphore, #tpu.memory_space<semaphore_mem>>)
        %add3A_109 = arith.constant 2 : i32
        %add3A_110 = arith.addi %mul3A_44, %add3A_109 : i32
        %mul3A_111 = arith.constant 128 : i32
        %mul3A_112 = arith.muli %add3A_110, %mul3A_111 : i32
        %dma_start3A_113 = tpu.memref_slice %arg7[%mul3A_112] : memref<10240xi32, #tpu.memory_space<vmem>> -> memref<128xi32, #tpu.memory_space<vmem>>
        %dma_start3A_114 = arith.constant 0 : i32
        %dma_start3A_115 = arith.constant 0 : i32
        %dma_start3A_116 = tpu.memref_slice %arg2[%dma_start3A_114, %dma_start3A_115] : memref<10000x128xf32, #tpu.memory_space<hbm>> -> memref<10000x128xf32, #tpu.memory_space<hbm>>
        tpu.enqueue_indirect_dma source(%dma_start3A_116 : memref<10000x128xf32, #tpu.memory_space<hbm>>) target(%arg10 : memref<128x128xf32, #tpu.memory_space<vmem>>) offsets(%dma_start3A_113 : memref<128xi32, #tpu.memory_space<vmem>>) semaphore(%arg13 : memref<!tpu.dma_semaphore, #tpu.memory_space<semaphore_mem>>)
      } else {
      }
      %add3A_80 = arith.constant 1 : i32
      %add3A_81 = arith.addi %mul3A_44, %add3A_80 : i32
      %mul3A_82 = arith.constant 128 : i32
      %mul3A_83 = arith.muli %add3A_81, %mul3A_82 : i32
      %dma_wait3A_84 = tpu.memref_slice %arg7[%mul3A_83] : memref<10240xi32, #tpu.memory_space<vmem>> -> memref<128xi32, #tpu.memory_space<vmem>>
      %dma_wait3A_85 = arith.constant 0 : i32
      %dma_wait3A_86 = arith.constant 0 : i32
      %dma_wait3A_87 = tpu.memref_slice %arg2[%dma_wait3A_85, %dma_wait3A_86] : memref<10000x128xf32, #tpu.memory_space<hbm>> -> memref<10000x128xf32, #tpu.memory_space<hbm>>
      tpu.wait_indirect_dma semaphore(%arg14 : memref<!tpu.dma_semaphore, #tpu.memory_space<semaphore_mem>>) src(%dma_wait3A_87 : memref<10000x128xf32, #tpu.memory_space<hbm>>) dst(%arg11 : memref<128x128xf32, #tpu.memory_space<vmem>>)
      %add3A_88 = arith.constant 1 : i32
      %add3A_89 = arith.addi %mul3A_44, %add3A_88 : i32
      %mul3A_90 = arith.constant 80 : i32
      %mul3A_91 = arith.muli %add3A, %mul3A_90 : i32
      %add3A_92 = arith.addi %mul3A_91, %add3A_89 : i32
      %mul3A_93 = arith.constant 128 : i32
      %mul3A_94 = arith.muli %add3A_92, %mul3A_93 : i32
      %multiple_of3A_95 = tpu.assume_multiple %mul3A_94, 128 : i32
      %dma_wait3A_96 = tpu.memref_slice %arg4[%multiple_of3A_95] : memref<327680xi32, #tpu.memory_space<hbm>> -> memref<128xi32, #tpu.memory_space<hbm>>
      %dma_wait3A_97 = tpu.memref_slice %arg4[%multiple_of3A_95] : memref<327680xi32, #tpu.memory_space<hbm>> -> memref<128xi32, #tpu.memory_space<hbm>>
      tpu.wait_dma2 semaphore(%arg16 : memref<!tpu.dma_semaphore, #tpu.memory_space<semaphore_mem>>) src(%dma_wait3A_97 : memref<128xi32, #tpu.memory_space<hbm>>) dst(%arg9 : memref<128xi32, #tpu.memory_space<vmem>>)
      "tpu.region"() ({
        %run_scoped3A = tpu.sem_alloc : memref<!tpu.dma_semaphore, #tpu.memory_space<semaphore_mem>>
        %dma_start3A_99 = arith.constant 0 : i32
        %dma_start3A_100 = arith.constant 0 : i32
        %dma_start3A_101 = tpu.memref_slice %arg12[%dma_start3A_99, %dma_start3A_100] : memref<10080x128xf32, #tpu.memory_space<vmem_shared>> -> memref<10080x128xf32, #tpu.memory_space<vmem_shared>>
        tpu.enqueue_indirect_dma source(%arg11 : memref<128x128xf32, #tpu.memory_space<vmem>>) target(%dma_start3A_101 : memref<10080x128xf32, #tpu.memory_space<vmem_shared>>) offsets(%arg9 : memref<128xi32, #tpu.memory_space<vmem>>) semaphore(%run_scoped3A : memref<!tpu.dma_semaphore, #tpu.memory_space<semaphore_mem>>) {add = true}
        %dma_wait3A_102 = arith.constant 0 : i32
        %dma_wait3A_103 = arith.constant 0 : i32
        %dma_wait3A_104 = tpu.memref_slice %arg12[%dma_wait3A_102, %dma_wait3A_103] : memref<10080x128xf32, #tpu.memory_space<vmem_shared>> -> memref<10080x128xf32, #tpu.memory_space<vmem_shared>>
        tpu.wait_indirect_dma semaphore(%run_scoped3A : memref<!tpu.dma_semaphore, #tpu.memory_space<semaphore_mem>>) src(%arg11 : memref<128x128xf32, #tpu.memory_space<vmem>>) dst(%dma_wait3A_104 : memref<10080x128xf32, #tpu.memory_space<vmem_shared>>)
        tpu.yield
      }) : () -> ()
      %scan3A_98 = arith.constant 0 : i32
      scf.yield %scan3A_98 : i32
    }
    %scan3A_32 = arith.constant 40 : i32
    %barrier3A_33 = arith.constant 0 : index
    tpu.barrier barrier_id(%barrier3A_33)
    %scan3A_34 = arith.constant 0 : i32
    %scan3A_35 = arith.constant 0 : i32
    %scan3A_36 = arith.constant 8 : i32
    %scan3A_37 = arith.addi %scan3A_35, %scan3A_36 : i32
    %scan3A_38 = arith.constant 1 : i32
    %scan3A_39 = scf.for %scan3A_41 = %scan3A_35 to %scan3A_37 step %scan3A_38 iter_args(%scan3A_42 = %scan3A_34) -> (i32)  : i32 {
      %mul3A_43 = arith.constant 16 : i32
      %mul3A_44 = arith.muli %scan3A_41, %mul3A_43 : i32
      %add3A_45 = arith.addi %arg1, %mul3A_44 : i32
      %lt3A = arith.constant 125 : i32
      %lt3A_46 = arith.cmpi slt, %add3A_45, %lt3A : i32
      %convert_element_type3A = arith.extui %lt3A_46 : i1 to i32
      %cond3A = arith.constant 0 : i32
      %cond3A_47 = arith.cmpi ne, %convert_element_type3A, %cond3A : i32
      scf.if %cond3A_47 {
        %mul3A_49 = arith.constant 80 : i32
        %mul3A_50 = arith.muli %add3A_45, %mul3A_49 : i32
        %multiple_of3A_51 = tpu.assume_multiple %mul3A_50, 80 : i32
        "tpu.region"() ({
          %run_scoped3A = tpu.sem_alloc : memref<!tpu.dma_semaphore, #tpu.memory_space<semaphore_mem>>
          %dma_start3A_52 = arith.constant 0 : i32
          %dma_start3A_53 = tpu.memref_slice %arg6[%arg0, %multiple_of3A_51, %dma_start3A_52] : memref<2x10000x128xf32, #tpu.memory_space<hbm>> -> memref<1x80x128xf32, #tpu.memory_space<hbm>>
          %dma_start3A_54 = tpu.memref_squeeze %dma_start3A_53 : memref<1x80x128xf32, #tpu.memory_space<hbm>> -> memref<80x128xf32, #tpu.memory_space<hbm>>
          %dma_start3A_55 = arith.constant 0 : i32
          %dma_start3A_56 = tpu.memref_slice %arg12[%multiple_of3A_51, %dma_start3A_55] : memref<10080x128xf32, #tpu.memory_space<vmem_shared>> -> memref<80x128xf32, #tpu.memory_space<vmem_shared>>
          tpu.enqueue_dma source(%dma_start3A_56 : memref<80x128xf32, #tpu.memory_space<vmem_shared>>) target(%dma_start3A_54 : memref<80x128xf32, #tpu.memory_space<hbm>>) target_semaphore(%run_scoped3A : memref<!tpu.dma_semaphore, #tpu.memory_space<semaphore_mem>>)
          %dma_wait3A = arith.constant 0 : i32
          %dma_wait3A_57 = tpu.memref_slice %arg6[%arg0, %multiple_of3A_51, %dma_wait3A] : memref<2x10000x128xf32, #tpu.memory_space<hbm>> -> memref<1x80x128xf32, #tpu.memory_space<hbm>>
          %dma_wait3A_58 = tpu.memref_squeeze %dma_wait3A_57 : memref<1x80x128xf32, #tpu.memory_space<hbm>> -> memref<80x128xf32, #tpu.memory_space<hbm>>
          %dma_wait3A_59 = arith.constant 0 : i32
          %dma_wait3A_60 = tpu.memref_slice %arg12[%multiple_of3A_51, %dma_wait3A_59] : memref<10080x128xf32, #tpu.memory_space<vmem_shared>> -> memref<80x128xf32, #tpu.memory_space<vmem_shared>>
          tpu.wait_dma2 semaphore(%run_scoped3A : memref<!tpu.dma_semaphore, #tpu.memory_space<semaphore_mem>>) src(%dma_wait3A_60 : memref<80x128xf32, #tpu.memory_space<vmem_shared>>) dst(%dma_wait3A_58 : memref<80x128xf32, #tpu.memory_space<hbm>>)
          tpu.yield
        }) : () -> ()
      } else {
      }
      %scan3A_48 = arith.constant 0 : i32
      scf.yield %scan3A_48 : i32
    }
    %scan3A_40 = arith.constant 8 : i32
    return
  }
}

#map = affine_map<(d0, d1) -> (0, 0)>
#map1 = affine_map<(d0, d1) -> (0)>
#map2 = affine_map<(d0, d1) -> (0, 0, 0)>
module attributes {stable_mosaic.version = 14 : i64} {
  func.func @k(%arg0: i32, %arg1: i32, %arg2: memref<10000x128xf32, #tpu.memory_space<hbm>>, %arg3: memref<327680xi32, #tpu.memory_space<hbm>>, %arg4: memref<327680xi32, #tpu.memory_space<hbm>>, %arg5: memref<10080x128xf32, #tpu.memory_space<hbm>>, %arg6: memref<2x10000x128xf32, #tpu.memory_space<hbm>>, %arg7: memref<10240xi32, #tpu.memory_space<vmem>>, %arg8: memref<128xi32, #tpu.memory_space<vmem>>, %arg9: memref<128xi32, #tpu.memory_space<vmem>>, %arg10: memref<128x128xf32, #tpu.memory_space<vmem>>, %arg11: memref<128x128xf32, #tpu.memory_space<vmem>>, %arg12: memref<10080x128xf32, #tpu.memory_space<vmem_shared>>, %arg13: memref<!tpu.dma_semaphore, #tpu.memory_space<semaphore_mem>>, %arg14: memref<!tpu.dma_semaphore, #tpu.memory_space<semaphore_mem>>, %arg15: memref<!tpu.dma_semaphore, #tpu.memory_space<semaphore_mem>>, %arg16: memref<!tpu.dma_semaphore, #tpu.memory_space<semaphore_mem>>) attributes {dimension_semantics = [#tpu.dimension_semantics<core_parallel>, #tpu.dimension_semantics<subcore_parallel>], iteration_bounds = array<i64: 2, 16>, scalar_prefetch = 0 : i64, scratch_operands = 10 : i64, tpu.core_type = #tpu.core_type<sc_vector_subcore>, window_params = [{transform_indices = #map}, {transform_indices = #map1}, {transform_indices = #map1}, {transform_indices = #map}, {transform_indices = #map2}]} {
    %mul3A = arith.constant 2 : i32
    %mul3A_0 = arith.muli %arg1, %mul3A : i32
    %add3A = arith.addi %mul3A_0, %arg0 : i32
    %scan3A = arith.constant 0 : i32
    %scan3A_1 = arith.constant 0 : i32
    %scan3A_2 = arith.constant 8 : i32
    %scan3A_3 = arith.addi %scan3A_1, %scan3A_2 : i32
    %scan3A_4 = arith.constant 1 : i32
    %scan3A_5 = scf.for %scan3A_41 = %scan3A_1 to %scan3A_3 step %scan3A_4 iter_args(%scan3A_42 = %scan3A) -> (i32)  : i32 {
      %mul3A_43 = arith.constant 16 : i32
      %mul3A_44 = arith.muli %scan3A_41, %mul3A_43 : i32
      %add3A_45 = arith.addi %arg1, %mul3A_44 : i32
      %lt3A = arith.constant 126 : i32
      %lt3A_46 = arith.cmpi slt, %add3A_45, %lt3A : i32
      %convert_element_type3A = arith.extui %lt3A_46 : i1 to i32
      %cond3A = arith.constant 0 : i32
      %cond3A_47 = arith.cmpi ne, %convert_element_type3A, %cond3A : i32
      scf.if %cond3A_47 {
        %mul3A_49 = arith.constant 80 : i32
        %mul3A_50 = arith.muli %add3A_45, %mul3A_49 : i32
        %multiple_of3A_51 = tpu.assume_multiple %mul3A_50, 80 : i32
        "tpu.region"() ({
          %run_scoped3A = tpu.sem_alloc : memref<!tpu.dma_semaphore, #tpu.memory_space<semaphore_mem>>
          %dma_start3A_52 = arith.constant 0 : i32
          %dma_start3A_53 = tpu.memref_slice %arg12[%multiple_of3A_51, %dma_start3A_52] : memref<10080x128xf32, #tpu.memory_space<vmem_shared>> -> memref<80x128xf32, #tpu.memory_space<vmem_shared>>
          %dma_start3A_54 = arith.constant 0 : i32
          %dma_start3A_55 = tpu.memref_slice %arg5[%multiple_of3A_51, %dma_start3A_54] : memref<10080x128xf32, #tpu.memory_space<hbm>> -> memref<80x128xf32, #tpu.memory_space<hbm>>
          tpu.enqueue_dma source(%dma_start3A_55 : memref<80x128xf32, #tpu.memory_space<hbm>>) target(%dma_start3A_53 : memref<80x128xf32, #tpu.memory_space<vmem_shared>>) target_semaphore(%run_scoped3A : memref<!tpu.dma_semaphore, #tpu.memory_space<semaphore_mem>>)
          %dma_wait3A = arith.constant 0 : i32
          %dma_wait3A_56 = tpu.memref_slice %arg12[%multiple_of3A_51, %dma_wait3A] : memref<10080x128xf32, #tpu.memory_space<vmem_shared>> -> memref<80x128xf32, #tpu.memory_space<vmem_shared>>
          %dma_wait3A_57 = arith.constant 0 : i32
          %dma_wait3A_58 = tpu.memref_slice %arg5[%multiple_of3A_51, %dma_wait3A_57] : memref<10080x128xf32, #tpu.memory_space<hbm>> -> memref<80x128xf32, #tpu.memory_space<hbm>>
          tpu.wait_dma2 semaphore(%run_scoped3A : memref<!tpu.dma_semaphore, #tpu.memory_space<semaphore_mem>>) src(%dma_wait3A_58 : memref<80x128xf32, #tpu.memory_space<hbm>>) dst(%dma_wait3A_56 : memref<80x128xf32, #tpu.memory_space<vmem_shared>>)
          tpu.yield
        }) : () -> ()
      } else {
      }
      %scan3A_48 = arith.constant 0 : i32
      scf.yield %scan3A_48 : i32
    }
    %scan3A_6 = arith.constant 8 : i32
    %mul3A_7 = arith.constant 80 : i32
    %mul3A_8 = arith.muli %add3A, %mul3A_7 : i32
    %add3A_9 = arith.constant 0 : i32
    %add3A_10 = arith.addi %mul3A_8, %add3A_9 : i32
    %mul3A_11 = arith.constant 128 : i32
    %mul3A_12 = arith.muli %add3A_10, %mul3A_11 : i32
    %multiple_of3A = tpu.assume_multiple %mul3A_12, 128 : i32
    "tpu.region"() ({
      %run_scoped3A = tpu.sem_alloc : memref<!tpu.dma_semaphore, #tpu.memory_space<semaphore_mem>>
      %dma_start3A_41 = tpu.memref_slice %arg3[%multiple_of3A] : memref<327680xi32, #tpu.memory_space<hbm>> -> memref<10240xi32, #tpu.memory_space<hbm>>
      %dma_start3A_42 = tpu.memref_slice %arg3[%multiple_of3A] : memref<327680xi32, #tpu.memory_space<hbm>> -> memref<10240xi32, #tpu.memory_space<hbm>>
      tpu.enqueue_dma source(%dma_start3A_42 : memref<10240xi32, #tpu.memory_space<hbm>>) target(%arg7 : memref<10240xi32, #tpu.memory_space<vmem>>) target_semaphore(%run_scoped3A : memref<!tpu.dma_semaphore, #tpu.memory_space<semaphore_mem>>)
      %dma_wait3A = tpu.memref_slice %arg3[%multiple_of3A] : memref<327680xi32, #tpu.memory_space<hbm>> -> memref<10240xi32, #tpu.memory_space<hbm>>
      %dma_wait3A_43 = tpu.memref_slice %arg3[%multiple_of3A] : memref<327680xi32, #tpu.memory_space<hbm>> -> memref<10240xi32, #tpu.memory_space<hbm>>
      tpu.wait_dma2 semaphore(%run_scoped3A : memref<!tpu.dma_semaphore, #tpu.memory_space<semaphore_mem>>) src(%dma_wait3A_43 : memref<10240xi32, #tpu.memory_space<hbm>>) dst(%arg7 : memref<10240xi32, #tpu.memory_space<vmem>>)
      tpu.yield
    }) : () -> ()
    %barrier3A = arith.constant 0 : index
    tpu.barrier barrier_id(%barrier3A)
    %mul3A_13 = arith.constant 80 : i32
    %mul3A_14 = arith.muli %add3A, %mul3A_13 : i32
    %add3A_15 = arith.constant 0 : i32
    %add3A_16 = arith.addi %mul3A_14, %add3A_15 : i32
    %mul3A_17 = arith.constant 128 : i32
    %mul3A_18 = arith.muli %add3A_16, %mul3A_17 : i32
    %multiple_of3A_19 = tpu.assume_multiple %mul3A_18, 128 : i32
    %dma_start3A = tpu.memref_slice %arg4[%multiple_of3A_19] : memref<327680xi32, #tpu.memory_space<hbm>> -> memref<128xi32, #tpu.memory_space<hbm>>
    %dma_start3A_20 = tpu.memref_slice %arg4[%multiple_of3A_19] : memref<327680xi32, #tpu.memory_space<hbm>> -> memref<128xi32, #tpu.memory_space<hbm>>
    tpu.enqueue_dma source(%dma_start3A_20 : memref<128xi32, #tpu.memory_space<hbm>>) target(%arg8 : memref<128xi32, #tpu.memory_space<vmem>>) target_semaphore(%arg15 : memref<!tpu.dma_semaphore, #tpu.memory_space<semaphore_mem>>)
    %dma_start3A_21 = arith.constant 0 : i32
    %dma_start3A_22 = tpu.memref_slice %arg7[%dma_start3A_21] : memref<10240xi32, #tpu.memory_space<vmem>> -> memref<128xi32, #tpu.memory_space<vmem>>
    %dma_start3A_23 = arith.constant 0 : i32
    %dma_start3A_24 = arith.constant 0 : i32
    %dma_start3A_25 = tpu.memref_slice %arg2[%dma_start3A_23, %dma_start3A_24] : memref<10000x128xf32, #tpu.memory_space<hbm>> -> memref<10000x128xf32, #tpu.memory_space<hbm>>
    tpu.enqueue_indirect_dma source(%dma_start3A_25 : memref<10000x128xf32, #tpu.memory_space<hbm>>) target(%arg10 : memref<128x128xf32, #tpu.memory_space<vmem>>) offsets(%dma_start3A_22 : memref<128xi32, #tpu.memory_space<vmem>>) semaphore(%arg13 : memref<!tpu.dma_semaphore, #tpu.memory_space<semaphore_mem>>)
    %scan3A_26 = arith.constant 0 : i32
    %scan3A_27 = arith.constant 0 : i32
    %scan3A_28 = arith.constant 40 : i32
    %scan3A_29 = arith.addi %scan3A_27, %scan3A_28 : i32
    %scan3A_30 = arith.constant 1 : i32
    %scan3A_31 = scf.for %scan3A_41 = %scan3A_27 to %scan3A_29 step %scan3A_30 iter_args(%scan3A_42 = %scan3A_26) -> (i32)  : i32 {
      %mul3A_43 = arith.constant 2 : i32
      %mul3A_44 = arith.muli %scan3A_41, %mul3A_43 : i32
      %add3A_45 = arith.constant 1 : i32
      %add3A_46 = arith.addi %mul3A_44, %add3A_45 : i32
      %mul3A_47 = arith.constant 80 : i32
      %mul3A_48 = arith.muli %add3A, %mul3A_47 : i32
      %add3A_49 = arith.addi %mul3A_48, %add3A_46 : i32
      %mul3A_50 = arith.constant 128 : i32
      %mul3A_51 = arith.muli %add3A_49, %mul3A_50 : i32
      %multiple_of3A_52 = tpu.assume_multiple %mul3A_51, 128 : i32
      %dma_start3A_53 = tpu.memref_slice %arg4[%multiple_of3A_52] : memref<327680xi32, #tpu.memory_space<hbm>> -> memref<128xi32, #tpu.memory_space<hbm>>
      %dma_start3A_54 = tpu.memref_slice %arg4[%multiple_of3A_52] : memref<327680xi32, #tpu.memory_space<hbm>> -> memref<128xi32, #tpu.memory_space<hbm>>
      tpu.enqueue_dma source(%dma_start3A_54 : memref<128xi32, #tpu.memory_space<hbm>>) target(%arg9 : memref<128xi32, #tpu.memory_space<vmem>>) target_semaphore(%arg16 : memref<!tpu.dma_semaphore, #tpu.memory_space<semaphore_mem>>)
      %add3A_55 = arith.constant 1 : i32
      %add3A_56 = arith.addi %mul3A_44, %add3A_55 : i32
      %mul3A_57 = arith.constant 128 : i32
      %mul3A_58 = arith.muli %add3A_56, %mul3A_57 : i32
      %dma_start3A_59 = tpu.memref_slice %arg7[%mul3A_58] : memref<10240xi32, #tpu.memory_space<vmem>> -> memref<128xi32, #tpu.memory_space<vmem>>
      %dma_start3A_60 = arith.constant 0 : i32
      %dma_start3A_61 = arith.constant 0 : i32
      %dma_start3A_62 = tpu.memref_slice %arg2[%dma_start3A_60, %dma_start3A_61] : memref<10000x128xf32, #tpu.memory_space<hbm>> -> memref<10000x128xf32, #tpu.memory_space<hbm>>
      tpu.enqueue_indirect_dma source(%dma_start3A_62 : memref<10000x128xf32, #tpu.memory_space<hbm>>) target(%arg11 : memref<128x128xf32, #tpu.memory_space<vmem>>) offsets(%dma_start3A_59 : memref<128xi32, #tpu.memory_space<vmem>>) semaphore(%arg14 : memref<!tpu.dma_semaphore, #tpu.memory_space<semaphore_mem>>)
      %mul3A_63 = arith.constant 128 : i32
      %mul3A_64 = arith.muli %mul3A_44, %mul3A_63 : i32
      %dma_wait3A = tpu.memref_slice %arg7[%mul3A_64] : memref<10240xi32, #tpu.memory_space<vmem>> -> memref<128xi32, #tpu.memory_space<vmem>>
      %dma_wait3A_65 = arith.constant 0 : i32
      %dma_wait3A_66 = arith.constant 0 : i32
      %dma_wait3A_67 = tpu.memref_slice %arg2[%dma_wait3A_65, %dma_wait3A_66] : memref<10000x128xf32, #tpu.memory_space<hbm>> -> memref<10000x128xf32, #tpu.memory_space<hbm>>
      tpu.wait_indirect_dma semaphore(%arg13 : memref<!tpu.dma_semaphore, #tpu.memory_space<semaphore_mem>>) src(%dma_wait3A_67 : memref<10000x128xf32, #tpu.memory_space<hbm>>) dst(%arg10 : memref<128x128xf32, #tpu.memory_space<vmem>>)
      %mul3A_68 = arith.constant 80 : i32
      %mul3A_69 = arith.muli %add3A, %mul3A_68 : i32
      %add3A_70 = arith.addi %mul3A_69, %mul3A_44 : i32
      %mul3A_71 = arith.constant 128 : i32
      %mul3A_72 = arith.muli %add3A_70, %mul3A_71 : i32
      %multiple_of3A_73 = tpu.assume_multiple %mul3A_72, 128 : i32
      %dma_wait3A_74 = tpu.memref_slice %arg4[%multiple_of3A_73] : memref<327680xi32, #tpu.memory_space<hbm>> -> memref<128xi32, #tpu.memory_space<hbm>>
      %dma_wait3A_75 = tpu.memref_slice %arg4[%multiple_of3A_73] : memref<327680xi32, #tpu.memory_space<hbm>> -> memref<128xi32, #tpu.memory_space<hbm>>
      tpu.wait_dma2 semaphore(%arg15 : memref<!tpu.dma_semaphore, #tpu.memory_space<semaphore_mem>>) src(%dma_wait3A_75 : memref<128xi32, #tpu.memory_space<hbm>>) dst(%arg8 : memref<128xi32, #tpu.memory_space<vmem>>)
      "tpu.region"() ({
        %run_scoped3A = tpu.sem_alloc : memref<!tpu.dma_semaphore, #tpu.memory_space<semaphore_mem>>
        %dma_start3A_99 = arith.constant 0 : i32
        %dma_start3A_100 = arith.constant 0 : i32
        %dma_start3A_101 = tpu.memref_slice %arg12[%dma_start3A_99, %dma_start3A_100] : memref<10080x128xf32, #tpu.memory_space<vmem_shared>> -> memref<10080x128xf32, #tpu.memory_space<vmem_shared>>
        tpu.enqueue_indirect_dma source(%arg10 : memref<128x128xf32, #tpu.memory_space<vmem>>) target(%dma_start3A_101 : memref<10080x128xf32, #tpu.memory_space<vmem_shared>>) offsets(%arg8 : memref<128xi32, #tpu.memory_space<vmem>>) semaphore(%run_scoped3A : memref<!tpu.dma_semaphore, #tpu.memory_space<semaphore_mem>>) {add = true}
        %dma_wait3A_102 = arith.constant 0 : i32
        %dma_wait3A_103 = arith.constant 0 : i32
        %dma_wait3A_104 = tpu.memref_slice %arg12[%dma_wait3A_102, %dma_wait3A_103] : memref<10080x128xf32, #tpu.memory_space<vmem_shared>> -> memref<10080x128xf32, #tpu.memory_space<vmem_shared>>
        tpu.wait_indirect_dma semaphore(%run_scoped3A : memref<!tpu.dma_semaphore, #tpu.memory_space<semaphore_mem>>) src(%arg10 : memref<128x128xf32, #tpu.memory_space<vmem>>) dst(%dma_wait3A_104 : memref<10080x128xf32, #tpu.memory_space<vmem_shared>>)
        tpu.yield
      }) : () -> ()
      %add3A_76 = arith.constant 1 : i32
      %add3A_77 = arith.addi %scan3A_41, %add3A_76 : i32
      %lt3A = arith.constant 40 : i32
      %lt3A_78 = arith.cmpi slt, %add3A_77, %lt3A : i32
      %convert_element_type3A = arith.extui %lt3A_78 : i1 to i32
      %cond3A = arith.constant 0 : i32
      %cond3A_79 = arith.cmpi ne, %convert_element_type3A, %cond3A : i32
      scf.if %cond3A_79 {
        %add3A_99 = arith.constant 2 : i32
        %add3A_100 = arith.addi %mul3A_44, %add3A_99 : i32
        %mul3A_101 = arith.constant 80 : i32
        %mul3A_102 = arith.muli %add3A, %mul3A_101 : i32
        %add3A_103 = arith.addi %mul3A_102, %add3A_100 : i32
        %mul3A_104 = arith.constant 128 : i32
        %mul3A_105 = arith.muli %add3A_103, %mul3A_104 : i32
        %multiple_of3A_106 = tpu.assume_multiple %mul3A_105, 128 : i32
        %dma_start3A_107 = tpu.memref_slice %arg4[%multiple_of3A_106] : memref<327680xi32, #tpu.memory_space<hbm>> -> memref<128xi32, #tpu.memory_space<hbm>>
        %dma_start3A_108 = tpu.memref_slice %arg4[%multiple_of3A_106] : memref<327680xi32, #tpu.memory_space<hbm>> -> memref<128xi32, #tpu.memory_space<hbm>>
        tpu.enqueue_dma source(%dma_start3A_108 : memref<128xi32, #tpu.memory_space<hbm>>) target(%arg8 : memref<128xi32, #tpu.memory_space<vmem>>) target_semaphore(%arg15 : memref<!tpu.dma_semaphore, #tpu.memory_space<semaphore_mem>>)
        %add3A_109 = arith.constant 2 : i32
        %add3A_110 = arith.addi %mul3A_44, %add3A_109 : i32
        %mul3A_111 = arith.constant 128 : i32
        %mul3A_112 = arith.muli %add3A_110, %mul3A_111 : i32
        %dma_start3A_113 = tpu.memref_slice %arg7[%mul3A_112] : memref<10240xi32, #tpu.memory_space<vmem>> -> memref<128xi32, #tpu.memory_space<vmem>>
        %dma_start3A_114 = arith.constant 0 : i32
        %dma_start3A_115 = arith.constant 0 : i32
        %dma_start3A_116 = tpu.memref_slice %arg2[%dma_start3A_114, %dma_start3A_115] : memref<10000x128xf32, #tpu.memory_space<hbm>> -> memref<10000x128xf32, #tpu.memory_space<hbm>>
        tpu.enqueue_indirect_dma source(%dma_start3A_116 : memref<10000x128xf32, #tpu.memory_space<hbm>>) target(%arg10 : memref<128x128xf32, #tpu.memory_space<vmem>>) offsets(%dma_start3A_113 : memref<128xi32, #tpu.memory_space<vmem>>) semaphore(%arg13 : memref<!tpu.dma_semaphore, #tpu.memory_space<semaphore_mem>>)
      } else {
      }
      %add3A_80 = arith.constant 1 : i32
      %add3A_81 = arith.addi %mul3A_44, %add3A_80 : i32
      %mul3A_82 = arith.constant 128 : i32
      %mul3A_83 = arith.muli %add3A_81, %mul3A_82 : i32
      %dma_wait3A_84 = tpu.memref_slice %arg7[%mul3A_83] : memref<10240xi32, #tpu.memory_space<vmem>> -> memref<128xi32, #tpu.memory_space<vmem>>
      %dma_wait3A_85 = arith.constant 0 : i32
      %dma_wait3A_86 = arith.constant 0 : i32
      %dma_wait3A_87 = tpu.memref_slice %arg2[%dma_wait3A_85, %dma_wait3A_86] : memref<10000x128xf32, #tpu.memory_space<hbm>> -> memref<10000x128xf32, #tpu.memory_space<hbm>>
      tpu.wait_indirect_dma semaphore(%arg14 : memref<!tpu.dma_semaphore, #tpu.memory_space<semaphore_mem>>) src(%dma_wait3A_87 : memref<10000x128xf32, #tpu.memory_space<hbm>>) dst(%arg11 : memref<128x128xf32, #tpu.memory_space<vmem>>)
      %add3A_88 = arith.constant 1 : i32
      %add3A_89 = arith.addi %mul3A_44, %add3A_88 : i32
      %mul3A_90 = arith.constant 80 : i32
      %mul3A_91 = arith.muli %add3A, %mul3A_90 : i32
      %add3A_92 = arith.addi %mul3A_91, %add3A_89 : i32
      %mul3A_93 = arith.constant 128 : i32
      %mul3A_94 = arith.muli %add3A_92, %mul3A_93 : i32
      %multiple_of3A_95 = tpu.assume_multiple %mul3A_94, 128 : i32
      %dma_wait3A_96 = tpu.memref_slice %arg4[%multiple_of3A_95] : memref<327680xi32, #tpu.memory_space<hbm>> -> memref<128xi32, #tpu.memory_space<hbm>>
      %dma_wait3A_97 = tpu.memref_slice %arg4[%multiple_of3A_95] : memref<327680xi32, #tpu.memory_space<hbm>> -> memref<128xi32, #tpu.memory_space<hbm>>
      tpu.wait_dma2 semaphore(%arg16 : memref<!tpu.dma_semaphore, #tpu.memory_space<semaphore_mem>>) src(%dma_wait3A_97 : memref<128xi32, #tpu.memory_space<hbm>>) dst(%arg9 : memref<128xi32, #tpu.memory_space<vmem>>)
      "tpu.region"() ({
        %run_scoped3A = tpu.sem_alloc : memref<!tpu.dma_semaphore, #tpu.memory_space<semaphore_mem>>
        %dma_start3A_99 = arith.constant 0 : i32
        %dma_start3A_100 = arith.constant 0 : i32
        %dma_start3A_101 = tpu.memref_slice %arg12[%dma_start3A_99, %dma_start3A_100] : memref<10080x128xf32, #tpu.memory_space<vmem_shared>> -> memref<10080x128xf32, #tpu.memory_space<vmem_shared>>
        tpu.enqueue_indirect_dma source(%arg11 : memref<128x128xf32, #tpu.memory_space<vmem>>) target(%dma_start3A_101 : memref<10080x128xf32, #tpu.memory_space<vmem_shared>>) offsets(%arg9 : memref<128xi32, #tpu.memory_space<vmem>>) semaphore(%run_scoped3A : memref<!tpu.dma_semaphore, #tpu.memory_space<semaphore_mem>>) {add = true}
        %dma_wait3A_102 = arith.constant 0 : i32
        %dma_wait3A_103 = arith.constant 0 : i32
        %dma_wait3A_104 = tpu.memref_slice %arg12[%dma_wait3A_102, %dma_wait3A_103] : memref<10080x128xf32, #tpu.memory_space<vmem_shared>> -> memref<10080x128xf32, #tpu.memory_space<vmem_shared>>
        tpu.wait_indirect_dma semaphore(%run_scoped3A : memref<!tpu.dma_semaphore, #tpu.memory_space<semaphore_mem>>) src(%arg11 : memref<128x128xf32, #tpu.memory_space<vmem>>) dst(%dma_wait3A_104 : memref<10080x128xf32, #tpu.memory_space<vmem_shared>>)
        tpu.yield
      }) : () -> ()
      %scan3A_98 = arith.constant 0 : i32
      scf.yield %scan3A_98 : i32
    }
    %scan3A_32 = arith.constant 40 : i32
    %barrier3A_33 = arith.constant 0 : index
    tpu.barrier barrier_id(%barrier3A_33)
    %scan3A_34 = arith.constant 0 : i32
    %scan3A_35 = arith.constant 0 : i32
    %scan3A_36 = arith.constant 8 : i32
    %scan3A_37 = arith.addi %scan3A_35, %scan3A_36 : i32
    %scan3A_38 = arith.constant 1 : i32
    %scan3A_39 = scf.for %scan3A_41 = %scan3A_35 to %scan3A_37 step %scan3A_38 iter_args(%scan3A_42 = %scan3A_34) -> (i32)  : i32 {
      %mul3A_43 = arith.constant 16 : i32
      %mul3A_44 = arith.muli %scan3A_41, %mul3A_43 : i32
      %add3A_45 = arith.addi %arg1, %mul3A_44 : i32
      %lt3A = arith.constant 125 : i32
      %lt3A_46 = arith.cmpi slt, %add3A_45, %lt3A : i32
      %convert_element_type3A = arith.extui %lt3A_46 : i1 to i32
      %cond3A = arith.constant 0 : i32
      %cond3A_47 = arith.cmpi ne, %convert_element_type3A, %cond3A : i32
      scf.if %cond3A_47 {
        %mul3A_49 = arith.constant 80 : i32
        %mul3A_50 = arith.muli %add3A_45, %mul3A_49 : i32
        %multiple_of3A_51 = tpu.assume_multiple %mul3A_50, 80 : i32
        "tpu.region"() ({
          %run_scoped3A = tpu.sem_alloc : memref<!tpu.dma_semaphore, #tpu.memory_space<semaphore_mem>>
          %dma_start3A_52 = arith.constant 0 : i32
          %dma_start3A_53 = tpu.memref_slice %arg6[%arg0, %multiple_of3A_51, %dma_start3A_52] : memref<2x10000x128xf32, #tpu.memory_space<hbm>> -> memref<1x80x128xf32, #tpu.memory_space<hbm>>
          %dma_start3A_54 = tpu.memref_squeeze %dma_start3A_53 : memref<1x80x128xf32, #tpu.memory_space<hbm>> -> memref<80x128xf32, #tpu.memory_space<hbm>>
          %dma_start3A_55 = arith.constant 0 : i32
          %dma_start3A_56 = tpu.memref_slice %arg12[%multiple_of3A_51, %dma_start3A_55] : memref<10080x128xf32, #tpu.memory_space<vmem_shared>> -> memref<80x128xf32, #tpu.memory_space<vmem_shared>>
          tpu.enqueue_dma source(%dma_start3A_56 : memref<80x128xf32, #tpu.memory_space<vmem_shared>>) target(%dma_start3A_54 : memref<80x128xf32, #tpu.memory_space<hbm>>) target_semaphore(%run_scoped3A : memref<!tpu.dma_semaphore, #tpu.memory_space<semaphore_mem>>)
          %dma_wait3A = arith.constant 0 : i32
          %dma_wait3A_57 = tpu.memref_slice %arg6[%arg0, %multiple_of3A_51, %dma_wait3A] : memref<2x10000x128xf32, #tpu.memory_space<hbm>> -> memref<1x80x128xf32, #tpu.memory_space<hbm>>
          %dma_wait3A_58 = tpu.memref_squeeze %dma_wait3A_57 : memref<1x80x128xf32, #tpu.memory_space<hbm>> -> memref<80x128xf32, #tpu.memory_space<hbm>>
          %dma_wait3A_59 = arith.constant 0 : i32
          %dma_wait3A_60 = tpu.memref_slice %arg12[%multiple_of3A_51, %dma_wait3A_59] : memref<10080x128xf32, #tpu.memory_space<vmem_shared>> -> memref<80x128xf32, #tpu.memory_space<vmem_shared>>
          tpu.wait_dma2 semaphore(%run_scoped3A : memref<!tpu.dma_semaphore, #tpu.memory_space<semaphore_mem>>) src(%dma_wait3A_60 : memref<80x128xf32, #tpu.memory_space<vmem_shared>>) dst(%dma_wait3A_58 : memref<80x128xf32, #tpu.memory_space<hbm>>)
          tpu.yield
        }) : () -> ()
      } else {
      }
      %scan3A_48 = arith.constant 0 : i32
      scf.yield %scan3A_48 : i32
    }
    %scan3A_40 = arith.constant 8 : i32
    return
  }
}

module attributes {stable_mosaic.version = 14 : i64} {
  func.func @body(%arg0: i32, %arg1: memref<1x1x1280xi32, #tpu.memory_space<vmem>>, %arg2: memref<10000xi32, #tpu.memory_space<vmem>>, %arg3: memref<79x128xf32, #tpu.memory_space<vmem>>, %arg4: memref<512x2xi32, #tpu.memory_space<vmem>>, %arg5: memref<79x128xf32, #tpu.memory_space<vmem>>) attributes {dimension_semantics = [#tpu.dimension_semantics<arbitrary>], iteration_bounds = array<i64: 250>, scalar_prefetch = 0 : i64, scratch_operands = 1 : i64, tpu.core_type = #tpu.core_type<tc>, window_params = [{transform_indices = @transform_0, window_bounds = array<i64: 1, 1, 1280>}, {pipeline_mode = #tpu.pipeline_mode<synchronous>, transform_indices = @transform_1, window_bounds = array<i64: 10000>}, {pipeline_mode = #tpu.pipeline_mode<synchronous>, transform_indices = @transform_2, window_bounds = array<i64: 79, 128>}, {pipeline_mode = #tpu.pipeline_mode<synchronous>, transform_indices = @transform_3, window_bounds = array<i64: 512, 2>}]} {
    %eq3A = arith.constant 0 : i32
    %eq3A_0 = arith.cmpi eq, %arg0, %eq3A : i32
    %convert_element_type3A = arith.extui %eq3A_0 : i1 to i32
    %cond3A = arith.constant 0 : i32
    %cond3A_1 = arith.cmpi ne, %convert_element_type3A, %cond3A : i32
    scf.if %cond3A_1 {
      %broadcast_in_dim3A_31 = arith.constant 0.000000e+00 : f32
      %broadcast_in_dim3A_32 = vector.broadcast %broadcast_in_dim3A_31 : f32 to vector<79x128xf32>
      %swap3A_33 = arith.constant 0 : index
      %swap3A_34 = arith.constant 0 : index
      %swap3A_35 = vector.load %arg5[%swap3A_33, %swap3A_34] : memref<79x128xf32, #tpu.memory_space<vmem>>, vector<79x128xf32>
      tpu.vector_store %arg5[%swap3A_33, %swap3A_34], %broadcast_in_dim3A_32 {strides = array<i32>} : memref<79x128xf32, #tpu.memory_space<vmem>>, vector<79x128xf32>,
      %iota3A_36 = tpu.iota {dimensions = array<i32: 1>} : vector<1x512xi32>
      %broadcast_in_dim3A_37 = arith.constant 0 : i32
      %broadcast_in_dim3A_38 = vector.broadcast %broadcast_in_dim3A_37 : i32 to vector<1x512xi32>
      %get3A_39 = arith.constant 0 : index
      %get3A_40 = vector.load %arg2[%get3A_39] : memref<10000xi32, #tpu.memory_space<vmem>>, vector<1000xi32>
      %broadcast_in_dim3A_41 = vector.shape_cast %get3A_40 : vector<1000xi32> to vector<1000x1xi32>
      %lt3A = vector.broadcast %broadcast_in_dim3A_41 : vector<1000x1xi32> to vector<1000x512xi32>
      %lt3A_42 = vector.broadcast %iota3A_36 : vector<1x512xi32> to vector<1000x512xi32>
      %lt3A_43 = arith.cmpi slt, %lt3A, %lt3A_42 : vector<1000x512xi32>
      %convert_element_type3A_44 = arith.extui %lt3A_43 : vector<1000x512xi1> to vector<1000x512xi32>
      %reduce_sum3A = arith.constant dense<0> : vector<512xi32>
      %reduce_sum3A_45 = vector.multi_reduction <add>, %convert_element_type3A_44, %reduce_sum3A [0] : vector<1000x512xi32> to vector<512xi32>
      %broadcast_in_dim3A_46 = vector.shape_cast %reduce_sum3A_45 : vector<512xi32> to vector<1x512xi32>
      %add3A_47 = arith.addi %broadcast_in_dim3A_38, %broadcast_in_dim3A_46 : vector<1x512xi32>
      %get3A_48 = arith.constant 1000 : index
      %get3A_49 = vector.load %arg2[%get3A_48] : memref<10000xi32, #tpu.memory_space<vmem>>, vector<1000xi32>
      %broadcast_in_dim3A_50 = vector.shape_cast %get3A_49 : vector<1000xi32> to vector<1000x1xi32>
      %lt3A_51 = vector.broadcast %broadcast_in_dim3A_50 : vector<1000x1xi32> to vector<1000x512xi32>
      %lt3A_52 = vector.broadcast %iota3A_36 : vector<1x512xi32> to vector<1000x512xi32>
      %lt3A_53 = arith.cmpi slt, %lt3A_51, %lt3A_52 : vector<1000x512xi32>
      %convert_element_type3A_54 = arith.extui %lt3A_53 : vector<1000x512xi1> to vector<1000x512xi32>
      %reduce_sum3A_55 = arith.constant dense<0> : vector<512xi32>
      %reduce_sum3A_56 = vector.multi_reduction <add>, %convert_element_type3A_54, %reduce_sum3A_55 [0] : vector<1000x512xi32> to vector<512xi32>
      %broadcast_in_dim3A_57 = vector.shape_cast %reduce_sum3A_56 : vector<512xi32> to vector<1x512xi32>
      %add3A_58 = arith.addi %add3A_47, %broadcast_in_dim3A_57 : vector<1x512xi32>
      %get3A_59 = arith.constant 2000 : index
      %get3A_60 = vector.load %arg2[%get3A_59] : memref<10000xi32, #tpu.memory_space<vmem>>, vector<1000xi32>
      %broadcast_in_dim3A_61 = vector.shape_cast %get3A_60 : vector<1000xi32> to vector<1000x1xi32>
      %lt3A_62 = vector.broadcast %broadcast_in_dim3A_61 : vector<1000x1xi32> to vector<1000x512xi32>
      %lt3A_63 = vector.broadcast %iota3A_36 : vector<1x512xi32> to vector<1000x512xi32>
      %lt3A_64 = arith.cmpi slt, %lt3A_62, %lt3A_63 : vector<1000x512xi32>
      %convert_element_type3A_65 = arith.extui %lt3A_64 : vector<1000x512xi1> to vector<1000x512xi32>
      %reduce_sum3A_66 = arith.constant dense<0> : vector<512xi32>
      %reduce_sum3A_67 = vector.multi_reduction <add>, %convert_element_type3A_65, %reduce_sum3A_66 [0] : vector<1000x512xi32> to vector<512xi32>
      %broadcast_in_dim3A_68 = vector.shape_cast %reduce_sum3A_67 : vector<512xi32> to vector<1x512xi32>
      %add3A_69 = arith.addi %add3A_58, %broadcast_in_dim3A_68 : vector<1x512xi32>
      %get3A_70 = arith.constant 3000 : index
      %get3A_71 = vector.load %arg2[%get3A_70] : memref<10000xi32, #tpu.memory_space<vmem>>, vector<1000xi32>
      %broadcast_in_dim3A_72 = vector.shape_cast %get3A_71 : vector<1000xi32> to vector<1000x1xi32>
      %lt3A_73 = vector.broadcast %broadcast_in_dim3A_72 : vector<1000x1xi32> to vector<1000x512xi32>
      %lt3A_74 = vector.broadcast %iota3A_36 : vector<1x512xi32> to vector<1000x512xi32>
      %lt3A_75 = arith.cmpi slt, %lt3A_73, %lt3A_74 : vector<1000x512xi32>
      %convert_element_type3A_76 = arith.extui %lt3A_75 : vector<1000x512xi1> to vector<1000x512xi32>
      %reduce_sum3A_77 = arith.constant dense<0> : vector<512xi32>
      %reduce_sum3A_78 = vector.multi_reduction <add>, %convert_element_type3A_76, %reduce_sum3A_77 [0] : vector<1000x512xi32> to vector<512xi32>
      %broadcast_in_dim3A_79 = vector.shape_cast %reduce_sum3A_78 : vector<512xi32> to vector<1x512xi32>
      %add3A_80 = arith.addi %add3A_69, %broadcast_in_dim3A_79 : vector<1x512xi32>
      %get3A_81 = arith.constant 4000 : index
      %get3A_82 = vector.load %arg2[%get3A_81] : memref<10000xi32, #tpu.memory_space<vmem>>, vector<1000xi32>
      %broadcast_in_dim3A_83 = vector.shape_cast %get3A_82 : vector<1000xi32> to vector<1000x1xi32>
      %lt3A_84 = vector.broadcast %broadcast_in_dim3A_83 : vector<1000x1xi32> to vector<1000x512xi32>
      %lt3A_85 = vector.broadcast %iota3A_36 : vector<1x512xi32> to vector<1000x512xi32>
      %lt3A_86 = arith.cmpi slt, %lt3A_84, %lt3A_85 : vector<1000x512xi32>
      %convert_element_type3A_87 = arith.extui %lt3A_86 : vector<1000x512xi1> to vector<1000x512xi32>
      %reduce_sum3A_88 = arith.constant dense<0> : vector<512xi32>
      %reduce_sum3A_89 = vector.multi_reduction <add>, %convert_element_type3A_87, %reduce_sum3A_88 [0] : vector<1000x512xi32> to vector<512xi32>
      %broadcast_in_dim3A_90 = vector.shape_cast %reduce_sum3A_89 : vector<512xi32> to vector<1x512xi32>
      %add3A_91 = arith.addi %add3A_80, %broadcast_in_dim3A_90 : vector<1x512xi32>
      %get3A_92 = arith.constant 5000 : index
      %get3A_93 = vector.load %arg2[%get3A_92] : memref<10000xi32, #tpu.memory_space<vmem>>, vector<1000xi32>
      %broadcast_in_dim3A_94 = vector.shape_cast %get3A_93 : vector<1000xi32> to vector<1000x1xi32>
      %lt3A_95 = vector.broadcast %broadcast_in_dim3A_94 : vector<1000x1xi32> to vector<1000x512xi32>
      %lt3A_96 = vector.broadcast %iota3A_36 : vector<1x512xi32> to vector<1000x512xi32>
      %lt3A_97 = arith.cmpi slt, %lt3A_95, %lt3A_96 : vector<1000x512xi32>
      %convert_element_type3A_98 = arith.extui %lt3A_97 : vector<1000x512xi1> to vector<1000x512xi32>
      %reduce_sum3A_99 = arith.constant dense<0> : vector<512xi32>
      %reduce_sum3A_100 = vector.multi_reduction <add>, %convert_element_type3A_98, %reduce_sum3A_99 [0] : vector<1000x512xi32> to vector<512xi32>
      %broadcast_in_dim3A_101 = vector.shape_cast %reduce_sum3A_100 : vector<512xi32> to vector<1x512xi32>
      %add3A_102 = arith.addi %add3A_91, %broadcast_in_dim3A_101 : vector<1x512xi32>
      %get3A_103 = arith.constant 6000 : index
      %get3A_104 = vector.load %arg2[%get3A_103] : memref<10000xi32, #tpu.memory_space<vmem>>, vector<1000xi32>
      %broadcast_in_dim3A_105 = vector.shape_cast %get3A_104 : vector<1000xi32> to vector<1000x1xi32>
      %lt3A_106 = vector.broadcast %broadcast_in_dim3A_105 : vector<1000x1xi32> to vector<1000x512xi32>
      %lt3A_107 = vector.broadcast %iota3A_36 : vector<1x512xi32> to vector<1000x512xi32>
      %lt3A_108 = arith.cmpi slt, %lt3A_106, %lt3A_107 : vector<1000x512xi32>
      %convert_element_type3A_109 = arith.extui %lt3A_108 : vector<1000x512xi1> to vector<1000x512xi32>
      %reduce_sum3A_110 = arith.constant dense<0> : vector<512xi32>
      %reduce_sum3A_111 = vector.multi_reduction <add>, %convert_element_type3A_109, %reduce_sum3A_110 [0] : vector<1000x512xi32> to vector<512xi32>
      %broadcast_in_dim3A_112 = vector.shape_cast %reduce_sum3A_111 : vector<512xi32> to vector<1x512xi32>
      %add3A_113 = arith.addi %add3A_102, %broadcast_in_dim3A_112 : vector<1x512xi32>
      %get3A_114 = arith.constant 7000 : index
      %get3A_115 = vector.load %arg2[%get3A_114] : memref<10000xi32, #tpu.memory_space<vmem>>, vector<1000xi32>
      %broadcast_in_dim3A_116 = vector.shape_cast %get3A_115 : vector<1000xi32> to vector<1000x1xi32>
      %lt3A_117 = vector.broadcast %broadcast_in_dim3A_116 : vector<1000x1xi32> to vector<1000x512xi32>
      %lt3A_118 = vector.broadcast %iota3A_36 : vector<1x512xi32> to vector<1000x512xi32>
      %lt3A_119 = arith.cmpi slt, %lt3A_117, %lt3A_118 : vector<1000x512xi32>
      %convert_element_type3A_120 = arith.extui %lt3A_119 : vector<1000x512xi1> to vector<1000x512xi32>
      %reduce_sum3A_121 = arith.constant dense<0> : vector<512xi32>
      %reduce_sum3A_122 = vector.multi_reduction <add>, %convert_element_type3A_120, %reduce_sum3A_121 [0] : vector<1000x512xi32> to vector<512xi32>
      %broadcast_in_dim3A_123 = vector.shape_cast %reduce_sum3A_122 : vector<512xi32> to vector<1x512xi32>
      %add3A_124 = arith.addi %add3A_113, %broadcast_in_dim3A_123 : vector<1x512xi32>
      %get3A_125 = arith.constant 8000 : index
      %get3A_126 = vector.load %arg2[%get3A_125] : memref<10000xi32, #tpu.memory_space<vmem>>, vector<1000xi32>
      %broadcast_in_dim3A_127 = vector.shape_cast %get3A_126 : vector<1000xi32> to vector<1000x1xi32>
      %lt3A_128 = vector.broadcast %broadcast_in_dim3A_127 : vector<1000x1xi32> to vector<1000x512xi32>
      %lt3A_129 = vector.broadcast %iota3A_36 : vector<1x512xi32> to vector<1000x512xi32>
      %lt3A_130 = arith.cmpi slt, %lt3A_128, %lt3A_129 : vector<1000x512xi32>
      %convert_element_type3A_131 = arith.extui %lt3A_130 : vector<1000x512xi1> to vector<1000x512xi32>
      %reduce_sum3A_132 = arith.constant dense<0> : vector<512xi32>
      %reduce_sum3A_133 = vector.multi_reduction <add>, %convert_element_type3A_131, %reduce_sum3A_132 [0] : vector<1000x512xi32> to vector<512xi32>
      %broadcast_in_dim3A_134 = vector.shape_cast %reduce_sum3A_133 : vector<512xi32> to vector<1x512xi32>
      %add3A_135 = arith.addi %add3A_124, %broadcast_in_dim3A_134 : vector<1x512xi32>
      %get3A_136 = arith.constant 9000 : index
      %get3A_137 = vector.load %arg2[%get3A_136] : memref<10000xi32, #tpu.memory_space<vmem>>, vector<1000xi32>
      %broadcast_in_dim3A_138 = vector.shape_cast %get3A_137 : vector<1000xi32> to vector<1000x1xi32>
      %lt3A_139 = vector.broadcast %broadcast_in_dim3A_138 : vector<1000x1xi32> to vector<1000x512xi32>
      %lt3A_140 = vector.broadcast %iota3A_36 : vector<1x512xi32> to vector<1000x512xi32>
      %lt3A_141 = arith.cmpi slt, %lt3A_139, %lt3A_140 : vector<1000x512xi32>
      %convert_element_type3A_142 = arith.extui %lt3A_141 : vector<1000x512xi1> to vector<1000x512xi32>
      %reduce_sum3A_143 = arith.constant dense<0> : vector<512xi32>
      %reduce_sum3A_144 = vector.multi_reduction <add>, %convert_element_type3A_142, %reduce_sum3A_143 [0] : vector<1000x512xi32> to vector<512xi32>
      %broadcast_in_dim3A_145 = vector.shape_cast %reduce_sum3A_144 : vector<512xi32> to vector<1x512xi32>
      %add3A_146 = arith.addi %add3A_135, %broadcast_in_dim3A_145 : vector<1x512xi32>
      %reshape3A = vector.shape_cast %add3A_146 : vector<1x512xi32> to vector<512x1xi32>
      %min3A = arith.constant 9999 : i32
      %min3A_147 = vector.broadcast %min3A : i32 to vector<512x1xi32>
      %min3A_148 = arith.minsi %reshape3A, %min3A_147 : vector<512x1xi32>
      %add3A_149 = arith.constant 1 : i32
      %add3A_150 = vector.broadcast %add3A_149 : i32 to vector<512x1xi32>
      %add3A_151 = arith.addi %reshape3A, %add3A_150 : vector<512x1xi32>
      %min3A_152 = arith.constant 9999 : i32
      %min3A_153 = vector.broadcast %min3A_152 : i32 to vector<512x1xi32>
      %min3A_154 = arith.minsi %add3A_151, %min3A_153 : vector<512x1xi32>
      %concatenate3A = tpu.concatenate %min3A_148, %min3A_154 in 1 : vector<512x1xi32>, vector<512x1xi32> -> vector<512x2xi32>
      %swap3A_155 = arith.constant 0 : index
      %swap3A_156 = arith.constant 0 : index
      %swap3A_157 = vector.load %arg4[%swap3A_155, %swap3A_156] : memref<512x2xi32, #tpu.memory_space<vmem>>, vector<512x2xi32>
      tpu.vector_store %arg4[%swap3A_155, %swap3A_156], %concatenate3A {strides = array<i32>} : memref<512x2xi32, #tpu.memory_space<vmem>>, vector<512x2xi32>,
    } else {
    }
    %get3A = arith.constant 0 : index
    %get3A_2 = arith.constant 0 : index
    %get3A_3 = arith.constant 0 : index
    %get3A_4 = vector.load %arg1[%get3A, %get3A_2, %get3A_3] : memref<1x1x1280xi32, #tpu.memory_space<vmem>>, vector<1x1x1280xi32>
    %get3A_5 = vector.shape_cast %get3A_4 : vector<1x1x1280xi32> to vector<1280xi32>
    %broadcast_in_dim3A = vector.shape_cast %get3A_5 : vector<1280xi32> to vector<1280x1xi32>
    %shift_right_arithmetic3A = arith.constant 7 : i32
    %shift_right_arithmetic3A_6 = vector.broadcast %shift_right_arithmetic3A : i32 to vector<1280x1xi32>
    %shift_right_arithmetic3A_7 = arith.shrsi %broadcast_in_dim3A, %shift_right_arithmetic3A_6 : vector<1280x1xi32>
    %iota3A = tpu.iota {dimensions = array<i32: 1>} : vector<1280x79xi32>
    %eq3A_8 = vector.broadcast %shift_right_arithmetic3A_7 : vector<1280x1xi32> to vector<1280x79xi32>
    %eq3A_9 = arith.cmpi eq, %eq3A_8, %iota3A : vector<1280x79xi32>
    %convert_element_type3A_10 = arith.extui %eq3A_9 : vector<1280x79xi1> to vector<1280x79xi32>
    %convert_element_type3A_11 = arith.sitofp %convert_element_type3A_10 : vector<1280x79xi32> to vector<1280x79xf32>
    %broadcast_in_dim3A_12 = vector.shape_cast %get3A_5 : vector<1280xi32> to vector<1280x1xi32>
    %and3A = arith.constant 127 : i32
    %and3A_13 = vector.broadcast %and3A : i32 to vector<1280x1xi32>
    %and3A_14 = arith.andi %broadcast_in_dim3A_12, %and3A_13 : vector<1280x1xi32>
    %iota3A_15 = tpu.iota {dimensions = array<i32: 1>} : vector<1280x128xi32>
    %eq3A_16 = vector.broadcast %and3A_14 : vector<1280x1xi32> to vector<1280x128xi32>
    %eq3A_17 = arith.cmpi eq, %eq3A_16, %iota3A_15 : vector<1280x128xi32>
    %convert_element_type3A_18 = arith.extui %eq3A_17 : vector<1280x128xi1> to vector<1280x128xi32>
    %convert_element_type3A_19 = arith.sitofp %convert_element_type3A_18 : vector<1280x128xi32> to vector<1280x128xf32>
    %get3A_20 = arith.constant 0 : index
    %get3A_21 = arith.constant 0 : index
    %get3A_22 = vector.load %arg5[%get3A_20, %get3A_21] : memref<79x128xf32, #tpu.memory_space<vmem>>, vector<79x128xf32>
    %dot_general3A = arith.constant dense<0.000000e+00> : vector<79x128xf32>
    %dot_general3A_23 = tpu.matmul %convert_element_type3A_11, %convert_element_type3A_19, %dot_general3A {dimension_numbers = #tpu.dot_dimension_numbers<[0], [0], [1], [1], [0, 1, 1, 1], [], []>, transpose_lhs_hint = false} : vector<1280x79xf32>, vector<1280x128xf32>, vector<79x128xf32> -> vector<79x128xf32>
    %add3A = arith.addf %get3A_22, %dot_general3A_23 : vector<79x128xf32>
    %swap3A = arith.constant 0 : index
    %swap3A_24 = arith.constant 0 : index
    %swap3A_25 = vector.load %arg5[%swap3A, %swap3A_24] : memref<79x128xf32, #tpu.memory_space<vmem>>, vector<79x128xf32>
    tpu.vector_store %arg5[%swap3A, %swap3A_24], %add3A {strides = array<i32>} : memref<79x128xf32, #tpu.memory_space<vmem>>, vector<79x128xf32>,
    %eq3A_26 = arith.constant 249 : i32
    %eq3A_27 = arith.cmpi eq, %arg0, %eq3A_26 : i32
    %convert_element_type3A_28 = arith.extui %eq3A_27 : i1 to i32
    %cond3A_29 = arith.constant 0 : i32
    %cond3A_30 = arith.cmpi ne, %convert_element_type3A_28, %cond3A_29 : i32
    scf.if %cond3A_30 {
      %get3A_31 = arith.constant 0 : index
      %get3A_32 = arith.constant 0 : index
      %get3A_33 = vector.load %arg5[%get3A_31, %get3A_32] : memref<79x128xf32, #tpu.memory_space<vmem>>, vector<79x128xf32>
      %swap3A_34 = arith.constant 0 : index
      %swap3A_35 = arith.constant 0 : index
      %swap3A_36 = vector.load %arg3[%swap3A_34, %swap3A_35] : memref<79x128xf32, #tpu.memory_space<vmem>>, vector<79x128xf32>
      tpu.vector_store %arg3[%swap3A_34, %swap3A_35], %get3A_33 {strides = array<i32>} : memref<79x128xf32, #tpu.memory_space<vmem>>, vector<79x128xf32>,
    } else {
    }
    return
  }
  func.func @transform_0(%arg0: i32) -> (i32, i32, i32) {
    %c0_i32 = arith.constant 0 : i32
    %c0_i32_0 = arith.constant 0 : i32
    %c0_i32_1 = arith.constant 0 : i32
    return %arg0, %c0_i32, %c0_i32_0 : i32, i32, i32
  }
  func.func @transform_1(%arg0: i32) -> i32 {
    %c0_i32 = arith.constant 0 : i32
    %c0_i32_0 = arith.constant 0 : i32
    return %c0_i32 : i32
  }
  func.func @transform_2(%arg0: i32) -> (i32, i32) {
    %c0_i32 = arith.constant 0 : i32
    %c0_i32_0 = arith.constant 0 : i32
    %c0_i32_1 = arith.constant 0 : i32
    return %c0_i32, %c0_i32_0 : i32, i32
  }
  func.func @transform_3(%arg0: i32) -> (i32, i32) {
    %c0_i32 = arith.constant 0 : i32
    %c0_i32_0 = arith.constant 0 : i32
    %c0_i32_1 = arith.constant 0 : i32
    return %c0_i32, %c0_i32_0 : i32, i32
  }
}

module attributes {stable_mosaic.version = 14 : i64} {
  func.func @body(%arg0: memref<2x10000x128xf32, #tpu.memory_space<vmem>>, %arg1: memref<10112x1xf32, #tpu.memory_space<vmem>>, %arg2: memref<10000x128xf32, #tpu.memory_space<vmem>>, %arg3: memref<128x128xf32, #tpu.memory_space<vmem>>, %arg4: memref<128x128xf32, #tpu.memory_space<vmem>>, %arg5: memref<128xf32, #tpu.memory_space<vmem>>, %arg6: memref<10000x128xf32, #tpu.memory_space<vmem>>, %arg7: memref<10000x1xf32, #tpu.memory_space<vmem>>) attributes {dimension_semantics = [], scalar_prefetch = 0 : i64, scratch_operands = 0 : i64, tpu.core_type = #tpu.core_type<tc>} {
    %get3A = arith.constant 0 : index
    %get3A_0 = arith.constant 0 : index
    %get3A_1 = vector.load %arg1[%get3A, %get3A_0] : memref<10112x1xf32, #tpu.memory_space<vmem>>, vector<10000x1xf32>
    %max3A = arith.constant 1.000000e+00 : f32
    %max3A_2 = vector.broadcast %max3A : f32 to vector<10000x1xf32>
    %max3A_3 = arith.maximumf %get3A_1, %max3A_2 : vector<10000x1xf32>
    %swap3A = arith.constant 0 : index
    %swap3A_4 = arith.constant 0 : index
    %swap3A_5 = vector.load %arg7[%swap3A, %swap3A_4] : memref<10000x1xf32, #tpu.memory_space<vmem>>, vector<10000x1xf32>
    tpu.vector_store %arg7[%swap3A, %swap3A_4], %max3A_3 {strides = array<i32>} : memref<10000x1xf32, #tpu.memory_space<vmem>>, vector<10000x1xf32>,
    %get3A_6 = arith.constant 0 : index
    %get3A_7 = arith.constant 0 : index
    %get3A_8 = arith.constant 0 : index
    %get3A_9 = vector.load %arg0[%get3A_6, %get3A_7, %get3A_8] : memref<2x10000x128xf32, #tpu.memory_space<vmem>>, vector<1x10000x128xf32>
    %get3A_10 = vector.shape_cast %get3A_9 : vector<1x10000x128xf32> to vector<10000x128xf32>
    %get3A_11 = arith.constant 1 : index
    %get3A_12 = arith.constant 0 : index
    %get3A_13 = arith.constant 0 : index
    %get3A_14 = vector.load %arg0[%get3A_11, %get3A_12, %get3A_13] : memref<2x10000x128xf32, #tpu.memory_space<vmem>>, vector<1x10000x128xf32>
    %get3A_15 = vector.shape_cast %get3A_14 : vector<1x10000x128xf32> to vector<10000x128xf32>
    %add3A = arith.addf %get3A_10, %get3A_15 : vector<10000x128xf32>
    %div3A = vector.broadcast %max3A_3 : vector<10000x1xf32> to vector<10000x128xf32>
    %div3A_16 = arith.divf %add3A, %div3A : vector<10000x128xf32>
    %get3A_17 = arith.constant 0 : index
    %get3A_18 = arith.constant 0 : index
    %get3A_19 = vector.load %arg3[%get3A_17, %get3A_18] : memref<128x128xf32, #tpu.memory_space<vmem>>, vector<128x128xf32>
    %dot_general3A = arith.constant dense<0.000000e+00> : vector<10000x128xf32>
    %dot_general3A_20 = tpu.matmul %div3A_16, %get3A_19, %dot_general3A {dimension_numbers = #tpu.dot_dimension_numbers<[1], [1], [0], [0], [0, 0, 1, 0], [], []>, transpose_lhs_hint = false} : vector<10000x128xf32>, vector<128x128xf32>, vector<10000x128xf32> -> vector<10000x128xf32>
    %get3A_21 = arith.constant 0 : index
    %get3A_22 = arith.constant 0 : index
    %get3A_23 = vector.load %arg2[%get3A_21, %get3A_22] : memref<10000x128xf32, #tpu.memory_space<vmem>>, vector<10000x128xf32>
    %get3A_24 = arith.constant 0 : index
    %get3A_25 = arith.constant 0 : index
    %get3A_26 = vector.load %arg4[%get3A_24, %get3A_25] : memref<128x128xf32, #tpu.memory_space<vmem>>, vector<128x128xf32>
    %dot_general3A_27 = arith.constant dense<0.000000e+00> : vector<10000x128xf32>
    %dot_general3A_28 = tpu.matmul %get3A_23, %get3A_26, %dot_general3A_27 {dimension_numbers = #tpu.dot_dimension_numbers<[1], [1], [0], [0], [0, 0, 1, 0], [], []>, transpose_lhs_hint = false} : vector<10000x128xf32>, vector<128x128xf32>, vector<10000x128xf32> -> vector<10000x128xf32>
    %add3A_29 = arith.addf %dot_general3A_20, %dot_general3A_28 : vector<10000x128xf32>
    %get3A_30 = arith.constant 0 : index
    %get3A_31 = vector.load %arg5[%get3A_30] : memref<128xf32, #tpu.memory_space<vmem>>, vector<128xf32>
    %broadcast_in_dim3A = vector.shape_cast %get3A_31 : vector<128xf32> to vector<1x128xf32>
    %add3A_32 = vector.broadcast %broadcast_in_dim3A : vector<1x128xf32> to vector<10000x128xf32>
    %add3A_33 = arith.addf %add3A_29, %add3A_32 : vector<10000x128xf32>
    %max3A_34 = arith.constant 0.000000e+00 : f32
    %max3A_35 = vector.broadcast %max3A_34 : f32 to vector<10000x128xf32>
    %max3A_36 = arith.maximumf %add3A_33, %max3A_35 : vector<10000x128xf32>
    %swap3A_37 = arith.constant 0 : index
    %swap3A_38 = arith.constant 0 : index
    %swap3A_39 = vector.load %arg6[%swap3A_37, %swap3A_38] : memref<10000x128xf32, #tpu.memory_space<vmem>>, vector<10000x128xf32>
    tpu.vector_store %arg6[%swap3A_37, %swap3A_38], %max3A_36 {strides = array<i32>} : memref<10000x128xf32, #tpu.memory_space<vmem>>, vector<10000x128xf32>,
    return
  }
}

module attributes {stable_mosaic.version = 14 : i64} {
  func.func @body(%arg0: memref<2x10000x128xf32, #tpu.memory_space<vmem>>, %arg1: memref<10000x1xf32, #tpu.memory_space<vmem>>, %arg2: memref<10000x128xf32, #tpu.memory_space<vmem>>, %arg3: memref<128x128xf32, #tpu.memory_space<vmem>>, %arg4: memref<128x128xf32, #tpu.memory_space<vmem>>, %arg5: memref<128xf32, #tpu.memory_space<vmem>>, %arg6: memref<10000x128xf32, #tpu.memory_space<vmem>>) attributes {dimension_semantics = [], scalar_prefetch = 0 : i64, scratch_operands = 0 : i64, tpu.core_type = #tpu.core_type<tc>} {
    %get3A = arith.constant 0 : index
    %get3A_0 = arith.constant 0 : index
    %get3A_1 = arith.constant 0 : index
    %get3A_2 = vector.load %arg0[%get3A, %get3A_0, %get3A_1] : memref<2x10000x128xf32, #tpu.memory_space<vmem>>, vector<1x10000x128xf32>
    %get3A_3 = vector.shape_cast %get3A_2 : vector<1x10000x128xf32> to vector<10000x128xf32>
    %get3A_4 = arith.constant 1 : index
    %get3A_5 = arith.constant 0 : index
    %get3A_6 = arith.constant 0 : index
    %get3A_7 = vector.load %arg0[%get3A_4, %get3A_5, %get3A_6] : memref<2x10000x128xf32, #tpu.memory_space<vmem>>, vector<1x10000x128xf32>
    %get3A_8 = vector.shape_cast %get3A_7 : vector<1x10000x128xf32> to vector<10000x128xf32>
    %add3A = arith.addf %get3A_3, %get3A_8 : vector<10000x128xf32>
    %get3A_9 = arith.constant 0 : index
    %get3A_10 = arith.constant 0 : index
    %get3A_11 = vector.load %arg1[%get3A_9, %get3A_10] : memref<10000x1xf32, #tpu.memory_space<vmem>>, vector<10000x1xf32>
    %div3A = vector.broadcast %get3A_11 : vector<10000x1xf32> to vector<10000x128xf32>
    %div3A_12 = arith.divf %add3A, %div3A : vector<10000x128xf32>
    %get3A_13 = arith.constant 0 : index
    %get3A_14 = arith.constant 0 : index
    %get3A_15 = vector.load %arg3[%get3A_13, %get3A_14] : memref<128x128xf32, #tpu.memory_space<vmem>>, vector<128x128xf32>
    %dot_general3A = arith.constant dense<0.000000e+00> : vector<10000x128xf32>
    %dot_general3A_16 = tpu.matmul %div3A_12, %get3A_15, %dot_general3A {dimension_numbers = #tpu.dot_dimension_numbers<[1], [1], [0], [0], [0, 0, 1, 0], [], []>, transpose_lhs_hint = false} : vector<10000x128xf32>, vector<128x128xf32>, vector<10000x128xf32> -> vector<10000x128xf32>
    %get3A_17 = arith.constant 0 : index
    %get3A_18 = arith.constant 0 : index
    %get3A_19 = vector.load %arg2[%get3A_17, %get3A_18] : memref<10000x128xf32, #tpu.memory_space<vmem>>, vector<10000x128xf32>
    %get3A_20 = arith.constant 0 : index
    %get3A_21 = arith.constant 0 : index
    %get3A_22 = vector.load %arg4[%get3A_20, %get3A_21] : memref<128x128xf32, #tpu.memory_space<vmem>>, vector<128x128xf32>
    %dot_general3A_23 = arith.constant dense<0.000000e+00> : vector<10000x128xf32>
    %dot_general3A_24 = tpu.matmul %get3A_19, %get3A_22, %dot_general3A_23 {dimension_numbers = #tpu.dot_dimension_numbers<[1], [1], [0], [0], [0, 0, 1, 0], [], []>, transpose_lhs_hint = false} : vector<10000x128xf32>, vector<128x128xf32>, vector<10000x128xf32> -> vector<10000x128xf32>
    %add3A_25 = arith.addf %dot_general3A_16, %dot_general3A_24 : vector<10000x128xf32>
    %get3A_26 = arith.constant 0 : index
    %get3A_27 = vector.load %arg5[%get3A_26] : memref<128xf32, #tpu.memory_space<vmem>>, vector<128xf32>
    %broadcast_in_dim3A = vector.shape_cast %get3A_27 : vector<128xf32> to vector<1x128xf32>
    %add3A_28 = vector.broadcast %broadcast_in_dim3A : vector<1x128xf32> to vector<10000x128xf32>
    %add3A_29 = arith.addf %add3A_25, %add3A_28 : vector<10000x128xf32>
    %max3A = arith.constant 0.000000e+00 : f32
    %max3A_30 = vector.broadcast %max3A : f32 to vector<10000x128xf32>
    %max3A_31 = arith.maximumf %add3A_29, %max3A_30 : vector<10000x128xf32>
    %swap3A = arith.constant 0 : index
    %swap3A_32 = arith.constant 0 : index
    %swap3A_33 = vector.load %arg6[%swap3A, %swap3A_32] : memref<10000x128xf32, #tpu.memory_space<vmem>>, vector<10000x128xf32>
    tpu.vector_store %arg6[%swap3A, %swap3A_32], %max3A_31 {strides = array<i32>} : memref<10000x128xf32, #tpu.memory_space<vmem>>, vector<10000x128xf32>,
    return
  }
}

module attributes {stable_mosaic.version = 14 : i64} {
  func.func @body(%arg0: memref<2x10000x128xf32, #tpu.memory_space<vmem>>, %arg1: memref<10000x1xf32, #tpu.memory_space<vmem>>, %arg2: memref<10000x128xf32, #tpu.memory_space<vmem>>, %arg3: memref<512x2xi32, #tpu.memory_space<vmem>>, %arg4: memref<128x128xf32, #tpu.memory_space<vmem>>, %arg5: memref<128x128xf32, #tpu.memory_space<vmem>>, %arg6: memref<128xf32, #tpu.memory_space<vmem>>, %arg7: memref<128x128xf32, #tpu.memory_space<vmem>>, %arg8: memref<128xf32, #tpu.memory_space<vmem>>, %arg9: memref<1x128xf32, #tpu.memory_space<vmem>>, %arg10: memref<512x1xf32, #tpu.memory_space<vmem>>) attributes {dimension_semantics = [], scalar_prefetch = 0 : i64, scratch_operands = 0 : i64, tpu.core_type = #tpu.core_type<tc>} {
    %get3A = arith.constant 0 : index
    %get3A_0 = arith.constant 0 : index
    %get3A_1 = arith.constant 0 : index
    %get3A_2 = vector.load %arg0[%get3A, %get3A_0, %get3A_1] : memref<2x10000x128xf32, #tpu.memory_space<vmem>>, vector<1x10000x128xf32>
    %get3A_3 = vector.shape_cast %get3A_2 : vector<1x10000x128xf32> to vector<10000x128xf32>
    %get3A_4 = arith.constant 1 : index
    %get3A_5 = arith.constant 0 : index
    %get3A_6 = arith.constant 0 : index
    %get3A_7 = vector.load %arg0[%get3A_4, %get3A_5, %get3A_6] : memref<2x10000x128xf32, #tpu.memory_space<vmem>>, vector<1x10000x128xf32>
    %get3A_8 = vector.shape_cast %get3A_7 : vector<1x10000x128xf32> to vector<10000x128xf32>
    %add3A = arith.addf %get3A_3, %get3A_8 : vector<10000x128xf32>
    %get3A_9 = arith.constant 0 : index
    %get3A_10 = arith.constant 0 : index
    %get3A_11 = vector.load %arg1[%get3A_9, %get3A_10] : memref<10000x1xf32, #tpu.memory_space<vmem>>, vector<10000x1xf32>
    %div3A = vector.broadcast %get3A_11 : vector<10000x1xf32> to vector<10000x128xf32>
    %div3A_12 = arith.divf %add3A, %div3A : vector<10000x128xf32>
    %get3A_13 = arith.constant 0 : index
    %get3A_14 = arith.constant 0 : index
    %get3A_15 = vector.load %arg4[%get3A_13, %get3A_14] : memref<128x128xf32, #tpu.memory_space<vmem>>, vector<128x128xf32>
    %dot_general3A = arith.constant dense<0.000000e+00> : vector<10000x128xf32>
    %dot_general3A_16 = tpu.matmul %div3A_12, %get3A_15, %dot_general3A {dimension_numbers = #tpu.dot_dimension_numbers<[1], [1], [0], [0], [0, 0, 1, 0], [], []>, transpose_lhs_hint = false} : vector<10000x128xf32>, vector<128x128xf32>, vector<10000x128xf32> -> vector<10000x128xf32>
    %get3A_17 = arith.constant 0 : index
    %get3A_18 = arith.constant 0 : index
    %get3A_19 = vector.load %arg2[%get3A_17, %get3A_18] : memref<10000x128xf32, #tpu.memory_space<vmem>>, vector<10000x128xf32>
    %get3A_20 = arith.constant 0 : index
    %get3A_21 = arith.constant 0 : index
    %get3A_22 = vector.load %arg5[%get3A_20, %get3A_21] : memref<128x128xf32, #tpu.memory_space<vmem>>, vector<128x128xf32>
    %dot_general3A_23 = arith.constant dense<0.000000e+00> : vector<10000x128xf32>
    %dot_general3A_24 = tpu.matmul %get3A_19, %get3A_22, %dot_general3A_23 {dimension_numbers = #tpu.dot_dimension_numbers<[1], [1], [0], [0], [0, 0, 1, 0], [], []>, transpose_lhs_hint = false} : vector<10000x128xf32>, vector<128x128xf32>, vector<10000x128xf32> -> vector<10000x128xf32>
    %add3A_25 = arith.addf %dot_general3A_16, %dot_general3A_24 : vector<10000x128xf32>
    %get3A_26 = arith.constant 0 : index
    %get3A_27 = vector.load %arg6[%get3A_26] : memref<128xf32, #tpu.memory_space<vmem>>, vector<128xf32>
    %broadcast_in_dim3A = vector.shape_cast %get3A_27 : vector<128xf32> to vector<1x128xf32>
    %add3A_28 = vector.broadcast %broadcast_in_dim3A : vector<1x128xf32> to vector<10000x128xf32>
    %add3A_29 = arith.addf %add3A_25, %add3A_28 : vector<10000x128xf32>
    %get3A_30 = arith.constant 0 : index
    %get3A_31 = arith.constant 0 : index
    %get3A_32 = vector.load %arg3[%get3A_30, %get3A_31] : memref<512x2xi32, #tpu.memory_space<vmem>>, vector<512x2xi32>
    %slice3A = vector.extract_strided_slice %get3A_32 {offsets = [0, 0], sizes = [512, 1], strides = [1, 1]} : vector<512x2xi32> to vector<512x1xi32>
    %get3A_33 = arith.constant 0 : index
    %get3A_34 = arith.constant 0 : index
    %get3A_35 = vector.load %arg3[%get3A_33, %get3A_34] : memref<512x2xi32, #tpu.memory_space<vmem>>, vector<512x2xi32>
    %slice3A_36 = vector.extract_strided_slice %get3A_35 {offsets = [0, 1], sizes = [512, 1], strides = [1, 1]} : vector<512x2xi32> to vector<512x1xi32>
    %broadcast_in_dim3A_37 = arith.constant 0.000000e+00 : f32
    %broadcast_in_dim3A_38 = vector.broadcast %broadcast_in_dim3A_37 : f32 to vector<512x128xf32>
    %broadcast_in_dim3A_39 = arith.constant 0.000000e+00 : f32
    %broadcast_in_dim3A_40 = vector.broadcast %broadcast_in_dim3A_39 : f32 to vector<512x128xf32>
    %slice3A_41 = vector.extract_strided_slice %add3A_29 {offsets = [0, 0], sizes = [1000, 128], strides = [1, 1]} : vector<10000x128xf32> to vector<1000x128xf32>
    %iota3A = tpu.iota {dimensions = array<i32: 1>} : vector<512x1000xi32>
    %add3A_42 = arith.constant 0 : i32
    %add3A_43 = vector.broadcast %add3A_42 : i32 to vector<512x1000xi32>
    %add3A_44 = arith.addi %iota3A, %add3A_43 : vector<512x1000xi32>
    %eq3A = vector.broadcast %slice3A : vector<512x1xi32> to vector<512x1000xi32>
    %eq3A_45 = arith.cmpi eq, %eq3A, %add3A_44 : vector<512x1000xi32>
    %convert_element_type3A = arith.extui %eq3A_45 : vector<512x1000xi1> to vector<512x1000xi32>
    %convert_element_type3A_46 = arith.sitofp %convert_element_type3A : vector<512x1000xi32> to vector<512x1000xf32>
    %eq3A_47 = vector.broadcast %slice3A_36 : vector<512x1xi32> to vector<512x1000xi32>
    %eq3A_48 = arith.cmpi eq, %eq3A_47, %add3A_44 : vector<512x1000xi32>
    %convert_element_type3A_49 = arith.extui %eq3A_48 : vector<512x1000xi1> to vector<512x1000xi32>
    %convert_element_type3A_50 = arith.sitofp %convert_element_type3A_49 : vector<512x1000xi32> to vector<512x1000xf32>
    %dot_general3A_51 = arith.constant dense<0.000000e+00> : vector<512x128xf32>
    %dot_general3A_52 = tpu.matmul %convert_element_type3A_46, %slice3A_41, %dot_general3A_51 {dimension_numbers = #tpu.dot_dimension_numbers<[1], [0], [0], [1], [0, 0, 1, 1], [], []>, transpose_lhs_hint = false} : vector<512x1000xf32>, vector<1000x128xf32>, vector<512x128xf32> -> vector<512x128xf32>
    %add3A_53 = arith.addf %broadcast_in_dim3A_38, %dot_general3A_52 : vector<512x128xf32>
    %dot_general3A_54 = arith.constant dense<0.000000e+00> : vector<512x128xf32>
    %dot_general3A_55 = tpu.matmul %convert_element_type3A_50, %slice3A_41, %dot_general3A_54 {dimension_numbers = #tpu.dot_dimension_numbers<[1], [0], [0], [1], [0, 0, 1, 1], [], []>, transpose_lhs_hint = false} : vector<512x1000xf32>, vector<1000x128xf32>, vector<512x128xf32> -> vector<512x128xf32>
    %add3A_56 = arith.addf %broadcast_in_dim3A_40, %dot_general3A_55 : vector<512x128xf32>
    %slice3A_57 = vector.extract_strided_slice %add3A_29 {offsets = [1000, 0], sizes = [1000, 128], strides = [1, 1]} : vector<10000x128xf32> to vector<1000x128xf32>
    %iota3A_58 = tpu.iota {dimensions = array<i32: 1>} : vector<512x1000xi32>
    %add3A_59 = arith.constant 1000 : i32
    %add3A_60 = vector.broadcast %add3A_59 : i32 to vector<512x1000xi32>
    %add3A_61 = arith.addi %iota3A_58, %add3A_60 : vector<512x1000xi32>
    %eq3A_62 = vector.broadcast %slice3A : vector<512x1xi32> to vector<512x1000xi32>
    %eq3A_63 = arith.cmpi eq, %eq3A_62, %add3A_61 : vector<512x1000xi32>
    %convert_element_type3A_64 = arith.extui %eq3A_63 : vector<512x1000xi1> to vector<512x1000xi32>
    %convert_element_type3A_65 = arith.sitofp %convert_element_type3A_64 : vector<512x1000xi32> to vector<512x1000xf32>
    %eq3A_66 = vector.broadcast %slice3A_36 : vector<512x1xi32> to vector<512x1000xi32>
    %eq3A_67 = arith.cmpi eq, %eq3A_66, %add3A_61 : vector<512x1000xi32>
    %convert_element_type3A_68 = arith.extui %eq3A_67 : vector<512x1000xi1> to vector<512x1000xi32>
    %convert_element_type3A_69 = arith.sitofp %convert_element_type3A_68 : vector<512x1000xi32> to vector<512x1000xf32>
    %dot_general3A_70 = arith.constant dense<0.000000e+00> : vector<512x128xf32>
    %dot_general3A_71 = tpu.matmul %convert_element_type3A_65, %slice3A_57, %dot_general3A_70 {dimension_numbers = #tpu.dot_dimension_numbers<[1], [0], [0], [1], [0, 0, 1, 1], [], []>, transpose_lhs_hint = false} : vector<512x1000xf32>, vector<1000x128xf32>, vector<512x128xf32> -> vector<512x128xf32>
    %add3A_72 = arith.addf %add3A_53, %dot_general3A_71 : vector<512x128xf32>
    %dot_general3A_73 = arith.constant dense<0.000000e+00> : vector<512x128xf32>
    %dot_general3A_74 = tpu.matmul %convert_element_type3A_69, %slice3A_57, %dot_general3A_73 {dimension_numbers = #tpu.dot_dimension_numbers<[1], [0], [0], [1], [0, 0, 1, 1], [], []>, transpose_lhs_hint = false} : vector<512x1000xf32>, vector<1000x128xf32>, vector<512x128xf32> -> vector<512x128xf32>
    %add3A_75 = arith.addf %add3A_56, %dot_general3A_74 : vector<512x128xf32>
    %slice3A_76 = vector.extract_strided_slice %add3A_29 {offsets = [2000, 0], sizes = [1000, 128], strides = [1, 1]} : vector<10000x128xf32> to vector<1000x128xf32>
    %iota3A_77 = tpu.iota {dimensions = array<i32: 1>} : vector<512x1000xi32>
    %add3A_78 = arith.constant 2000 : i32
    %add3A_79 = vector.broadcast %add3A_78 : i32 to vector<512x1000xi32>
    %add3A_80 = arith.addi %iota3A_77, %add3A_79 : vector<512x1000xi32>
    %eq3A_81 = vector.broadcast %slice3A : vector<512x1xi32> to vector<512x1000xi32>
    %eq3A_82 = arith.cmpi eq, %eq3A_81, %add3A_80 : vector<512x1000xi32>
    %convert_element_type3A_83 = arith.extui %eq3A_82 : vector<512x1000xi1> to vector<512x1000xi32>
    %convert_element_type3A_84 = arith.sitofp %convert_element_type3A_83 : vector<512x1000xi32> to vector<512x1000xf32>
    %eq3A_85 = vector.broadcast %slice3A_36 : vector<512x1xi32> to vector<512x1000xi32>
    %eq3A_86 = arith.cmpi eq, %eq3A_85, %add3A_80 : vector<512x1000xi32>
    %convert_element_type3A_87 = arith.extui %eq3A_86 : vector<512x1000xi1> to vector<512x1000xi32>
    %convert_element_type3A_88 = arith.sitofp %convert_element_type3A_87 : vector<512x1000xi32> to vector<512x1000xf32>
    %dot_general3A_89 = arith.constant dense<0.000000e+00> : vector<512x128xf32>
    %dot_general3A_90 = tpu.matmul %convert_element_type3A_84, %slice3A_76, %dot_general3A_89 {dimension_numbers = #tpu.dot_dimension_numbers<[1], [0], [0], [1], [0, 0, 1, 1], [], []>, transpose_lhs_hint = false} : vector<512x1000xf32>, vector<1000x128xf32>, vector<512x128xf32> -> vector<512x128xf32>
    %add3A_91 = arith.addf %add3A_72, %dot_general3A_90 : vector<512x128xf32>
    %dot_general3A_92 = arith.constant dense<0.000000e+00> : vector<512x128xf32>
    %dot_general3A_93 = tpu.matmul %convert_element_type3A_88, %slice3A_76, %dot_general3A_92 {dimension_numbers = #tpu.dot_dimension_numbers<[1], [0], [0], [1], [0, 0, 1, 1], [], []>, transpose_lhs_hint = false} : vector<512x1000xf32>, vector<1000x128xf32>, vector<512x128xf32> -> vector<512x128xf32>
    %add3A_94 = arith.addf %add3A_75, %dot_general3A_93 : vector<512x128xf32>
    %slice3A_95 = vector.extract_strided_slice %add3A_29 {offsets = [3000, 0], sizes = [1000, 128], strides = [1, 1]} : vector<10000x128xf32> to vector<1000x128xf32>
    %iota3A_96 = tpu.iota {dimensions = array<i32: 1>} : vector<512x1000xi32>
    %add3A_97 = arith.constant 3000 : i32
    %add3A_98 = vector.broadcast %add3A_97 : i32 to vector<512x1000xi32>
    %add3A_99 = arith.addi %iota3A_96, %add3A_98 : vector<512x1000xi32>
    %eq3A_100 = vector.broadcast %slice3A : vector<512x1xi32> to vector<512x1000xi32>
    %eq3A_101 = arith.cmpi eq, %eq3A_100, %add3A_99 : vector<512x1000xi32>
    %convert_element_type3A_102 = arith.extui %eq3A_101 : vector<512x1000xi1> to vector<512x1000xi32>
    %convert_element_type3A_103 = arith.sitofp %convert_element_type3A_102 : vector<512x1000xi32> to vector<512x1000xf32>
    %eq3A_104 = vector.broadcast %slice3A_36 : vector<512x1xi32> to vector<512x1000xi32>
    %eq3A_105 = arith.cmpi eq, %eq3A_104, %add3A_99 : vector<512x1000xi32>
    %convert_element_type3A_106 = arith.extui %eq3A_105 : vector<512x1000xi1> to vector<512x1000xi32>
    %convert_element_type3A_107 = arith.sitofp %convert_element_type3A_106 : vector<512x1000xi32> to vector<512x1000xf32>
    %dot_general3A_108 = arith.constant dense<0.000000e+00> : vector<512x128xf32>
    %dot_general3A_109 = tpu.matmul %convert_element_type3A_103, %slice3A_95, %dot_general3A_108 {dimension_numbers = #tpu.dot_dimension_numbers<[1], [0], [0], [1], [0, 0, 1, 1], [], []>, transpose_lhs_hint = false} : vector<512x1000xf32>, vector<1000x128xf32>, vector<512x128xf32> -> vector<512x128xf32>
    %add3A_110 = arith.addf %add3A_91, %dot_general3A_109 : vector<512x128xf32>
    %dot_general3A_111 = arith.constant dense<0.000000e+00> : vector<512x128xf32>
    %dot_general3A_112 = tpu.matmul %convert_element_type3A_107, %slice3A_95, %dot_general3A_111 {dimension_numbers = #tpu.dot_dimension_numbers<[1], [0], [0], [1], [0, 0, 1, 1], [], []>, transpose_lhs_hint = false} : vector<512x1000xf32>, vector<1000x128xf32>, vector<512x128xf32> -> vector<512x128xf32>
    %add3A_113 = arith.addf %add3A_94, %dot_general3A_112 : vector<512x128xf32>
    %slice3A_114 = vector.extract_strided_slice %add3A_29 {offsets = [4000, 0], sizes = [1000, 128], strides = [1, 1]} : vector<10000x128xf32> to vector<1000x128xf32>
    %iota3A_115 = tpu.iota {dimensions = array<i32: 1>} : vector<512x1000xi32>
    %add3A_116 = arith.constant 4000 : i32
    %add3A_117 = vector.broadcast %add3A_116 : i32 to vector<512x1000xi32>
    %add3A_118 = arith.addi %iota3A_115, %add3A_117 : vector<512x1000xi32>
    %eq3A_119 = vector.broadcast %slice3A : vector<512x1xi32> to vector<512x1000xi32>
    %eq3A_120 = arith.cmpi eq, %eq3A_119, %add3A_118 : vector<512x1000xi32>
    %convert_element_type3A_121 = arith.extui %eq3A_120 : vector<512x1000xi1> to vector<512x1000xi32>
    %convert_element_type3A_122 = arith.sitofp %convert_element_type3A_121 : vector<512x1000xi32> to vector<512x1000xf32>
    %eq3A_123 = vector.broadcast %slice3A_36 : vector<512x1xi32> to vector<512x1000xi32>
    %eq3A_124 = arith.cmpi eq, %eq3A_123, %add3A_118 : vector<512x1000xi32>
    %convert_element_type3A_125 = arith.extui %eq3A_124 : vector<512x1000xi1> to vector<512x1000xi32>
    %convert_element_type3A_126 = arith.sitofp %convert_element_type3A_125 : vector<512x1000xi32> to vector<512x1000xf32>
    %dot_general3A_127 = arith.constant dense<0.000000e+00> : vector<512x128xf32>
    %dot_general3A_128 = tpu.matmul %convert_element_type3A_122, %slice3A_114, %dot_general3A_127 {dimension_numbers = #tpu.dot_dimension_numbers<[1], [0], [0], [1], [0, 0, 1, 1], [], []>, transpose_lhs_hint = false} : vector<512x1000xf32>, vector<1000x128xf32>, vector<512x128xf32> -> vector<512x128xf32>
    %add3A_129 = arith.addf %add3A_110, %dot_general3A_128 : vector<512x128xf32>
    %dot_general3A_130 = arith.constant dense<0.000000e+00> : vector<512x128xf32>
    %dot_general3A_131 = tpu.matmul %convert_element_type3A_126, %slice3A_114, %dot_general3A_130 {dimension_numbers = #tpu.dot_dimension_numbers<[1], [0], [0], [1], [0, 0, 1, 1], [], []>, transpose_lhs_hint = false} : vector<512x1000xf32>, vector<1000x128xf32>, vector<512x128xf32> -> vector<512x128xf32>
    %add3A_132 = arith.addf %add3A_113, %dot_general3A_131 : vector<512x128xf32>
    %slice3A_133 = vector.extract_strided_slice %add3A_29 {offsets = [5000, 0], sizes = [1000, 128], strides = [1, 1]} : vector<10000x128xf32> to vector<1000x128xf32>
    %iota3A_134 = tpu.iota {dimensions = array<i32: 1>} : vector<512x1000xi32>
    %add3A_135 = arith.constant 5000 : i32
    %add3A_136 = vector.broadcast %add3A_135 : i32 to vector<512x1000xi32>
    %add3A_137 = arith.addi %iota3A_134, %add3A_136 : vector<512x1000xi32>
    %eq3A_138 = vector.broadcast %slice3A : vector<512x1xi32> to vector<512x1000xi32>
    %eq3A_139 = arith.cmpi eq, %eq3A_138, %add3A_137 : vector<512x1000xi32>
    %convert_element_type3A_140 = arith.extui %eq3A_139 : vector<512x1000xi1> to vector<512x1000xi32>
    %convert_element_type3A_141 = arith.sitofp %convert_element_type3A_140 : vector<512x1000xi32> to vector<512x1000xf32>
    %eq3A_142 = vector.broadcast %slice3A_36 : vector<512x1xi32> to vector<512x1000xi32>
    %eq3A_143 = arith.cmpi eq, %eq3A_142, %add3A_137 : vector<512x1000xi32>
    %convert_element_type3A_144 = arith.extui %eq3A_143 : vector<512x1000xi1> to vector<512x1000xi32>
    %convert_element_type3A_145 = arith.sitofp %convert_element_type3A_144 : vector<512x1000xi32> to vector<512x1000xf32>
    %dot_general3A_146 = arith.constant dense<0.000000e+00> : vector<512x128xf32>
    %dot_general3A_147 = tpu.matmul %convert_element_type3A_141, %slice3A_133, %dot_general3A_146 {dimension_numbers = #tpu.dot_dimension_numbers<[1], [0], [0], [1], [0, 0, 1, 1], [], []>, transpose_lhs_hint = false} : vector<512x1000xf32>, vector<1000x128xf32>, vector<512x128xf32> -> vector<512x128xf32>
    %add3A_148 = arith.addf %add3A_129, %dot_general3A_147 : vector<512x128xf32>
    %dot_general3A_149 = arith.constant dense<0.000000e+00> : vector<512x128xf32>
    %dot_general3A_150 = tpu.matmul %convert_element_type3A_145, %slice3A_133, %dot_general3A_149 {dimension_numbers = #tpu.dot_dimension_numbers<[1], [0], [0], [1], [0, 0, 1, 1], [], []>, transpose_lhs_hint = false} : vector<512x1000xf32>, vector<1000x128xf32>, vector<512x128xf32> -> vector<512x128xf32>
    %add3A_151 = arith.addf %add3A_132, %dot_general3A_150 : vector<512x128xf32>
    %slice3A_152 = vector.extract_strided_slice %add3A_29 {offsets = [6000, 0], sizes = [1000, 128], strides = [1, 1]} : vector<10000x128xf32> to vector<1000x128xf32>
    %iota3A_153 = tpu.iota {dimensions = array<i32: 1>} : vector<512x1000xi32>
    %add3A_154 = arith.constant 6000 : i32
    %add3A_155 = vector.broadcast %add3A_154 : i32 to vector<512x1000xi32>
    %add3A_156 = arith.addi %iota3A_153, %add3A_155 : vector<512x1000xi32>
    %eq3A_157 = vector.broadcast %slice3A : vector<512x1xi32> to vector<512x1000xi32>
    %eq3A_158 = arith.cmpi eq, %eq3A_157, %add3A_156 : vector<512x1000xi32>
    %convert_element_type3A_159 = arith.extui %eq3A_158 : vector<512x1000xi1> to vector<512x1000xi32>
    %convert_element_type3A_160 = arith.sitofp %convert_element_type3A_159 : vector<512x1000xi32> to vector<512x1000xf32>
    %eq3A_161 = vector.broadcast %slice3A_36 : vector<512x1xi32> to vector<512x1000xi32>
    %eq3A_162 = arith.cmpi eq, %eq3A_161, %add3A_156 : vector<512x1000xi32>
    %convert_element_type3A_163 = arith.extui %eq3A_162 : vector<512x1000xi1> to vector<512x1000xi32>
    %convert_element_type3A_164 = arith.sitofp %convert_element_type3A_163 : vector<512x1000xi32> to vector<512x1000xf32>
    %dot_general3A_165 = arith.constant dense<0.000000e+00> : vector<512x128xf32>
    %dot_general3A_166 = tpu.matmul %convert_element_type3A_160, %slice3A_152, %dot_general3A_165 {dimension_numbers = #tpu.dot_dimension_numbers<[1], [0], [0], [1], [0, 0, 1, 1], [], []>, transpose_lhs_hint = false} : vector<512x1000xf32>, vector<1000x128xf32>, vector<512x128xf32> -> vector<512x128xf32>
    %add3A_167 = arith.addf %add3A_148, %dot_general3A_166 : vector<512x128xf32>
    %dot_general3A_168 = arith.constant dense<0.000000e+00> : vector<512x128xf32>
    %dot_general3A_169 = tpu.matmul %convert_element_type3A_164, %slice3A_152, %dot_general3A_168 {dimension_numbers = #tpu.dot_dimension_numbers<[1], [0], [0], [1], [0, 0, 1, 1], [], []>, transpose_lhs_hint = false} : vector<512x1000xf32>, vector<1000x128xf32>, vector<512x128xf32> -> vector<512x128xf32>
    %add3A_170 = arith.addf %add3A_151, %dot_general3A_169 : vector<512x128xf32>
    %slice3A_171 = vector.extract_strided_slice %add3A_29 {offsets = [7000, 0], sizes = [1000, 128], strides = [1, 1]} : vector<10000x128xf32> to vector<1000x128xf32>
    %iota3A_172 = tpu.iota {dimensions = array<i32: 1>} : vector<512x1000xi32>
    %add3A_173 = arith.constant 7000 : i32
    %add3A_174 = vector.broadcast %add3A_173 : i32 to vector<512x1000xi32>
    %add3A_175 = arith.addi %iota3A_172, %add3A_174 : vector<512x1000xi32>
    %eq3A_176 = vector.broadcast %slice3A : vector<512x1xi32> to vector<512x1000xi32>
    %eq3A_177 = arith.cmpi eq, %eq3A_176, %add3A_175 : vector<512x1000xi32>
    %convert_element_type3A_178 = arith.extui %eq3A_177 : vector<512x1000xi1> to vector<512x1000xi32>
    %convert_element_type3A_179 = arith.sitofp %convert_element_type3A_178 : vector<512x1000xi32> to vector<512x1000xf32>
    %eq3A_180 = vector.broadcast %slice3A_36 : vector<512x1xi32> to vector<512x1000xi32>
    %eq3A_181 = arith.cmpi eq, %eq3A_180, %add3A_175 : vector<512x1000xi32>
    %convert_element_type3A_182 = arith.extui %eq3A_181 : vector<512x1000xi1> to vector<512x1000xi32>
    %convert_element_type3A_183 = arith.sitofp %convert_element_type3A_182 : vector<512x1000xi32> to vector<512x1000xf32>
    %dot_general3A_184 = arith.constant dense<0.000000e+00> : vector<512x128xf32>
    %dot_general3A_185 = tpu.matmul %convert_element_type3A_179, %slice3A_171, %dot_general3A_184 {dimension_numbers = #tpu.dot_dimension_numbers<[1], [0], [0], [1], [0, 0, 1, 1], [], []>, transpose_lhs_hint = false} : vector<512x1000xf32>, vector<1000x128xf32>, vector<512x128xf32> -> vector<512x128xf32>
    %add3A_186 = arith.addf %add3A_167, %dot_general3A_185 : vector<512x128xf32>
    %dot_general3A_187 = arith.constant dense<0.000000e+00> : vector<512x128xf32>
    %dot_general3A_188 = tpu.matmul %convert_element_type3A_183, %slice3A_171, %dot_general3A_187 {dimension_numbers = #tpu.dot_dimension_numbers<[1], [0], [0], [1], [0, 0, 1, 1], [], []>, transpose_lhs_hint = false} : vector<512x1000xf32>, vector<1000x128xf32>, vector<512x128xf32> -> vector<512x128xf32>
    %add3A_189 = arith.addf %add3A_170, %dot_general3A_188 : vector<512x128xf32>
    %slice3A_190 = vector.extract_strided_slice %add3A_29 {offsets = [8000, 0], sizes = [1000, 128], strides = [1, 1]} : vector<10000x128xf32> to vector<1000x128xf32>
    %iota3A_191 = tpu.iota {dimensions = array<i32: 1>} : vector<512x1000xi32>
    %add3A_192 = arith.constant 8000 : i32
    %add3A_193 = vector.broadcast %add3A_192 : i32 to vector<512x1000xi32>
    %add3A_194 = arith.addi %iota3A_191, %add3A_193 : vector<512x1000xi32>
    %eq3A_195 = vector.broadcast %slice3A : vector<512x1xi32> to vector<512x1000xi32>
    %eq3A_196 = arith.cmpi eq, %eq3A_195, %add3A_194 : vector<512x1000xi32>
    %convert_element_type3A_197 = arith.extui %eq3A_196 : vector<512x1000xi1> to vector<512x1000xi32>
    %convert_element_type3A_198 = arith.sitofp %convert_element_type3A_197 : vector<512x1000xi32> to vector<512x1000xf32>
    %eq3A_199 = vector.broadcast %slice3A_36 : vector<512x1xi32> to vector<512x1000xi32>
    %eq3A_200 = arith.cmpi eq, %eq3A_199, %add3A_194 : vector<512x1000xi32>
    %convert_element_type3A_201 = arith.extui %eq3A_200 : vector<512x1000xi1> to vector<512x1000xi32>
    %convert_element_type3A_202 = arith.sitofp %convert_element_type3A_201 : vector<512x1000xi32> to vector<512x1000xf32>
    %dot_general3A_203 = arith.constant dense<0.000000e+00> : vector<512x128xf32>
    %dot_general3A_204 = tpu.matmul %convert_element_type3A_198, %slice3A_190, %dot_general3A_203 {dimension_numbers = #tpu.dot_dimension_numbers<[1], [0], [0], [1], [0, 0, 1, 1], [], []>, transpose_lhs_hint = false} : vector<512x1000xf32>, vector<1000x128xf32>, vector<512x128xf32> -> vector<512x128xf32>
    %add3A_205 = arith.addf %add3A_186, %dot_general3A_204 : vector<512x128xf32>
    %dot_general3A_206 = arith.constant dense<0.000000e+00> : vector<512x128xf32>
    %dot_general3A_207 = tpu.matmul %convert_element_type3A_202, %slice3A_190, %dot_general3A_206 {dimension_numbers = #tpu.dot_dimension_numbers<[1], [0], [0], [1], [0, 0, 1, 1], [], []>, transpose_lhs_hint = false} : vector<512x1000xf32>, vector<1000x128xf32>, vector<512x128xf32> -> vector<512x128xf32>
    %add3A_208 = arith.addf %add3A_189, %dot_general3A_207 : vector<512x128xf32>
    %slice3A_209 = vector.extract_strided_slice %add3A_29 {offsets = [9000, 0], sizes = [1000, 128], strides = [1, 1]} : vector<10000x128xf32> to vector<1000x128xf32>
    %iota3A_210 = tpu.iota {dimensions = array<i32: 1>} : vector<512x1000xi32>
    %add3A_211 = arith.constant 9000 : i32
    %add3A_212 = vector.broadcast %add3A_211 : i32 to vector<512x1000xi32>
    %add3A_213 = arith.addi %iota3A_210, %add3A_212 : vector<512x1000xi32>
    %eq3A_214 = vector.broadcast %slice3A : vector<512x1xi32> to vector<512x1000xi32>
    %eq3A_215 = arith.cmpi eq, %eq3A_214, %add3A_213 : vector<512x1000xi32>
    %convert_element_type3A_216 = arith.extui %eq3A_215 : vector<512x1000xi1> to vector<512x1000xi32>
    %convert_element_type3A_217 = arith.sitofp %convert_element_type3A_216 : vector<512x1000xi32> to vector<512x1000xf32>
    %eq3A_218 = vector.broadcast %slice3A_36 : vector<512x1xi32> to vector<512x1000xi32>
    %eq3A_219 = arith.cmpi eq, %eq3A_218, %add3A_213 : vector<512x1000xi32>
    %convert_element_type3A_220 = arith.extui %eq3A_219 : vector<512x1000xi1> to vector<512x1000xi32>
    %convert_element_type3A_221 = arith.sitofp %convert_element_type3A_220 : vector<512x1000xi32> to vector<512x1000xf32>
    %dot_general3A_222 = arith.constant dense<0.000000e+00> : vector<512x128xf32>
    %dot_general3A_223 = tpu.matmul %convert_element_type3A_217, %slice3A_209, %dot_general3A_222 {dimension_numbers = #tpu.dot_dimension_numbers<[1], [0], [0], [1], [0, 0, 1, 1], [], []>, transpose_lhs_hint = false} : vector<512x1000xf32>, vector<1000x128xf32>, vector<512x128xf32> -> vector<512x128xf32>
    %add3A_224 = arith.addf %add3A_205, %dot_general3A_223 : vector<512x128xf32>
    %dot_general3A_225 = arith.constant dense<0.000000e+00> : vector<512x128xf32>
    %dot_general3A_226 = tpu.matmul %convert_element_type3A_221, %slice3A_209, %dot_general3A_225 {dimension_numbers = #tpu.dot_dimension_numbers<[1], [0], [0], [1], [0, 0, 1, 1], [], []>, transpose_lhs_hint = false} : vector<512x1000xf32>, vector<1000x128xf32>, vector<512x128xf32> -> vector<512x128xf32>
    %add3A_227 = arith.addf %add3A_208, %dot_general3A_226 : vector<512x128xf32>
    %mul3A = arith.mulf %add3A_224, %add3A_227 : vector<512x128xf32>
    %get3A_228 = arith.constant 0 : index
    %get3A_229 = arith.constant 0 : index
    %get3A_230 = vector.load %arg7[%get3A_228, %get3A_229] : memref<128x128xf32, #tpu.memory_space<vmem>>, vector<128x128xf32>
    %dot_general3A_231 = arith.constant dense<0.000000e+00> : vector<512x128xf32>
    %dot_general3A_232 = tpu.matmul %mul3A, %get3A_230, %dot_general3A_231 {dimension_numbers = #tpu.dot_dimension_numbers<[1], [1], [0], [0], [0, 0, 1, 0], [], []>, transpose_lhs_hint = false} : vector<512x128xf32>, vector<128x128xf32>, vector<512x128xf32> -> vector<512x128xf32>
    %get3A_233 = arith.constant 0 : index
    %get3A_234 = vector.load %arg8[%get3A_233] : memref<128xf32, #tpu.memory_space<vmem>>, vector<128xf32>
    %broadcast_in_dim3A_235 = vector.shape_cast %get3A_234 : vector<128xf32> to vector<1x128xf32>
    %add3A_236 = vector.broadcast %broadcast_in_dim3A_235 : vector<1x128xf32> to vector<512x128xf32>
    %add3A_237 = arith.addf %dot_general3A_232, %add3A_236 : vector<512x128xf32>
    %max3A = arith.constant 0.000000e+00 : f32
    %max3A_238 = vector.broadcast %max3A : f32 to vector<512x128xf32>
    %max3A_239 = arith.maximumf %add3A_237, %max3A_238 : vector<512x128xf32>
    %get3A_240 = arith.constant 0 : index
    %get3A_241 = arith.constant 0 : index
    %get3A_242 = vector.load %arg9[%get3A_240, %get3A_241] : memref<1x128xf32, #tpu.memory_space<vmem>>, vector<1x128xf32>
    %dot_general3A_243 = arith.constant dense<0.000000e+00> : vector<512x1xf32>
    %dot_general3A_244 = tpu.matmul %max3A_239, %get3A_242, %dot_general3A_243 {dimension_numbers = #tpu.dot_dimension_numbers<[1], [1], [0], [0], [0, 0, 1, 0], [], []>, transpose_lhs_hint = false} : vector<512x128xf32>, vector<1x128xf32>, vector<512x1xf32> -> vector<512x1xf32>
    %swap3A = arith.constant 0 : index
    %swap3A_245 = arith.constant 0 : index
    %swap3A_246 = vector.load %arg10[%swap3A, %swap3A_245] : memref<512x1xf32, #tpu.memory_space<vmem>>, vector<512x1xf32>
    tpu.vector_store %arg10[%swap3A, %swap3A_245], %dot_general3A_244 {strides = array<i32>} : memref<512x1xf32, #tpu.memory_space<vmem>>, vector<512x1xf32>,
    return
  }
}

</mosaic_0001>

<sc_bundles>
// kernel: kernel.10.cloned.1.call-start
scs
__scs_entry_jumppad:
0x0: {  	(pc) =	sbr.rel $0x88, $3  }
0x1: {  	(tag) =	ssettag $0x0;
	lr =	simm.s32 $0x1  }
0x2: {  	[smem:$0x3F90] =	sst lr;
	_ =	strace $0xD0000000  }
0x3: {  	_ = 	snop  }
0x4: {  	_ = 	snop  }
0x5: {  	_ = 	snop  }
0x6: {  	_ = 	snop  }
0x7: {  	_ = 	snop  }
__scs_overlays_trampoline_lowered:
0x8: {  	[smem:$0x3F9F] =	sst s0  }
0x9: {  	[smem:$0x3FA0] =	sst s1  }
0xa: {  	[smem:$0x3FA1] =	sst s2  }
0xb: {  	[smem:$0x3FA2] =	sst s3  }
0xc: {  	[smem:$0x3FA3] =	sst s4  }
0xd: {  	[smem:$0x3FA4] =	sst s5  }
0xe: {  	[smem:$0x3FA5] =	sst s6  }
0xf: {  	[smem:$0x3FA6] =	sst s7  }
0x10: {  	[smem:$0x3FA7] =	sst s8  }
0x11: {  	[smem:$0x3FA8] =	sst s9;
	s0 =	simm.s32 @!p0 $0x0  }
0x12: {  	s1 =	sld [smem:$0x3F8E];
	s0 =	simm.s32 @p0 $0x1  }
0x13: {  	[smem:$0x3FA9] =	sst s0;
	s0 =	simm.s32 @!p1 $0x0  }
0x14: {  	s2 =	sld [smem:$0x3F8D];
	s0 =	simm.s32 @p1 $0x1  }
0x15: {  	[smem:$0x3FAA] =	sst s0;
	s0 =	simm.s32 @!p2 $0x0  }
0x16: {  	s3 =	sld [smem:$0x3FDB];
	s0 =	simm.s32 @p2 $0x1  }
0x17: {  	s4 =	simm.s32 $0x1BF5;
	[smem:$0x3FAC] =	sst s0  }
0x18: {  	s0 =	sld [smem:$0x3F8F];
	_ =	swait.ge [sflag:s4], $0x0  }
0x19: {  	s7 =	sld [smem:$0x3F90]  }
0x1a: {  	s8 =	sadd.s32 $0xFFFFE003, lr  }
0x1b: {  	s9 =	sadd.s32 $0xFFFFFEF7, lr;
	s5 =	simm.s32 $0xFFFFFFFF;
	p2 =	slt.u32 s8, $0xFFFFF086  }
0x1c: {  	p1 =	slt.u32 s9, $0xF7A;
	s5 =	simm.s32 @!p2 $0x0  }
0x1d: {  	s5 =	simm.s32 @p1 $0x1;
	p0 =	seq.s32 s7, s2  }
0x1e: {  	s7 =	smul.u32 @!p0 $0xF7A, s2;
	p2 =	seq.s32 @!p0 s5, $0x0  }
0x1f: {  	s9 =	smul.u32 $0xF7A, s1;
	s8 =	simm.s32 @!p0 $0x1BF5;
	p2 =	por !p2, p0  }
0x20: {  	[sflag:s8] =	ssyncset.s32 @!p0 $0xFFFFF086;
	s6 =	sadd.s32 @!p0 s3, s7;
	s7 =	simm.s32 @!p0 $0x108  }
0x21: {  	s3 =	sadd.s32 s3, s9;
	s6 =	sadd.s32 @!p0 $0x88, s6;
	s7 =	simm.s32 @p2 $0x1082  }
0x22: {  	[simem:s7], [sflag:s8] =	dma.local @!p0 [hbm:s6], $0xF7A  }
0x23: {  	s9 =	sor.u32 $0xD0000000, s2;
	s6 =	simm.s32 $0x108;
	_ =	swait.ge @!p0 [sflag:s8], $0x0  }
0x24: {  	s3 =	sadd.s32 $0x88, s3;
	s6 =	simm.s32 @!p1 $0x1082;
	[sflag:s4] =	ssyncset.s32 $0xFFFFF086  }
0x25: {  	[simem:s6], [sflag:s4] =	dma.local [hbm:s3], $0xF7A  }
0x26: {  	[smem:$0x3F90] =	sst s1;
	(tag) =	ssettag s2;
	_ =	strace s9  }
0x27: {  	s1 =	sld [smem:$0x3FA0]  }
0x28: {  	s2 =	sld [smem:$0x3FA1]  }
0x29: {  	s4 =	sld [smem:$0x3FA3]  }
0x2a: {  	p0 =	seq.s32 s5, $0x0;
	s5 =	sld [smem:$0x3FA4]  }
0x2b: {  	s6 =	sld [smem:$0x3FA5]  }
0x2c: {  	s7 =	sld [smem:$0x3FA6]  }
0x2d: {  	s3 =	simm.s32 $0x108;
	s8 =	sld [smem:$0x3FA7]  }
0x2e: {  	s3 =	simm.s32 @!p0 $0x1082;
	s9 =	sld [smem:$0x3FA8]  }
0x2f: {  	lr =	sadd.s32 s0, s3;
	s0 =	sld [smem:$0x3F9F]  }
0x30: {  	s3 =	sld [smem:$0x3FA2]  }
0x31: {  	[smem:$0x3FAB] =	sst s10  }
0x32: {  	s10 =	sld [smem:$0x3FA9];
	_ =	sdelay $0x3  }
0x33: {  	p0 =	seq.s32 s10, $0x1;
	s10 =	sld [smem:$0x3FAB];
	_ =	sdelay $0x3  }
0x34: {  	[smem:$0x3FAB] =	sst s10  }
0x35: {  	s10 =	sld [smem:$0x3FAA];
	_ =	sdelay $0x3  }
0x36: {  	p1 =	seq.s32 s10, $0x1;
	s10 =	sld [smem:$0x3FAB];
	_ =	sdelay $0x3  }
0x37: {  	[smem:$0x3FAB] =	sst s10  }
0x38: {  	s10 =	sld [smem:$0x3FAC]  }
0x39: {  	_ = 	snop;
	(pc) =	sbr.ind lr, $3  }
0x3a: {  	_ = 	snop  }
0x3b: {  	_ = 	snop  }
0x3c: {  	p2 =	seq.s32 s10, $0x1;
	s10 =	sld [smem:$0x3FAB]  }
0x3d: {  	_ =	shalt  }
0x3e: {  	_ =	shalt  }
0x3f: {  	_ =	shalt  }
0x40: {  	_ =	shalt  }
0x41: {  	_ =	shalt  }
0x42: {  	_ =	shalt  }
0x43: {  	_ =	shalt  }
0x44: {  	_ =	shalt  }
0x45: {  	_ =	shalt  }
0x46: {  	_ =	shalt  }
0x47: {  	_ =	shalt  }
0x48: {  	_ =	shalt  }
0x49: {  	_ =	shalt  }
0x4a: {  	_ =	shalt  }
0x4b: {  	_ =	shalt  }
0x4c: {  	_ =	shalt  }
0x4d: {  	_ =	shalt  }
0x4e: {  	_ =	shalt  }
0x4f: {  	_ =	shalt  }
0x50: {  	_ =	shalt  }
0x51: {  	_ =	shalt  }
0x52: {  	_ =	shalt  }
0x53: {  	_ =	shalt  }
0x54: {  	_ =	shalt  }
0x55: {  	_ =	shalt  }
0x56: {  	_ =	shalt  }
0x57: {  	_ =	shalt  }
0x58: {  	_ =	shalt  }
0x59: {  	_ =	shalt  }
0x5a: {  	_ =	shalt  }
0x5b: {  	_ =	shalt  }
0x5c: {  	_ =	shalt  }
0x5d: {  	_ =	shalt  }
0x5e: {  	_ =	shalt  }
0x5f: {  	_ =	shalt  }
0x60: {  	_ =	shalt  }
0x61: {  	_ =	shalt  }
0x62: {  	_ =	shalt  }
0x63: {  	_ =	shalt  }
0x64: {  	_ =	shalt  }
0x65: {  	_ =	shalt  }
0x66: {  	_ =	shalt  }
0x67: {  	_ =	shalt  }
0x68: {  	_ =	shalt  }
0x69: {  	_ =	shalt  }
0x6a: {  	_ =	shalt  }
0x6b: {  	_ =	shalt  }
0x6c: {  	_ =	shalt  }
0x6d: {  	_ =	shalt  }
0x6e: {  	_ =	shalt  }
0x6f: {  	_ =	shalt  }
0x70: {  	_ =	shalt  }
0x71: {  	_ =	shalt  }
0x72: {  	_ =	shalt  }
0x73: {  	_ =	shalt  }
0x74: {  	_ =	shalt  }
0x75: {  	_ =	shalt  }
0x76: {  	_ =	shalt  }
0x77: {  	_ =	shalt  }
0x78: {  	_ =	shalt  }
0x79: {  	_ =	shalt  }
0x7a: {  	_ =	shalt  }
0x7b: {  	_ =	shalt  }
0x7c: {  	_ =	shalt  }
0x7d: {  	_ =	shalt  }
0x7e: {  	_ =	shalt  }
0x7f: {  	_ =	shalt  }
0x80: {  	_ =	shalt  }
0x81: {  	_ =	shalt  }
0x82: {  	_ =	shalt  }
0x83: {  	_ =	shalt  }
0x84: {  	_ =	shalt  }
0x85: {  	_ =	shalt  }
0x86: {  	_ =	shalt  }
0x87: {  	_ =	shalt  }
.Lfunc_end0:
.L_simem_size_0:
called_computation_lowered:
.L_overlay_start_0:
0x88: {  	s2 =	sld [smem:$0x3FD9]  }
0x89: {  	s3 =	sld [smem:$0x3FFE];
	_ =	sdelay $0x1  }
0x8a: {  	s1 =	srdreg.scid  }
0x8b: {  	s0 =	sand.u32 $0x1, s1  }
0x8c: {  	s17 =	sshll.u32 s0, $0xA;
	s2 =	sadd.s32 s3, s2  }
0x8d: {  	s2 =	sadd.s32 s2, s17  }
0x8e: {  	[smem:$0x3FB7] =	sst s2  }
0x8f: {  	_ = 	snop  }
0x90: {  	s2 =	sld [smem:$0x3FC9]  }
0x91: {  	s18 =	sld [smem:$0x3FC6];
	(tm) =	ssettm $0x1  }
0x92: {  	s4 =	sld [smem:$0x3FFB];
	_ =	sdelay $0x3  }
0x93: {  	_ =	strace s4  }
0x94: {  	s4 =	sld [smem:$0x3FFC];
	_ =	sdelay $0x3  }
0x95: {  	_ =	strace s4  }
0x96: {  	s4 =	sld [smem:$0x3FFD];
	_ =	sdelay $0x3  }
0x97: {  	_ =	strace s4  }
0x98: {  	_ =	strace $0x8FFFFFFF  }
0x99: {  	s19 =	sld [smem:$0x3FDB];
	_ =	sdelay $0x1  }
0x9a: {  	s5 =	simm.s32 $_scs_section_size  }
0x9b: {  	s6 =	simm.s32 $_size__tile_overlayer_lowered;
	s7 =	simm.s32 $_tile_overlayer_lowered  }
0x9c: {  	s22 =	simm.s32 $0x1BFF;
	s21 =	sshll.u32 s7, $0x1;
	s4 =	sadd.s32 s5, s19  }
0x9d: {  	s8 =	simm.s32 $0x0;
	s20 =	sshll.u32 s6, $0x1;
	s6 =	sadd.s32 s21, s4  }
0x9e: {  	[timem:s8], [sflag:s22] =	dma.local [hbm:s6], s20  }
0x9f: {  	_ =	swait.ge [sflag:s22], s20  }
0xa0: {  	s5 =	ssub.s32 $0x0, s20;
	[sflag:s22] =	ssyncset.done $0x0  }
0xa1: {  	[sflag:s22] =	ssyncadd.s32 s5;
	_ =	sdelay $0x1  }
0xa2: {  	s23 =	simm.s32 $0x1B8B  }
0xa3: {  	_ =	swait.ge [sflag:s23], $0x1  }
0xa4: {  	[sflag:s23] =	ssyncset.done $0x0  }
0xa5: {  	s25 =	simm.s32 $0x1B8E;
	s24 =	sld [smem:$0x3FFE];
	[sflag:s23] =	ssyncadd.s32 $0xFFFFFFFF  }
0xa6: {  	s26 =	simm.s32 $execute0_lowered;
	[smem:$0x3FD2] =	sst s25  }
0xa7: {  	s6 =	sshll.u32 s26, $0x1;
	_ =	strace $0x80000046;
	[dreg:$0x1] =	wrdreg $0xFFFFFFFF  }
0xa8: {  	s28 =	simm.s32 $_size_execute0_lowered;
	s4 =	sadd.s32 s4, s6;
	[dreg:$0x0] =	wrdreg $0x0  }
0xa9: {  	s6 =	sshll.u32 s28, $0x1;
	[dreg:$0x2] =	wrdreg s4  }
0xaa: {  	[dreg:$0x3] =	wrdreg s6  }
0xab: {  	[dreg:$0x4] =	wrdreg $0xC0  }
0xac: {  	_ =	task [dreg:s8], $0x5FFFF  }
0xad: {  	[dreg:$0x1] =	wrdreg $0xFFFFFFFF  }
0xae: {  	[dreg:$0x0] =	wrdreg $0x60  }
0xaf: {  	[dreg:$0x2] =	wrdreg s2  }
0xb0: {  	[dreg:$0x3] =	wrdreg s18  }
0xb1: {  	[dreg:$0x4] =	wrdreg s24  }
0xb2: {  	[dreg:$0x5] =	wrdreg $0x9  }
0xb3: {  	_ =	task.clear_ibuf [dreg:s8], $0x6FFFF;
	_ =	strace $0x90000046  }
0xb4: {  	s29 =	simm.s32 $0x9;
	_ =	strace $0x80000048  }
0xb5: {  	_ =	swait.ge [sflag:s29], $0x1  }
0xb6: {  	[sflag:s29] =	ssyncadd.s32 $0xFFFFFFFF  }
0xb7: {  	_ =	strace $0x90000048  }
0xb8: {  	_ =	sfence  }
0xb9: {  	s30 =	sld [smem:$0x0];
	_ =	sdelay $0x2  }
0xba: {  	s31 =	sshll.u32 s1, $0xD;
	s1 =	sshrl.u32 s1, $0x2  }
0xbb: {  	s3 =	sand.u32 $0x4000, s31;
	s1 =	sadd.s32 s1, s30  }
0xbc: {  	s0 =	sor.u32 s3, s0;
	s1 =	sshll.u32 s1, $0x11  }
0xbd: {  	s0 =	sor.u32 s1, s0  }
0xbe: {  	s0 =	sadd.s32 $0x8F2B, s0  }
0xbf: {  	[sflag:s0] =	ssyncadd.remote.s32 $0x1  }
0xc0: {  	_ =	sfence.sel $0xFFFF  }
0xc1: {  	[dreg:$0x0] =	wrdreg $0xFFFFFFFF;
	(pc) =	sbr.abs _section_cstart, $3  }
0xc2: {  	[dreg:$0x1] =	wrdreg $0xFFFFFFFF  }
0xc3: {  	_ =	task.clear_ibuf [dreg:s8], $0x2FFFF;
	_ =	strace $0x9FFFFFFF  }
0xc4: {  	(tm) =	ssettm $0x7FFFFFFF  }
0xc5: {  	_ =	shalt  }
tec
execute0_lowered:
.L_overlay_start_1:
0x0: {  	(tag) =	ssettag $0x1  }
0x1: {  	s1 =	srdreg.scid;
	s0 =	stileid.u32  }
0x2: {  	s15 =	rddreg [dreg:$0x0];
	s16 =	sand.u32 $0x1, s1;
	s30 =	sshll.u32 s0, $0x1  }
0x3: {  	s2 =	rddreg [dreg:$0x1];
	s14 =	sor.u32 s16, s30  }
0x4: {  	s9 =	rddreg [dreg:$0x2];
	s3 =	simm.s32 $0x0;
	s4 =	smul.u32 $0xA, s14  }
0x5: {  	s5 =	simm.s32 $0x3;
	[smem:$0x7FF] =	sst s3  }
0x6: {  	s1 =	rddreg [dreg:$0x3];
	_ =	strace $0x80000047;
	s4 =	sadd.s32 s15, s4  }
0x7: {  	[tilespmem:s3], [sflag:$0x3] =	stream.linear.gather [hbm4b:s4+s3], $0x50, $0x38;
	[tilespmem:$0x2880] =	vst v63  }
0x8: {  	_ =	swait.ge [sflag:s5], $0x50  }
0x9: {  	s6 =	simm.s32 $0x50;
	[sflag:s5] =	ssyncset.done $0x0  }
0xa: {  	s7 =	simm.s32 $0x80;
	s8 =	simm.s32 $0x1;
	[sflag:s5] =	ssyncadd.s32 $0xFFFFFFB0  }
0xb: {  	[tilespmem:s7], [sflag:$0x1] =	stream.indirect.gather [hbm4b:s2+s6], $0x80, s3, s6, $0xb8;
	[tilespmem:$0x2880] =	vst v63  }
0xc: {  	s10 =	smul.u32 $0x500, s14;
	_ =	swait.ge [sflag:s8], $0x2800  }
0xd: {  	s21 =	sadd.s32 $0x4200, s9;
	s12 =	sor.u32 $0x20, s14;
	[sflag:s8] =	ssyncset.done $0x0  }
0xe: {  	s9 =	sadd.s32 s21, s10;
	s10 =	simm.s32 $0x2;
	[sflag:s8] =	ssyncadd.s32 $0xFFFFD800  }
0xf: {  	[hbm4b:s9+s3] =	stream.linear.scatter [tilespmem:s7], [sflag:$0x2], $0x2800, $0x38;
	[tilespmem:$0x2880] =	vst v63  }
0x10: {  	s11 =	smul.u32 $0xA, s12;
	_ =	swait.ge [sflag:s10], $0x2800  }
0x11: {  	[sflag:s10] =	ssyncset.done $0x0  }
0x12: {  	s11 =	sadd.s32 s15, s11;
	[sflag:s10] =	ssyncadd.s32 $0xFFFFD800  }
0x13: {  	[tilespmem:s3], [sflag:$0x3] =	stream.linear.gather [hbm4b:s11+s3], $0x50, $0x38;
	[tilespmem:$0x2880] =	vst v63  }
0x14: {  	_ =	swait.ge [sflag:s5], $0x50  }
0x15: {  	[sflag:s5] =	ssyncset.done $0x0  }
0x16: {  	[sflag:s5] =	ssyncadd.s32 $0xFFFFFFB0  }
0x17: {  	[tilespmem:s7], [sflag:$0x1] =	stream.indirect.gather [hbm4b:s2+s6], $0x80, s3, s6, $0xb8;
	[tilespmem:$0x2880] =	vst v63  }
0x18: {  	s12 =	smul.u32 $0x500, s12;
	_ =	swait.ge [sflag:s8], $0x2800  }
0x19: {  	[sflag:s8] =	ssyncset.done $0x0  }
0x1a: {  	s17 =	sor.u32 $0x40, s14;
	s12 =	sadd.s32 s21, s12;
	[sflag:s8] =	ssyncadd.s32 $0xFFFFD800  }
0x1b: {  	[hbm4b:s12+s3] =	stream.linear.scatter [tilespmem:s7], [sflag:$0x2], $0x2800, $0x38;
	[tilespmem:$0x2880] =	vst v63  }
0x1c: {  	s13 =	smul.u32 $0xA, s17;
	_ =	swait.ge [sflag:s10], $0x2800  }
0x1d: {  	[sflag:s10] =	ssyncset.done $0x0  }
0x1e: {  	s13 =	sadd.s32 s15, s13;
	[sflag:s10] =	ssyncadd.s32 $0xFFFFD800  }
0x1f: {  	[tilespmem:s3], [sflag:$0x3] =	stream.linear.gather [hbm4b:s13+s3], $0x50, $0x38;
	[tilespmem:$0x2880] =	vst v63  }
0x20: {  	_ =	swait.ge [sflag:s5], $0x50  }
0x21: {  	[sflag:s5] =	ssyncset.done $0x0  }
0x22: {  	[sflag:s5] =	ssyncadd.s32 $0xFFFFFFB0  }
0x23: {  	[tilespmem:s7], [sflag:$0x1] =	stream.indirect.gather [hbm4b:s2+s6], $0x80, s3, s6, $0xb8;
	[tilespmem:$0x2880] =	vst v63  }
0x24: {  	s17 =	smul.u32 $0x500, s17;
	_ =	swait.ge [sflag:s8], $0x2800  }
0x25: {  	s22 =	ssub.s32 $0x2, s16;
	s18 =	sor.u32 $0x60, s14;
	[sflag:s8] =	ssyncset.done $0x0  }
0x26: {  	s23 =	sshrl.u32 s22, $0x1;
	s14 =	sadd.s32 s21, s17;
	[sflag:s8] =	ssyncadd.s32 $0xFFFFD800  }
0x27: {  	[hbm4b:s14+s3] =	stream.linear.scatter [tilespmem:s7], [sflag:$0x2], $0x2800, $0x38;
	[tilespmem:$0x2880] =	vst v63  }
0x28: {  	s31 =	smul.u32 $0xA, s18;
	p0 =	sgt.u32 s18, $0x7C;
	_ =	swait.ge [sflag:s10], $0x2800  }
0x29: {  	s24 =	smul.u32 $0x500, s18;
	s16 =	simm.s32 @!p0 $0x0;
	[sflag:s10] =	ssyncset.done $0x0  }
0x2a: {  	s15 =	sadd.s32 s15, s31;
	s17 =	simm.s32 @!p0 $0x3;
	[sflag:s10] =	ssyncadd.s32 $0xFFFFD800  }
0x2b: {  	[tilespmem:s16], [sflag:$0x3] =	stream.linear.gather @!p0 [hbm4b:s15+s16], $0x50, $0x38;
	[tilespmem:$0x2880] =	vst v63  }
0x2c: {  	s22 =	ssub.s32 s22, s23;
	s18 =	simm.s32 @!p0 $0x1;
	_ =	swait.ge @!p0 [sflag:s17], $0x50  }
0x2d: {  	s19 =	simm.s32 @!p0 $0x50;
	s23 =	smax.u32 s22, $0x1;
	[sflag:s17] =	ssyncset.done @!p0 $0x0  }
0x2e: {  	s20 =	simm.s32 @!p0 $0x80;
	s23 =	sadd.s32 $0xFFFFFFFF, s23;
	[sflag:s17] =	ssyncadd.s32 @!p0 $0xFFFFFFB0  }
0x2f: {  	[tilespmem:s20], [sflag:$0x1] =	stream.indirect.gather @!p0 [hbm4b:s2+s19], $0x80, s16, s19, $0xb8;
	[tilespmem:$0x2880] =	vst v63  }
0x30: {  	p1 =	sne.s32 s23, $0x0;
	_ =	swait.ge @!p0 [sflag:s18], $0x2800  }
.Ltmp0:
0x31: {  	[sflag:s18] =	ssyncset.done @!p0 $0x0;
	(pc) =	sbr.rel @!p1 .LBB2_2-.Ltmp0, $4  }
0x32: {  	s22 =	sadd.s32 s21, s24;
	s21 =	simm.s32 @!p0 $0x2;
	[sflag:s18] =	ssyncadd.s32 @!p0 $0xFFFFD800  }
0x33: {  	[hbm4b:s22+s16] =	stream.linear.scatter @!p0 [tilespmem:s20], [sflag:$0x2], $0x2800, $0x38;
	[tilespmem:$0x2880] =	vst v63  }
0x34: {  	_ =	swait.ge @!p0 [sflag:s21], $0x2800  }
0x35: {  	[sflag:s21] =	ssyncset.done @!p0 $0x0  }
.LBB2_1:
0x36: {  	s23 =	sadd.s32 $0xFFFFFFFF, s23;
	[sflag:s21] =	ssyncadd.s32 @!p0 $0xFFFFD800  }
0x37: {  	[tilespmem:s3], [sflag:$0x3] =	stream.linear.gather [hbm4b:s4+s3], $0x50, $0x38;
	[tilespmem:$0x2880] =	vst v63  }
0x38: {  	p1 =	sne.s32 s23, $0x0;
	_ =	swait.ge [sflag:s5], $0x50  }
0x39: {  	[sflag:s5] =	ssyncset.done $0x0  }
0x3a: {  	[sflag:s5] =	ssyncadd.s32 $0xFFFFFFB0  }
0x3b: {  	[tilespmem:s7], [sflag:$0x1] =	stream.indirect.gather [hbm4b:s2+s6], $0x80, s3, s6, $0xb8;
	[tilespmem:$0x2880] =	vst v63  }
0x3c: {  	_ =	swait.ge [sflag:s8], $0x2800  }
0x3d: {  	[sflag:s8] =	ssyncset.done $0x0  }
0x3e: {  	[sflag:s8] =	ssyncadd.s32 $0xFFFFD800  }
0x3f: {  	[hbm4b:s9+s3] =	stream.linear.scatter [tilespmem:s7], [sflag:$0x2], $0x2800, $0x38;
	[tilespmem:$0x2880] =	vst v63  }
0x40: {  	_ =	swait.ge [sflag:s10], $0x2800  }
0x41: {  	[sflag:s10] =	ssyncset.done $0x0  }
0x42: {  	[sflag:s10] =	ssyncadd.s32 $0xFFFFD800  }
0x43: {  	[tilespmem:s3], [sflag:$0x3] =	stream.linear.gather [hbm4b:s11+s3], $0x50, $0x38;
	[tilespmem:$0x2880] =	vst v63  }
0x44: {  	_ =	swait.ge [sflag:s5], $0x50  }
0x45: {  	[sflag:s5] =	ssyncset.done $0x0  }
0x46: {  	[sflag:s5] =	ssyncadd.s32 $0xFFFFFFB0  }
0x47: {  	[tilespmem:s7], [sflag:$0x1] =	stream.indirect.gather [hbm4b:s2+s6], $0x80, s3, s6, $0xb8;
	[tilespmem:$0x2880] =	vst v63  }
0x48: {  	_ =	swait.ge [sflag:s8], $0x2800  }
0x49: {  	[sflag:s8] =	ssyncset.done $0x0  }
0x4a: {  	[sflag:s8] =	ssyncadd.s32 $0xFFFFD800  }
0x4b: {  	[hbm4b:s12+s3] =	stream.linear.scatter [tilespmem:s7], [sflag:$0x2], $0x2800, $0x38;
	[tilespmem:$0x2880] =	vst v63  }
0x4c: {  	_ =	swait.ge [sflag:s10], $0x2800  }
0x4d: {  	[sflag:s10] =	ssyncset.done $0x0  }
0x4e: {  	[sflag:s10] =	ssyncadd.s32 $0xFFFFD800  }
0x4f: {  	[tilespmem:s3], [sflag:$0x3] =	stream.linear.gather [hbm4b:s13+s3], $0x50, $0x38;
	[tilespmem:$0x2880] =	vst v63  }
0x50: {  	_ =	swait.ge [sflag:s5], $0x50  }
0x51: {  	[sflag:s5] =	ssyncset.done $0x0  }
0x52: {  	[sflag:s5] =	ssyncadd.s32 $0xFFFFFFB0  }
0x53: {  	[tilespmem:s7], [sflag:$0x1] =	stream.indirect.gather [hbm4b:s2+s6], $0x80, s3, s6, $0xb8;
	[tilespmem:$0x2880] =	vst v63  }
0x54: {  	_ =	swait.ge [sflag:s8], $0x2800  }
0x55: {  	[sflag:s8] =	ssyncset.done $0x0  }
0x56: {  	[sflag:s8] =	ssyncadd.s32 $0xFFFFD800  }
0x57: {  	[hbm4b:s14+s3] =	stream.linear.scatter [tilespmem:s7], [sflag:$0x2], $0x2800, $0x38;
	[tilespmem:$0x2880] =	vst v63  }
0x58: {  	_ =	swait.ge [sflag:s10], $0x2800  }
0x59: {  	[sflag:s10] =	ssyncset.done $0x0  }
0x5a: {  	[sflag:s10] =	ssyncadd.s32 $0xFFFFD800  }
0x5b: {  	[tilespmem:s16], [sflag:$0x3] =	stream.linear.gather @!p0 [hbm4b:s15+s16], $0x50, $0x38;
	[tilespmem:$0x2880] =	vst v63  }
0x5c: {  	_ =	swait.ge @!p0 [sflag:s17], $0x50  }
0x5d: {  	[sflag:s17] =	ssyncset.done @!p0 $0x0  }
0x5e: {  	[sflag:s17] =	ssyncadd.s32 @!p0 $0xFFFFFFB0  }
0x5f: {  	[tilespmem:s20], [sflag:$0x1] =	stream.indirect.gather @!p0 [hbm4b:s2+s19], $0x80, s16, s19, $0xb8;
	[tilespmem:$0x2880] =	vst v63  }
0x60: {  	_ =	swait.ge @!p0 [sflag:s18], $0x2800  }
.Ltmp1:
0x61: {  	[sflag:s18] =	ssyncset.done @!p0 $0x0;
	(pc) =	sbr.rel @p1 .LBB2_1-.Ltmp1, $4  }
0x62: {  	[sflag:s18] =	ssyncadd.s32 @!p0 $0xFFFFD800  }
0x63: {  	[hbm4b:s22+s16] =	stream.linear.scatter @!p0 [tilespmem:s20], [sflag:$0x2], $0x2800, $0x38;
	[tilespmem:$0x2880] =	vst v63  }
0x64: {  	_ =	swait.ge @!p0 [sflag:s21], $0x2800  }
0x65: {  	[sflag:s21] =	ssyncset.done @!p0 $0x0  }
.LBB2_2:
0x66: {  	[sflag:s21] =	ssyncadd.s32 @!p0 $0xFFFFD800  }
0x67: {  	_ =	sfence.sel $0x180000  }
0x68: {  	[bflag:$0x0] =	sbarrier.arrive $0xFFFF  }
0x69: {  	p0 =	sne.s32 s0, $0x0;
	_ =	strace $0x90000047  }
0x6a: {  	s0 =	sadd.s32 @!p0 $0x100000, s1;
	[bflag:$0x2] =	sbarrier.arrive $0xFFFF  }
0x6b: {  	[sflag:s0] =	ssyncadd.tile.s32 @!p0 $0x1;
	_ =	shalt  }
.Lfunc_end2:
_tile_overlayer_lowered:
.L_overlay_start_2:
0x6c: {  	(tag) =	ssettag $0x2  }
0x6d: {  	s0 =	rddreg [dreg:$0x0];
	s2 =	stileid.u32  }
0x6e: {  	s1 =	rddreg [dreg:$0x1];
	p0 =	sne.s32 s2, $0x0  }
0x6f: {  	s3 =	rddreg [dreg:$0x2];
	[bflag:$0x3] =	sbarrier.arrive $0xFFFF;
	s2 =	simm.s32 @!p0 $0x1C02  }
0x70: {  	[timem:s3], [sflag:s2] =	dma.local @!p0 [hbm:s0], s1  }
0x71: {  	s0 =	simm.s32 @!p0 $0x2  }
0x72: {  	_ =	swait.ge @!p0 [sflag:s0], s1  }
0x73: {  	s1 =	ssub.s32 @!p0 $0x0, s1;
	[sflag:s0] =	ssyncset.done @!p0 $0x0  }
0x74: {  	[sflag:s0] =	ssyncadd.s32 @!p0 s1  }
0x75: {  	[bflag:$0x3] =	sbarrier.arrive $0xFFFF  }
0x76: {  	_ =	shalt  }

// kernel: kernel.13.cloned.1.call-start
scs
__scs_entry_jumppad:
0x0: {  	(pc) =	sbr.rel $0x88, $3  }
0x1: {  	(tag) =	ssettag $0x0;
	lr =	simm.s32 $0x1  }
0x2: {  	[smem:$0x3F90] =	sst lr;
	_ =	strace $0xD0000000  }
0x3: {  	_ = 	snop  }
0x4: {  	_ = 	snop  }
0x5: {  	_ = 	snop  }
0x6: {  	_ = 	snop  }
0x7: {  	_ = 	snop  }
__scs_overlays_trampoline_lowered:
0x8: {  	[smem:$0x3F9F] =	sst s0  }
0x9: {  	[smem:$0x3FA0] =	sst s1  }
0xa: {  	[smem:$0x3FA1] =	sst s2  }
0xb: {  	[smem:$0x3FA2] =	sst s3  }
0xc: {  	[smem:$0x3FA3] =	sst s4  }
0xd: {  	[smem:$0x3FA4] =	sst s5  }
0xe: {  	[smem:$0x3FA5] =	sst s6  }
0xf: {  	[smem:$0x3FA6] =	sst s7  }
0x10: {  	[smem:$0x3FA7] =	sst s8  }
0x11: {  	[smem:$0x3FA8] =	sst s9;
	s0 =	simm.s32 @!p0 $0x0  }
0x12: {  	s1 =	sld [smem:$0x3F8E];
	s0 =	simm.s32 @p0 $0x1  }
0x13: {  	[smem:$0x3FA9] =	sst s0;
	s0 =	simm.s32 @!p1 $0x0  }
0x14: {  	s2 =	sld [smem:$0x3F8D];
	s0 =	simm.s32 @p1 $0x1  }
0x15: {  	[smem:$0x3FAA] =	sst s0;
	s0 =	simm.s32 @!p2 $0x0  }
0x16: {  	s3 =	sld [smem:$0x3FDB];
	s0 =	simm.s32 @p2 $0x1  }
0x17: {  	s4 =	simm.s32 $0x1BF5;
	[smem:$0x3FAC] =	sst s0  }
0x18: {  	s0 =	sld [smem:$0x3F8F];
	_ =	swait.ge [sflag:s4], $0x0  }
0x19: {  	s7 =	sld [smem:$0x3F90]  }
0x1a: {  	s8 =	sadd.s32 $0xFFFFE003, lr  }
0x1b: {  	s9 =	sadd.s32 $0xFFFFFEF7, lr;
	s5 =	simm.s32 $0xFFFFFFFF;
	p2 =	slt.u32 s8, $0xFFFFF086  }
0x1c: {  	p1 =	slt.u32 s9, $0xF7A;
	s5 =	simm.s32 @!p2 $0x0  }
0x1d: {  	s5 =	simm.s32 @p1 $0x1;
	p0 =	seq.s32 s7, s2  }
0x1e: {  	s7 =	smul.u32 @!p0 $0xF7A, s2;
	p2 =	seq.s32 @!p0 s5, $0x0  }
0x1f: {  	s9 =	smul.u32 $0xF7A, s1;
	s8 =	simm.s32 @!p0 $0x1BF5;
	p2 =	por !p2, p0  }
0x20: {  	[sflag:s8] =	ssyncset.s32 @!p0 $0xFFFFF086;
	s6 =	sadd.s32 @!p0 s3, s7;
	s7 =	simm.s32 @!p0 $0x108  }
0x21: {  	s3 =	sadd.s32 s3, s9;
	s6 =	sadd.s32 @!p0 $0x88, s6;
	s7 =	simm.s32 @p2 $0x1082  }
0x22: {  	[simem:s7], [sflag:s8] =	dma.local @!p0 [hbm:s6], $0xF7A  }
0x23: {  	s9 =	sor.u32 $0xD0000000, s2;
	s6 =	simm.s32 $0x108;
	_ =	swait.ge @!p0 [sflag:s8], $0x0  }
0x24: {  	s3 =	sadd.s32 $0x88, s3;
	s6 =	simm.s32 @!p1 $0x1082;
	[sflag:s4] =	ssyncset.s32 $0xFFFFF086  }
0x25: {  	[simem:s6], [sflag:s4] =	dma.local [hbm:s3], $0xF7A  }
0x26: {  	[smem:$0x3F90] =	sst s1;
	(tag) =	ssettag s2;
	_ =	strace s9  }
0x27: {  	s1 =	sld [smem:$0x3FA0]  }
0x28: {  	s2 =	sld [smem:$0x3FA1]  }
0x29: {  	s4 =	sld [smem:$0x3FA3]  }
0x2a: {  	p0 =	seq.s32 s5, $0x0;
	s5 =	sld [smem:$0x3FA4]  }
0x2b: {  	s6 =	sld [smem:$0x3FA5]  }
0x2c: {  	s7 =	sld [smem:$0x3FA6]  }
0x2d: {  	s3 =	simm.s32 $0x108;
	s8 =	sld [smem:$0x3FA7]  }
0x2e: {  	s3 =	simm.s32 @!p0 $0x1082;
	s9 =	sld [smem:$0x3FA8]  }
0x2f: {  	lr =	sadd.s32 s0, s3;
	s0 =	sld [smem:$0x3F9F]  }
0x30: {  	s3 =	sld [smem:$0x3FA2]  }
0x31: {  	[smem:$0x3FAB] =	sst s10  }
0x32: {  	s10 =	sld [smem:$0x3FA9];
	_ =	sdelay $0x3  }
0x33: {  	p0 =	seq.s32 s10, $0x1;
	s10 =	sld [smem:$0x3FAB];
	_ =	sdelay $0x3  }
0x34: {  	[smem:$0x3FAB] =	sst s10  }
0x35: {  	s10 =	sld [smem:$0x3FAA];
	_ =	sdelay $0x3  }
0x36: {  	p1 =	seq.s32 s10, $0x1;
	s10 =	sld [smem:$0x3FAB];
	_ =	sdelay $0x3  }
0x37: {  	[smem:$0x3FAB] =	sst s10  }
0x38: {  	s10 =	sld [smem:$0x3FAC]  }
0x39: {  	_ = 	snop;
	(pc) =	sbr.ind lr, $3  }
0x3a: {  	_ = 	snop  }
0x3b: {  	_ = 	snop  }
0x3c: {  	p2 =	seq.s32 s10, $0x1;
	s10 =	sld [smem:$0x3FAB]  }
0x3d: {  	_ =	shalt  }
0x3e: {  	_ =	shalt  }
0x3f: {  	_ =	shalt  }
0x40: {  	_ =	shalt  }
0x41: {  	_ =	shalt  }
0x42: {  	_ =	shalt  }
0x43: {  	_ =	shalt  }
0x44: {  	_ =	shalt  }
0x45: {  	_ =	shalt  }
0x46: {  	_ =	shalt  }
0x47: {  	_ =	shalt  }
0x48: {  	_ =	shalt  }
0x49: {  	_ =	shalt  }
0x4a: {  	_ =	shalt  }
0x4b: {  	_ =	shalt  }
0x4c: {  	_ =	shalt  }
0x4d: {  	_ =	shalt  }
0x4e: {  	_ =	shalt  }
0x4f: {  	_ =	shalt  }
0x50: {  	_ =	shalt  }
0x51: {  	_ =	shalt  }
0x52: {  	_ =	shalt  }
0x53: {  	_ =	shalt  }
0x54: {  	_ =	shalt  }
0x55: {  	_ =	shalt  }
0x56: {  	_ =	shalt  }
0x57: {  	_ =	shalt  }
0x58: {  	_ =	shalt  }
0x59: {  	_ =	shalt  }
0x5a: {  	_ =	shalt  }
0x5b: {  	_ =	shalt  }
0x5c: {  	_ =	shalt  }
0x5d: {  	_ =	shalt  }
0x5e: {  	_ =	shalt  }
0x5f: {  	_ =	shalt  }
0x60: {  	_ =	shalt  }
0x61: {  	_ =	shalt  }
0x62: {  	_ =	shalt  }
0x63: {  	_ =	shalt  }
0x64: {  	_ =	shalt  }
0x65: {  	_ =	shalt  }
0x66: {  	_ =	shalt  }
0x67: {  	_ =	shalt  }
0x68: {  	_ =	shalt  }
0x69: {  	_ =	shalt  }
0x6a: {  	_ =	shalt  }
0x6b: {  	_ =	shalt  }
0x6c: {  	_ =	shalt  }
0x6d: {  	_ =	shalt  }
0x6e: {  	_ =	shalt  }
0x6f: {  	_ =	shalt  }
0x70: {  	_ =	shalt  }
0x71: {  	_ =	shalt  }
0x72: {  	_ =	shalt  }
0x73: {  	_ =	shalt  }
0x74: {  	_ =	shalt  }
0x75: {  	_ =	shalt  }
0x76: {  	_ =	shalt  }
0x77: {  	_ =	shalt  }
0x78: {  	_ =	shalt  }
0x79: {  	_ =	shalt  }
0x7a: {  	_ =	shalt  }
0x7b: {  	_ =	shalt  }
0x7c: {  	_ =	shalt  }
0x7d: {  	_ =	shalt  }
0x7e: {  	_ =	shalt  }
0x7f: {  	_ =	shalt  }
0x80: {  	_ =	shalt  }
0x81: {  	_ =	shalt  }
0x82: {  	_ =	shalt  }
0x83: {  	_ =	shalt  }
0x84: {  	_ =	shalt  }
0x85: {  	_ =	shalt  }
0x86: {  	_ =	shalt  }
0x87: {  	_ =	shalt  }
.Lfunc_end0:
.L_simem_size_0:
called_computation.1_lowered:
.L_overlay_start_0:
0x88: {  	s2 =	sld [smem:$0x3FD9]  }
0x89: {  	s3 =	sld [smem:$0x3FFE];
	_ =	sdelay $0x1  }
0x8a: {  	s1 =	srdreg.scid  }
0x8b: {  	s0 =	sand.u32 $0x1, s1  }
0x8c: {  	s16 =	sshll.u32 s0, $0xA;
	s2 =	sadd.s32 s3, s2  }
0x8d: {  	s2 =	sadd.s32 s2, s16  }
0x8e: {  	[smem:$0x3FB7] =	sst s2  }
0x8f: {  	_ = 	snop  }
0x90: {  	(tm) =	ssettm $0x1  }
0x91: {  	s17 =	sld [smem:$0x3FFB];
	_ =	sdelay $0x3  }
0x92: {  	_ =	strace s17  }
0x93: {  	s2 =	sld [smem:$0x3FFC];
	_ =	sdelay $0x3  }
0x94: {  	_ =	strace s2  }
0x95: {  	s2 =	sld [smem:$0x3FFD];
	_ =	sdelay $0x3  }
0x96: {  	_ =	strace s2  }
0x97: {  	_ =	strace $0x8FFFFFFF  }
0x98: {  	s18 =	sld [smem:$0x3FDB];
	_ =	sdelay $0x1  }
0x99: {  	s19 =	simm.s32 $_scs_section_size  }
0x9a: {  	s4 =	simm.s32 $_size__tile_overlayer_lowered;
	s5 =	simm.s32 $_tile_overlayer_lowered  }
0x9b: {  	s22 =	simm.s32 $0x1BFF;
	s21 =	sshll.u32 s5, $0x1;
	s2 =	sadd.s32 s19, s18  }
0x9c: {  	s6 =	simm.s32 $0x0;
	s20 =	sshll.u32 s4, $0x1;
	s4 =	sadd.s32 s21, s2  }
0x9d: {  	[timem:s6], [sflag:s22] =	dma.local [hbm:s4], s20  }
0x9e: {  	_ =	swait.ge [sflag:s22], s20  }
0x9f: {  	s3 =	ssub.s32 $0x0, s20;
	[sflag:s22] =	ssyncset.done $0x0  }
0xa0: {  	[sflag:s22] =	ssyncadd.s32 s3;
	_ =	sdelay $0x1  }
0xa1: {  	s23 =	simm.s32 $0x1B8B  }
0xa2: {  	_ =	swait.ge [sflag:s23], $0x1  }
0xa3: {  	[sflag:s23] =	ssyncset.done $0x0  }
0xa4: {  	s25 =	simm.s32 $0x1B8E;
	s24 =	sld [smem:$0x3FFE];
	[sflag:s23] =	ssyncadd.s32 $0xFFFFFFFF  }
0xa5: {  	s26 =	simm.s32 $execute0_lowered;
	[smem:$0x3FD2] =	sst s25  }
0xa6: {  	s4 =	sshll.u32 s26, $0x1;
	_ =	strace $0x80000049;
	[dreg:$0x1] =	wrdreg $0xFFFFFFFF  }
0xa7: {  	s28 =	simm.s32 $_size_execute0_lowered;
	s2 =	sadd.s32 s2, s4;
	[dreg:$0x0] =	wrdreg $0x0  }
0xa8: {  	s4 =	sshll.u32 s28, $0x1;
	[dreg:$0x2] =	wrdreg s2  }
0xa9: {  	[dreg:$0x3] =	wrdreg s4  }
0xaa: {  	[dreg:$0x4] =	wrdreg $0xC0  }
0xab: {  	_ =	task [dreg:s6], $0x5FFFF  }
0xac: {  	[dreg:$0x1] =	wrdreg $0xFFFFFFFF  }
0xad: {  	[dreg:$0x0] =	wrdreg $0x60  }
0xae: {  	[dreg:$0x2] =	wrdreg s24  }
0xaf: {  	[dreg:$0x3] =	wrdreg $0xA9000  }
0xb0: {  	[dreg:$0x4] =	wrdreg $0x9  }
0xb1: {  	_ =	task.clear_ibuf [dreg:s6], $0x5FFFF;
	_ =	strace $0x90000049  }
0xb2: {  	s29 =	simm.s32 $0x9;
	_ =	strace $0x8000004B  }
0xb3: {  	_ =	swait.ge [sflag:s29], $0x1  }
0xb4: {  	[sflag:s29] =	ssyncadd.s32 $0xFFFFFFFF  }
0xb5: {  	_ =	strace $0x9000004B  }
0xb6: {  	_ =	sfence  }
0xb7: {  	s30 =	sld [smem:$0x0];
	_ =	sdelay $0x2  }
0xb8: {  	s31 =	sshll.u32 s1, $0xD;
	s1 =	sshrl.u32 s1, $0x2  }
0xb9: {  	s3 =	sand.u32 $0x4000, s31;
	s1 =	sadd.s32 s1, s30  }
0xba: {  	s0 =	sor.u32 s3, s0;
	s1 =	sshll.u32 s1, $0x11  }
0xbb: {  	s0 =	sor.u32 s1, s0  }
0xbc: {  	s0 =	sadd.s32 $0x8F2B, s0  }
0xbd: {  	[sflag:s0] =	ssyncadd.remote.s32 $0x1  }
0xbe: {  	_ =	sfence.sel $0xFFFF  }
0xbf: {  	[dreg:$0x0] =	wrdreg $0xFFFFFFFF;
	(pc) =	sbr.abs _section_cstart, $3  }
0xc0: {  	[dreg:$0x1] =	wrdreg $0xFFFFFFFF  }
0xc1: {  	_ =	task.clear_ibuf [dreg:s6], $0x2FFFF;
	_ =	strace $0x9FFFFFFF  }
0xc2: {  	(tm) =	ssettm $0x7FFFFFFF  }
0xc3: {  	_ =	shalt  }
tec
execute0_lowered:
.L_overlay_start_1:
0x0: {  	(tag) =	ssettag $0x1  }
0x1: {  	s25 =	stileid.u32  }
0x2: {  	s0 =	srdreg.scid;
	s9 =	smul.u32 $0x500, s25  }
0x3: {  	s8 =	sand.u32 $0x1, s0;
	s19 =	smul.u32 $0x2800, s25  }
0x4: {  	s6 =	sor.u32 $0x10, s25;
	s10 =	smul.u32 $0x138800, s8  }
0x5: {  	s4 =	sor.u32 $0x20, s25;
	s11 =	smul.u32 $0x500, s6  }
0x6: {  	s5 =	sor.u32 $0x30, s25;
	s12 =	smul.u32 $0x500, s4  }
0x7: {  	s3 =	sor.u32 $0x40, s25;
	s13 =	smul.u32 $0x500, s5  }
0x8: {  	s2 =	sor.u32 $0x50, s25;
	s14 =	smul.u32 $0x500, s3  }
0x9: {  	s1 =	sor.u32 $0x60, s25;
	s15 =	smul.u32 $0x500, s2  }
0xa: {  	s0 =	sor.u32 $0x70, s25;
	s16 =	smul.u32 $0x500, s1  }
0xb: {  	s17 =	smul.u32 $0x500, s0  }
0xc: {  	s21 =	smul.u32 $0x2800, s6  }
0xd: {  	s18 =	sshll.u32 s25, $0x1;
	s24 =	smul.u32 $0x2800, s4  }
0xe: {  	s18 =	sor.u32 s8, s18;
	s20 =	ssub.s32 $0x2, s8;
	s8 =	smul.u32 $0x50, s8  }
0xf: {  	s29 =	smul.u32 $0x2800, s2  }
0x10: {  	s6 =	smul.u32 $0xA000, s6  }
0x11: {  	s7 =	rddreg [dreg:$0x0];
	s4 =	smul.u32 $0xA000, s4  }
0x12: {  	s22 =	sadd.s32 $0x3F400, s7;
	s2 =	smul.u32 $0xA000, s2  }
0x13: {  	p0 =	sgt.u32 s0, $0x7D;
	s23 =	sshrl.u32 s20, $0x1;
	s9 =	sadd.s32 s22, s9  }
0x14: {  	p1 =	sgt.u32 s0, $0x7C;
	s20 =	ssub.s32 s20, s23;
	[dreg:$0x3] =	wrdreg s9  }
0x15: {  	s9 =	smul.u32 $0x2800, s5;
	s11 =	sadd.s32 s22, s11;
	s12 =	sadd.s32 s22, s12  }
0x16: {  	s13 =	sadd.s32 s22, s13;
	s14 =	sadd.s32 s22, s14;
	s31 =	sadd.s32 s10, s19  }
0x17: {  	s19 =	sadd.s32 s10, s24;
	s24 =	smul.u32 $0x500, s18;
	s18 =	rddreg [dreg:$0x1]  }
0x18: {  	s23 =	smul.u32 $0x2800, s3;
	s26 =	sadd.s32 s22, s15;
	[dreg:$0x4] =	wrdreg s11  }
0x19: {  	s28 =	sadd.s32 s22, s16;
	s15 =	smul.u32 $0x2800, s1;
	[dreg:$0x5] =	wrdreg s12  }
0x1a: {  	s16 =	sadd.s32 s10, s21;
	s21 =	smul.u32 $0x2800, s0;
	[dreg:$0x6] =	wrdreg s13  }
0x1b: {  	s30 =	sadd.s32 s22, s17;
	s5 =	smul.u32 $0xA000, s5;
	[dreg:$0x7] =	wrdreg s14  }
0x1c: {  	s6 =	sshrl.u32 s6, $0x2;
	s3 =	smul.u32 $0xA000, s3;
	[dreg:$0x8] =	wrdreg s26  }
0x1d: {  	s4 =	sshrl.u32 s4, $0x2;
	s1 =	smul.u32 $0xA000, s1;
	[dreg:$0x9] =	wrdreg s28  }
0x1e: {  	s0 =	smul.u32 $0xA000, s0;
	s2 =	sshrl.u32 s2, $0x2;
	[dreg:$0xa] =	wrdreg s30  }
0x1f: {  	s12 =	sadd.s32 s10, s29;
	s13 =	sshrl.u32 s31, $0x3;
	s26 =	sadd.s32 $0x66A00, s7  }
0x20: {  	s28 =	sshrl.u32 s16, $0x3;
	s29 =	sshrl.u32 s19, $0x3;
	s16 =	sadd.s32 $0x35400, s7  }
0x21: {  	s6 =	sadd.s32 s6, s18;
	s4 =	sadd.s32 s4, s18;
	s2 =	sadd.s32 s2, s18  }
0x22: {  	s22 =	sadd.s32 s10, s9;
	s11 =	sadd.s32 s10, s23;
	s23 =	smul.u32 $0xA0, s25  }
0x23: {  	s14 =	sadd.s32 s10, s15;
	s9 =	simm.s32 $0x0;
	s10 =	sadd.s32 s10, s21  }
0x24: {  	s13 =	sadd.s32 s26, s13;
	s30 =	sadd.s32 s26, s29;
	s12 =	sshrl.u32 s12, $0x3  }
0x25: {  	s19 =	sadd.s32 s16, s24;
	s21 =	sadd.s32 $0x4200, s7;
	s29 =	sshll.u32 s25, $0x6  }
0x26: {  	s5 =	sshrl.u32 s5, $0x2;
	s3 =	sshrl.u32 s3, $0x2;
	[smem:$0x7FF] =	sst s9  }
0x27: {  	s1 =	sshrl.u32 s1, $0x2;
	s0 =	sshrl.u32 s0, $0x2;
	[dreg:$0xb] =	wrdreg s13  }
0x28: {  	s13 =	sadd.s32 s26, s28;
	[dreg:$0xd] =	wrdreg s30;
	s31 =	sshrl.u32 s22, $0x3  }
0x29: {  	s11 =	sshrl.u32 s11, $0x3;
	s15 =	sshrl.u32 s14, $0x3;
	s10 =	sshrl.u32 s10, $0x3  }
0x2a: {  	s22 =	sadd.s32 s24, s7;
	[dreg:$0xc] =	wrdreg s13;
	s13 =	sadd.s32 s26, s31  }
0x2b: {  	s30 =	sadd.s32 s5, s18;
	s11 =	sadd.s32 s26, s11;
	[dreg:$0xe] =	wrdreg s13  }
0x2c: {  	s3 =	sadd.s32 s3, s18;
	s10 =	sadd.s32 s26, s10;
	[dreg:$0xf] =	wrdreg s11  }
0x2d: {  	s1 =	sadd.s32 s1, s18;
	s13 =	sadd.s32 s26, s12;
	[dreg:$0x12] =	wrdreg s10  }
0x2e: {  	s0 =	sadd.s32 s0, s18;
	s11 =	sadd.s32 s26, s15;
	[dreg:$0x10] =	wrdreg s13  }
0x2f: {  	s5 =	simm.s32 $0x2800;
	s24 =	sadd.s32 $0x2B400, s22;
	[dreg:$0x11] =	wrdreg s11  }
0x30: {  	s26 =	smax.u32 s20, $0x1;
	_ =	strace $0x8000004A;
	[dreg:$0x14] =	wrdreg s24  }
0x31: {  	s14 =	simm.s32 $0x4;
	s8 =	sadd.s32 s8, s23;
	[dreg:$0x15] =	wrdreg s26  }
0x32: {  	s23 =	smul.u32 $0xA000, s25;
	s25 =	sor.u32 $0x1C05, s29;
	[dreg:$0x17] =	wrdreg s6  }
0x33: {  	s31 =	sadd.s32 $0x4F0, s19;
	s8 =	sshll.u32 s8, $0x4;
	[dreg:$0x18] =	wrdreg s4  }
0x34: {  	s10 =	simm.s32 $0x6900;
	s12 =	simm.s32 $0x3;
	[dreg:$0x19] =	wrdreg s30  }
0x35: {  	s8 =	sadd.s32 s8, s16;
	s28 =	sshrl.u32 s23, $0x2;
	[dreg:$0x1a] =	wrdreg s3  }
0x36: {  	s11 =	simm.s32 $0x1;
	s13 =	simm.s32 $0x2;
	[dreg:$0x1b] =	wrdreg s2  }
0x37: {  	s16 =	simm.s32 $0x0;
	s7 =	sadd.s32 s28, s18;
	[dreg:$0x1c] =	wrdreg s1  }
0x38: {  	s1 =	sadd.s32 $0x10, s8;
	s2 =	sadd.s32 $0x20, s8;
	[dreg:$0x13] =	wrdreg s19  }
0x39: {  	[dreg:$0x1d] =	wrdreg s31;
	s4 =	simm.s32 $0x5;
	s6 =	simm.s32 $0x2900  }
0x3a: {  	s8 =	simm.s32 $0x80;
	[dreg:$0x16] =	wrdreg s7;
	s7 =	simm.s32 $0x2880  }
.LBB2_1:
0x3b: {  	s3 =	rddreg [dreg:$0x16]  }
0x3c: {  	s22 =	rddreg [dreg:$0x3];
	s17 =	sshrl.u32 s3, $0x3  }
0x3d: {  	[spmem:s17], [sflag:s25] =	dma.local [hbm:s22], $0x500  }
0x3e: {  	_ =	swait.ge [sflag:s4], $0x500  }
0x3f: {  	[sflag:s4] =	ssyncset.done $0x0;
	s23 =	rddreg [dreg:$0x17]  }
0x40: {  	s24 =	rddreg [dreg:$0x4];
	[sflag:s4] =	ssyncadd.s32 $0xFFFFFB00;
	s19 =	sshrl.u32 s23, $0x3  }
0x41: {  	[spmem:s19], [sflag:s25] =	dma.local [hbm:s24], $0x500  }
0x42: {  	_ =	swait.ge [sflag:s4], $0x500  }
0x43: {  	[sflag:s4] =	ssyncset.done $0x0;
	s26 =	rddreg [dreg:$0x18]  }
0x44: {  	s31 =	rddreg [dreg:$0x5];
	[sflag:s4] =	ssyncadd.s32 $0xFFFFFB00;
	s22 =	sshrl.u32 s26, $0x3  }
0x45: {  	[spmem:s22], [sflag:s25] =	dma.local [hbm:s31], $0x500  }
0x46: {  	_ =	swait.ge [sflag:s4], $0x500  }
0x47: {  	[sflag:s4] =	ssyncset.done $0x0;
	s15 =	rddreg [dreg:$0x19]  }
0x48: {  	s20 =	rddreg [dreg:$0x6];
	[sflag:s4] =	ssyncadd.s32 $0xFFFFFB00;
	s23 =	sshrl.u32 s15, $0x3  }
0x49: {  	[spmem:s23], [sflag:s25] =	dma.local [hbm:s20], $0x500  }
0x4a: {  	_ =	swait.ge [sflag:s4], $0x500  }
0x4b: {  	[sflag:s4] =	ssyncset.done $0x0;
	s24 =	rddreg [dreg:$0x1a]  }
0x4c: {  	s26 =	rddreg [dreg:$0x7];
	[sflag:s4] =	ssyncadd.s32 $0xFFFFFB00;
	s20 =	sshrl.u32 s24, $0x3  }
0x4d: {  	[spmem:s20], [sflag:s25] =	dma.local [hbm:s26], $0x500  }
0x4e: {  	_ =	swait.ge [sflag:s4], $0x500  }
0x4f: {  	[sflag:s4] =	ssyncset.done $0x0;
	s31 =	rddreg [dreg:$0x1b]  }
0x50: {  	s15 =	rddreg [dreg:$0x8];
	[sflag:s4] =	ssyncadd.s32 $0xFFFFFB00;
	s24 =	sshrl.u32 s31, $0x3  }
0x51: {  	[spmem:s24], [sflag:s25] =	dma.local [hbm:s15], $0x500  }
0x52: {  	_ =	swait.ge [sflag:s4], $0x500  }
0x53: {  	[sflag:s4] =	ssyncset.done $0x0;
	s26 =	rddreg [dreg:$0x1c]  }
0x54: {  	s31 =	rddreg [dreg:$0x9];
	[sflag:s4] =	ssyncadd.s32 $0xFFFFFB00;
	s26 =	sshrl.u32 s26, $0x3  }
0x55: {  	[spmem:s26], [sflag:s25] =	dma.local [hbm:s31], $0x500  }
0x56: {  	_ =	swait.ge [sflag:s4], $0x500  }
0x57: {  	[sflag:s4] =	ssyncset.done $0x0  }
0x58: {  	s28 =	sshrl.u32 @!p0 s0, $0x3;
	s3 =	rddreg [dreg:$0xa];
	[sflag:s4] =	ssyncadd.s32 $0xFFFFFB00  }
0x59: {  	[spmem:s28], [sflag:s25] =	dma.local @!p0 [hbm:s3], $0x500  }
0x5a: {  	s28 =	simm.s32 @!p0 $0x5  }
0x5b: {  	_ =	swait.ge @!p0 [sflag:s28], $0x500  }
0x5c: {  	[sflag:s28] =	ssyncset.done @!p0 $0x0  }
0x5d: {  	s15 =	rddreg [dreg:$0x14];
	[sflag:s28] =	ssyncadd.s32 @!p0 $0xFFFFFB00  }
0x5e: {  	[tilespmem:s9], [sflag:$0x5] =	stream.linear.gather [hbm4b:s15+s9], $0x2800, $0x38;
	[tilespmem:$0x1E400] =	vst v63  }
0x5f: {  	_ =	swait.ge [sflag:s4], $0x2800  }
0x60: {  	[sflag:s4] =	ssyncset.done $0x0  }
0x61: {  	[sflag:s4] =	ssyncadd.s32 $0xFFFFD800  }
0x62: {  	[bflag:$0x0] =	sbarrier.arrive $0xFFFF  }
0x63: {  	s31 =	rddreg [dreg:$0x13]  }
0x64: {  	[tilespmem:s5], [sflag:$0x3] =	stream.linear.gather [hbm4b:s31+s9], $0x80, $0x38;
	[tilespmem:$0x1E400] =	vst v63  }
0x65: {  	_ = 	snop  }
0x66: {  	[tilespmem:s6], [sflag:$0x1] =	stream.indirect.gather [hbm4b:s21+s8], $0x80, s9, s8, $0xb8;
	[tilespmem:$0x1E400] =	vst v63  }
0x67: {  	s28 =	sadd.s32 $0x0, s1  }
0x68: {  	[tilespmem:s7], [sflag:$0x4] =	stream.linear.gather [hbm4b:s28+s9], $0x80, $0x38;
	[tilespmem:$0x1E400] =	vst v63  }
0x69: {  	_ = 	snop  }
0x6a: {  	[tilespmem:s10], [sflag:$0x2] =	stream.indirect.gather [hbm4b:s21+s8], $0x80, s8, s8, $0xb8;
	[tilespmem:$0x1E400] =	vst v63  }
0x6b: {  	_ =	swait.ge [sflag:s11], $0x4000  }
0x6c: {  	[sflag:s11] =	ssyncset.done $0x0  }
0x6d: {  	[sflag:s11] =	ssyncadd.s32 $0xFFFFC000  }
0x6e: {  	_ =	swait.ge [sflag:s12], $0x80  }
0x6f: {  	[sflag:s12] =	ssyncset.done $0x0  }
0x70: {  	[sflag:s12] =	ssyncadd.s32 $0xFFFFFF80  }
0x71: {  	[spmem:s18] =	stream.indirect.scatter.add.f32 [tilespmem:s6], [sflag:$0x5], $0x80, s5, s8, $0xb8;
	[tilespmem:$0x1E400] =	vst v63  }
0x72: {  	_ =	swait.ge [sflag:s4], $0x4000  }
0x73: {  	[sflag:s4] =	ssyncset.done $0x0  }
0x74: {  	s28 =	sadd.s32 $0x0, s2;
	[sflag:s4] =	ssyncadd.s32 $0xFFFFC000  }
0x75: {  	[tilespmem:s5], [sflag:$0x3] =	stream.linear.gather [hbm4b:s28+s9], $0x80, $0x38;
	[tilespmem:$0x1E400] =	vst v63  }
0x76: {  	s28 =	simm.s32 $0x100  }
0x77: {  	[tilespmem:s6], [sflag:$0x1] =	stream.indirect.gather [hbm4b:s21+s8], $0x80, s28, s8, $0xb8;
	[tilespmem:$0x1E400] =	vst v63  }
0x78: {  	_ =	swait.ge [sflag:s13], $0x4000  }
0x79: {  	[sflag:s13] =	ssyncset.done $0x0  }
0x7a: {  	[sflag:s13] =	ssyncadd.s32 $0xFFFFC000  }
0x7b: {  	_ =	swait.ge [sflag:s14], $0x80  }
0x7c: {  	[sflag:s14] =	ssyncset.done $0x0  }
0x7d: {  	[sflag:s14] =	ssyncadd.s32 $0xFFFFFF80  }
0x7e: {  	[spmem:s18] =	stream.indirect.scatter.add.f32 [tilespmem:s10], [sflag:$0x5], $0x80, s7, s8, $0xb8;
	[tilespmem:$0x1E400] =	vst v63  }
0x7f: {  	s30 =	simm.s32 $0x40;
	_ =	swait.ge [sflag:s4], $0x4000  }
0x80: {  	s29 =	simm.s32 $0x180;
	s28 =	simm.s32 $0x20;
	[sflag:s4] =	ssyncset.done $0x0  }
.LBB2_2:
0x81: {  	s31 =	sadd.s32 s28, s1  }
0x82: {  	[sflag:s4] =	ssyncadd.s32 $0xFFFFC000;
	s15 =	smov.u32 s30;
	s3 =	sadd.s32 $0x20, s30  }
0x83: {  	[tilespmem:s7], [sflag:$0x4] =	stream.linear.gather [hbm4b:s31+s9], $0x80, $0x38;
	[tilespmem:$0x1E400] =	vst v63  }
0x84: {  	p2 =	sne.s32 s30, $0x4C0  }
0x85: {  	[tilespmem:s10], [sflag:$0x2] =	stream.indirect.gather [hbm4b:s21+s8], $0x80, s29, s8, $0xb8;
	[tilespmem:$0x1E400] =	vst v63  }
0x86: {  	_ =	swait.ge [sflag:s11], $0x4000  }
0x87: {  	[sflag:s11] =	ssyncset.done $0x0  }
0x88: {  	[sflag:s11] =	ssyncadd.s32 $0xFFFFC000  }
0x89: {  	_ =	swait.ge [sflag:s12], $0x80  }
0x8a: {  	[sflag:s12] =	ssyncset.done $0x0  }
0x8b: {  	[sflag:s12] =	ssyncadd.s32 $0xFFFFFF80  }
0x8c: {  	[spmem:s18] =	stream.indirect.scatter.add.f32 [tilespmem:s6], [sflag:$0x5], $0x80, s5, s8, $0xb8;
	[tilespmem:$0x1E400] =	vst v63  }
0x8d: {  	_ =	swait.ge [sflag:s4], $0x4000  }
0x8e: {  	[sflag:s4] =	ssyncset.done $0x0  }
0x8f: {  	s30 =	sadd.s32 s28, s2;
	s28 =	smov.u32 s15;
	[sflag:s4] =	ssyncadd.s32 $0xFFFFC000  }
0x90: {  	[tilespmem:s5], [sflag:$0x3] =	stream.linear.gather [hbm4b:s30+s9], $0x80, $0x38;
	[tilespmem:$0x1E400] =	vst v63  }
0x91: {  	s15 =	sadd.s32 $0x80, s29  }
0x92: {  	[tilespmem:s6], [sflag:$0x1] =	stream.indirect.gather [hbm4b:s21+s8], $0x80, s15, s8, $0xb8;
	[tilespmem:$0x1E400] =	vst v63  }
0x93: {  	_ =	swait.ge [sflag:s13], $0x4000  }
0x94: {  	[sflag:s13] =	ssyncset.done $0x0  }
0x95: {  	[sflag:s13] =	ssyncadd.s32 $0xFFFFC000  }
0x96: {  	_ =	swait.ge [sflag:s14], $0x80  }
.Ltmp0:
0x97: {  	[sflag:s14] =	ssyncset.done $0x0;
	(pc) =	sbr.rel @p2 .LBB2_2-.Ltmp0, $4  }
0x98: {  	[sflag:s14] =	ssyncadd.s32 $0xFFFFFF80  }
0x99: {  	[spmem:s18] =	stream.indirect.scatter.add.f32 [tilespmem:s10], [sflag:$0x5], $0x80, s7, s8, $0xb8;
	[tilespmem:$0x1E400] =	vst v63  }
0x9a: {  	_ =	swait.ge [sflag:s4], $0x4000  }
0x9b: {  	s29 =	sadd.s32 $0x100, s29;
	s30 =	smov.u32 s3;
	[sflag:s4] =	ssyncset.done $0x0  }
0x9c: {  	s3 =	sadd.s32 s28, s1;
	[sflag:s4] =	ssyncadd.s32 $0xFFFFC000  }
0x9d: {  	[tilespmem:s7], [sflag:$0x4] =	stream.linear.gather [hbm4b:s3+s9], $0x80, $0x38;
	[tilespmem:$0x1E400] =	vst v63  }
0x9e: {  	_ = 	snop  }
0x9f: {  	[tilespmem:s10], [sflag:$0x2] =	stream.indirect.gather [hbm4b:s21+s8], $0x80, s29, s8, $0xb8;
	[tilespmem:$0x1E400] =	vst v63  }
0xa0: {  	_ =	swait.ge [sflag:s11], $0x4000  }
0xa1: {  	[sflag:s11] =	ssyncset.done $0x0  }
0xa2: {  	[sflag:s11] =	ssyncadd.s32 $0xFFFFC000  }
0xa3: {  	_ =	swait.ge [sflag:s12], $0x80  }
0xa4: {  	[sflag:s12] =	ssyncset.done $0x0  }
0xa5: {  	[sflag:s12] =	ssyncadd.s32 $0xFFFFFF80  }
0xa6: {  	[spmem:s18] =	stream.indirect.scatter.add.f32 [tilespmem:s6], [sflag:$0x5], $0x80, s5, s8, $0xb8;
	[tilespmem:$0x1E400] =	vst v63  }
0xa7: {  	_ =	swait.ge [sflag:s4], $0x4000  }
0xa8: {  	[sflag:s4] =	ssyncset.done $0x0  }
0xa9: {  	s28 =	sadd.s32 s28, s2;
	[sflag:s4] =	ssyncadd.s32 $0xFFFFC000  }
0xaa: {  	[tilespmem:s5], [sflag:$0x3] =	stream.linear.gather [hbm4b:s28+s9], $0x80, $0x38;
	[tilespmem:$0x1E400] =	vst v63  }
0xab: {  	s29 =	sadd.s32 $0x80, s29  }
0xac: {  	[tilespmem:s6], [sflag:$0x1] =	stream.indirect.gather [hbm4b:s21+s8], $0x80, s29, s8, $0xb8;
	[tilespmem:$0x1E400] =	vst v63  }
0xad: {  	_ =	swait.ge [sflag:s13], $0x4000  }
0xae: {  	[sflag:s13] =	ssyncset.done $0x0  }
0xaf: {  	[sflag:s13] =	ssyncadd.s32 $0xFFFFC000  }
0xb0: {  	_ =	swait.ge [sflag:s14], $0x80  }
0xb1: {  	[sflag:s14] =	ssyncset.done $0x0  }
0xb2: {  	[sflag:s14] =	ssyncadd.s32 $0xFFFFFF80  }
0xb3: {  	[spmem:s18] =	stream.indirect.scatter.add.f32 [tilespmem:s10], [sflag:$0x5], $0x80, s7, s8, $0xb8;
	[tilespmem:$0x1E400] =	vst v63  }
0xb4: {  	_ =	swait.ge [sflag:s4], $0x4000  }
0xb5: {  	[sflag:s4] =	ssyncset.done $0x0  }
0xb6: {  	s30 =	rddreg [dreg:$0x1d];
	[sflag:s4] =	ssyncadd.s32 $0xFFFFC000  }
0xb7: {  	[tilespmem:s7], [sflag:$0x4] =	stream.linear.gather [hbm4b:s30+s9], $0x80, $0x38;
	[tilespmem:$0x1E400] =	vst v63  }
0xb8: {  	s31 =	simm.s32 $0x2780  }
0xb9: {  	[tilespmem:s10], [sflag:$0x2] =	stream.indirect.gather [hbm4b:s21+s8], $0x80, s31, s8, $0xb8;
	[tilespmem:$0x1E400] =	vst v63  }
0xba: {  	_ =	swait.ge [sflag:s11], $0x4000  }
0xbb: {  	[sflag:s11] =	ssyncset.done $0x0  }
0xbc: {  	[sflag:s11] =	ssyncadd.s32 $0xFFFFC000  }
0xbd: {  	_ =	swait.ge [sflag:s12], $0x80  }
0xbe: {  	[sflag:s12] =	ssyncset.done $0x0  }
0xbf: {  	[sflag:s12] =	ssyncadd.s32 $0xFFFFFF80  }
0xc0: {  	[spmem:s18] =	stream.indirect.scatter.add.f32 [tilespmem:s6], [sflag:$0x5], $0x80, s5, s8, $0xb8;
	[tilespmem:$0x1E400] =	vst v63  }
0xc1: {  	_ =	swait.ge [sflag:s4], $0x4000  }
0xc2: {  	[sflag:s4] =	ssyncset.done $0x0  }
0xc3: {  	[sflag:s4] =	ssyncadd.s32 $0xFFFFC000  }
0xc4: {  	_ =	swait.ge [sflag:s13], $0x4000  }
0xc5: {  	[sflag:s13] =	ssyncset.done $0x0  }
0xc6: {  	[sflag:s13] =	ssyncadd.s32 $0xFFFFC000  }
0xc7: {  	_ =	swait.ge [sflag:s14], $0x80  }
0xc8: {  	[sflag:s14] =	ssyncset.done $0x0  }
0xc9: {  	[sflag:s14] =	ssyncadd.s32 $0xFFFFFF80  }
0xca: {  	[spmem:s18] =	stream.indirect.scatter.add.f32 [tilespmem:s10], [sflag:$0x5], $0x80, s7, s8, $0xb8;
	[tilespmem:$0x1E400] =	vst v63  }
0xcb: {  	_ =	swait.ge [sflag:s4], $0x4000  }
0xcc: {  	[sflag:s4] =	ssyncset.done $0x0  }
0xcd: {  	[sflag:s4] =	ssyncadd.s32 $0xFFFFC000  }
0xce: {  	[bflag:$0x0] =	sbarrier.arrive $0xFFFF  }
0xcf: {  	s15 =	rddreg [dreg:$0xb]  }
0xd0: {  	[hbm:s15], [sflag:s25] =	dma.local [spmem:s17], $0x500  }
0xd1: {  	_ =	swait.ge [sflag:s4], $0x500  }
0xd2: {  	[sflag:s4] =	ssyncset.done $0x0  }
0xd3: {  	s17 =	rddreg [dreg:$0xc];
	[sflag:s4] =	ssyncadd.s32 $0xFFFFFB00  }
0xd4: {  	[hbm:s17], [sflag:s25] =	dma.local [spmem:s19], $0x500  }
0xd5: {  	_ =	swait.ge [sflag:s4], $0x500  }
0xd6: {  	[sflag:s4] =	ssyncset.done $0x0  }
0xd7: {  	s19 =	rddreg [dreg:$0xd];
	[sflag:s4] =	ssyncadd.s32 $0xFFFFFB00  }
0xd8: {  	[hbm:s19], [sflag:s25] =	dma.local [spmem:s22], $0x500  }
0xd9: {  	_ =	swait.ge [sflag:s4], $0x500  }
0xda: {  	[sflag:s4] =	ssyncset.done $0x0  }
0xdb: {  	s22 =	rddreg [dreg:$0xe];
	[sflag:s4] =	ssyncadd.s32 $0xFFFFFB00  }
0xdc: {  	[hbm:s22], [sflag:s25] =	dma.local [spmem:s23], $0x500  }
0xdd: {  	_ =	swait.ge [sflag:s4], $0x500  }
0xde: {  	[sflag:s4] =	ssyncset.done $0x0  }
0xdf: {  	s28 =	rddreg [dreg:$0xf];
	[sflag:s4] =	ssyncadd.s32 $0xFFFFFB00  }
0xe0: {  	[hbm:s28], [sflag:s25] =	dma.local [spmem:s20], $0x500  }
0xe1: {  	_ =	swait.ge [sflag:s4], $0x500  }
0xe2: {  	[sflag:s4] =	ssyncset.done $0x0  }
0xe3: {  	s29 =	rddreg [dreg:$0x10];
	[sflag:s4] =	ssyncadd.s32 $0xFFFFFB00  }
0xe4: {  	[hbm:s29], [sflag:s25] =	dma.local [spmem:s24], $0x500  }
0xe5: {  	_ =	swait.ge [sflag:s4], $0x500  }
0xe6: {  	[sflag:s4] =	ssyncset.done $0x0  }
0xe7: {  	s30 =	rddreg [dreg:$0x11];
	[sflag:s4] =	ssyncadd.s32 $0xFFFFFB00  }
0xe8: {  	[hbm:s30], [sflag:s25] =	dma.local [spmem:s26], $0x500  }
0xe9: {  	_ =	swait.ge [sflag:s4], $0x500  }
0xea: {  	[sflag:s4] =	ssyncset.done $0x0  }
0xeb: {  	s3 =	sshrl.u32 @!p1 s0, $0x3;
	s15 =	rddreg [dreg:$0x12];
	[sflag:s4] =	ssyncadd.s32 $0xFFFFFB00  }
0xec: {  	[hbm:s15], [sflag:s25] =	dma.local @!p1 [spmem:s3], $0x500  }
0xed: {  	s3 =	simm.s32 @!p1 $0x5  }
0xee: {  	_ =	swait.ge @!p1 [sflag:s3], $0x500  }
0xef: {  	s16 =	sadd.s32 $0x1, s16;
	s31 =	rddreg [dreg:$0x15]  }
0xf0: {  	p2 =	sne.s32 s16, s31  }
.Ltmp1:
0xf1: {  	_ = 	snop;
	(pc) =	sbr.rel @p2 .LBB2_1-.Ltmp1, $3  }
0xf2: {  	_ =	sdelay $0x1  }
0xf3: {  	[sflag:s3] =	ssyncset.done @!p1 $0x0  }
0xf4: {  	[sflag:s3] =	ssyncadd.s32 @!p1 $0xFFFFFB00  }
0xf5: {  	_ =	sfence.sel $0x180000  }
0xf6: {  	[bflag:$0x0] =	sbarrier.arrive $0xFFFF  }
0xf7: {  	_ =	strace $0x9000004A  }
0xf8: {  	s0 =	stileid.u32;
	[bflag:$0x2] =	sbarrier.arrive $0xFFFF  }
0xf9: {  	p0 =	sne.s32 s0, $0x0;
	s0 =	rddreg [dreg:$0x2]  }
0xfa: {  	s0 =	sadd.s32 @!p0 $0x100000, s0  }
0xfb: {  	[sflag:s0] =	ssyncadd.tile.s32 @!p0 $0x1;
	_ =	shalt  }
.Lfunc_end2:
_tile_overlayer_lowered:
.L_overlay_start_2:
0xfc: {  	(tag) =	ssettag $0x2  }
0xfd: {  	s0 =	rddreg [dreg:$0x0];
	s2 =	stileid.u32  }
0xfe: {  	s1 =	rddreg [dreg:$0x1];
	p0 =	sne.s32 s2, $0x0  }
0xff: {  	s3 =	rddreg [dreg:$0x2];
	[bflag:$0x3] =	sbarrier.arrive $0xFFFF;
	s2 =	simm.s32 @!p0 $0x1C05  }
0x100: {  	[timem:s3], [sflag:s2] =	dma.local @!p0 [hbm:s0], s1  }
0x101: {  	s0 =	simm.s32 @!p0 $0x5  }
0x102: {  	_ =	swait.ge @!p0 [sflag:s0], s1  }
0x103: {  	s1 =	ssub.s32 @!p0 $0x0, s1;
	[sflag:s0] =	ssyncset.done @!p0 $0x0  }
0x104: {  	[sflag:s0] =	ssyncadd.s32 @!p0 s1  }
0x105: {  	[bflag:$0x3] =	sbarrier.arrive $0xFFFF  }
0x106: {  	_ =	shalt  }

// kernel: kernel.16.cloned.1.call-start
scs
__scs_entry_jumppad:
0x0: {  	(pc) =	sbr.rel $0x88, $3  }
0x1: {  	(tag) =	ssettag $0x0;
	lr =	simm.s32 $0x1  }
0x2: {  	[smem:$0x3F90] =	sst lr;
	_ =	strace $0xD0000000  }
0x3: {  	_ = 	snop  }
0x4: {  	_ = 	snop  }
0x5: {  	_ = 	snop  }
0x6: {  	_ = 	snop  }
0x7: {  	_ = 	snop  }
__scs_overlays_trampoline_lowered:
0x8: {  	[smem:$0x3F9F] =	sst s0  }
0x9: {  	[smem:$0x3FA0] =	sst s1  }
0xa: {  	[smem:$0x3FA1] =	sst s2  }
0xb: {  	[smem:$0x3FA2] =	sst s3  }
0xc: {  	[smem:$0x3FA3] =	sst s4  }
0xd: {  	[smem:$0x3FA4] =	sst s5  }
0xe: {  	[smem:$0x3FA5] =	sst s6  }
0xf: {  	[smem:$0x3FA6] =	sst s7  }
0x10: {  	[smem:$0x3FA7] =	sst s8  }
0x11: {  	[smem:$0x3FA8] =	sst s9;
	s0 =	simm.s32 @!p0 $0x0  }
0x12: {  	s1 =	sld [smem:$0x3F8E];
	s0 =	simm.s32 @p0 $0x1  }
0x13: {  	[smem:$0x3FA9] =	sst s0;
	s0 =	simm.s32 @!p1 $0x0  }
0x14: {  	s2 =	sld [smem:$0x3F8D];
	s0 =	simm.s32 @p1 $0x1  }
0x15: {  	[smem:$0x3FAA] =	sst s0;
	s0 =	simm.s32 @!p2 $0x0  }
0x16: {  	s3 =	sld [smem:$0x3FDB];
	s0 =	simm.s32 @p2 $0x1  }
0x17: {  	s4 =	simm.s32 $0x1BF5;
	[smem:$0x3FAC] =	sst s0  }
0x18: {  	s0 =	sld [smem:$0x3F8F];
	_ =	swait.ge [sflag:s4], $0x0  }
0x19: {  	s7 =	sld [smem:$0x3F90]  }
0x1a: {  	s8 =	sadd.s32 $0xFFFFE003, lr  }
0x1b: {  	s9 =	sadd.s32 $0xFFFFFEF7, lr;
	s5 =	simm.s32 $0xFFFFFFFF;
	p2 =	slt.u32 s8, $0xFFFFF086  }
0x1c: {  	p1 =	slt.u32 s9, $0xF7A;
	s5 =	simm.s32 @!p2 $0x0  }
0x1d: {  	s5 =	simm.s32 @p1 $0x1;
	p0 =	seq.s32 s7, s2  }
0x1e: {  	s7 =	smul.u32 @!p0 $0xF7A, s2;
	p2 =	seq.s32 @!p0 s5, $0x0  }
0x1f: {  	s9 =	smul.u32 $0xF7A, s1;
	s8 =	simm.s32 @!p0 $0x1BF5;
	p2 =	por !p2, p0  }
0x20: {  	[sflag:s8] =	ssyncset.s32 @!p0 $0xFFFFF086;
	s6 =	sadd.s32 @!p0 s3, s7;
	s7 =	simm.s32 @!p0 $0x108  }
0x21: {  	s3 =	sadd.s32 s3, s9;
	s6 =	sadd.s32 @!p0 $0x88, s6;
	s7 =	simm.s32 @p2 $0x1082  }
0x22: {  	[simem:s7], [sflag:s8] =	dma.local @!p0 [hbm:s6], $0xF7A  }
0x23: {  	s9 =	sor.u32 $0xD0000000, s2;
	s6 =	simm.s32 $0x108;
	_ =	swait.ge @!p0 [sflag:s8], $0x0  }
0x24: {  	s3 =	sadd.s32 $0x88, s3;
	s6 =	simm.s32 @!p1 $0x1082;
	[sflag:s4] =	ssyncset.s32 $0xFFFFF086  }
0x25: {  	[simem:s6], [sflag:s4] =	dma.local [hbm:s3], $0xF7A  }
0x26: {  	[smem:$0x3F90] =	sst s1;
	(tag) =	ssettag s2;
	_ =	strace s9  }
0x27: {  	s1 =	sld [smem:$0x3FA0]  }
0x28: {  	s2 =	sld [smem:$0x3FA1]  }
0x29: {  	s4 =	sld [smem:$0x3FA3]  }
0x2a: {  	p0 =	seq.s32 s5, $0x0;
	s5 =	sld [smem:$0x3FA4]  }
0x2b: {  	s6 =	sld [smem:$0x3FA5]  }
0x2c: {  	s7 =	sld [smem:$0x3FA6]  }
0x2d: {  	s3 =	simm.s32 $0x108;
	s8 =	sld [smem:$0x3FA7]  }
0x2e: {  	s3 =	simm.s32 @!p0 $0x1082;
	s9 =	sld [smem:$0x3FA8]  }
0x2f: {  	lr =	sadd.s32 s0, s3;
	s0 =	sld [smem:$0x3F9F]  }
0x30: {  	s3 =	sld [smem:$0x3FA2]  }
0x31: {  	[smem:$0x3FAB] =	sst s10  }
0x32: {  	s10 =	sld [smem:$0x3FA9];
	_ =	sdelay $0x3  }
0x33: {  	p0 =	seq.s32 s10, $0x1;
	s10 =	sld [smem:$0x3FAB];
	_ =	sdelay $0x3  }
0x34: {  	[smem:$0x3FAB] =	sst s10  }
0x35: {  	s10 =	sld [smem:$0x3FAA];
	_ =	sdelay $0x3  }
0x36: {  	p1 =	seq.s32 s10, $0x1;
	s10 =	sld [smem:$0x3FAB];
	_ =	sdelay $0x3  }
0x37: {  	[smem:$0x3FAB] =	sst s10  }
0x38: {  	s10 =	sld [smem:$0x3FAC]  }
0x39: {  	_ = 	snop;
	(pc) =	sbr.ind lr, $3  }
0x3a: {  	_ = 	snop  }
0x3b: {  	_ = 	snop  }
0x3c: {  	p2 =	seq.s32 s10, $0x1;
	s10 =	sld [smem:$0x3FAB]  }
0x3d: {  	_ =	shalt  }
0x3e: {  	_ =	shalt  }
0x3f: {  	_ =	shalt  }
0x40: {  	_ =	shalt  }
0x41: {  	_ =	shalt  }
0x42: {  	_ =	shalt  }
0x43: {  	_ =	shalt  }
0x44: {  	_ =	shalt  }
0x45: {  	_ =	shalt  }
0x46: {  	_ =	shalt  }
0x47: {  	_ =	shalt  }
0x48: {  	_ =	shalt  }
0x49: {  	_ =	shalt  }
0x4a: {  	_ =	shalt  }
0x4b: {  	_ =	shalt  }
0x4c: {  	_ =	shalt  }
0x4d: {  	_ =	shalt  }
0x4e: {  	_ =	shalt  }
0x4f: {  	_ =	shalt  }
0x50: {  	_ =	shalt  }
0x51: {  	_ =	shalt  }
0x52: {  	_ =	shalt  }
0x53: {  	_ =	shalt  }
0x54: {  	_ =	shalt  }
0x55: {  	_ =	shalt  }
0x56: {  	_ =	shalt  }
0x57: {  	_ =	shalt  }
0x58: {  	_ =	shalt  }
0x59: {  	_ =	shalt  }
0x5a: {  	_ =	shalt  }
0x5b: {  	_ =	shalt  }
0x5c: {  	_ =	shalt  }
0x5d: {  	_ =	shalt  }
0x5e: {  	_ =	shalt  }
0x5f: {  	_ =	shalt  }
0x60: {  	_ =	shalt  }
0x61: {  	_ =	shalt  }
0x62: {  	_ =	shalt  }
0x63: {  	_ =	shalt  }
0x64: {  	_ =	shalt  }
0x65: {  	_ =	shalt  }
0x66: {  	_ =	shalt  }
0x67: {  	_ =	shalt  }
0x68: {  	_ =	shalt  }
0x69: {  	_ =	shalt  }
0x6a: {  	_ =	shalt  }
0x6b: {  	_ =	shalt  }
0x6c: {  	_ =	shalt  }
0x6d: {  	_ =	shalt  }
0x6e: {  	_ =	shalt  }
0x6f: {  	_ =	shalt  }
0x70: {  	_ =	shalt  }
0x71: {  	_ =	shalt  }
0x72: {  	_ =	shalt  }
0x73: {  	_ =	shalt  }
0x74: {  	_ =	shalt  }
0x75: {  	_ =	shalt  }
0x76: {  	_ =	shalt  }
0x77: {  	_ =	shalt  }
0x78: {  	_ =	shalt  }
0x79: {  	_ =	shalt  }
0x7a: {  	_ =	shalt  }
0x7b: {  	_ =	shalt  }
0x7c: {  	_ =	shalt  }
0x7d: {  	_ =	shalt  }
0x7e: {  	_ =	shalt  }
0x7f: {  	_ =	shalt  }
0x80: {  	_ =	shalt  }
0x81: {  	_ =	shalt  }
0x82: {  	_ =	shalt  }
0x83: {  	_ =	shalt  }
0x84: {  	_ =	shalt  }
0x85: {  	_ =	shalt  }
0x86: {  	_ =	shalt  }
0x87: {  	_ =	shalt  }
.Lfunc_end0:
.L_simem_size_0:
called_computation.2_lowered:
.L_overlay_start_0:
0x88: {  	s2 =	sld [smem:$0x3FD9]  }
0x89: {  	s3 =	sld [smem:$0x3FFE];
	_ =	sdelay $0x1  }
0x8a: {  	s1 =	srdreg.scid  }
0x8b: {  	s0 =	sand.u32 $0x1, s1  }
0x8c: {  	s16 =	sshll.u32 s0, $0xA;
	s2 =	sadd.s32 s3, s2  }
0x8d: {  	s2 =	sadd.s32 s2, s16  }
0x8e: {  	[smem:$0x3FB7] =	sst s2  }
0x8f: {  	_ = 	snop  }
0x90: {  	(tm) =	ssettm $0x1  }
0x91: {  	s17 =	sld [smem:$0x3FFB];
	_ =	sdelay $0x3  }
0x92: {  	_ =	strace s17  }
0x93: {  	s2 =	sld [smem:$0x3FFC];
	_ =	sdelay $0x3  }
0x94: {  	_ =	strace s2  }
0x95: {  	s2 =	sld [smem:$0x3FFD];
	_ =	sdelay $0x3  }
0x96: {  	_ =	strace s2  }
0x97: {  	_ =	strace $0x8FFFFFFF  }
0x98: {  	s18 =	sld [smem:$0x3FDB];
	_ =	sdelay $0x1  }
0x99: {  	s19 =	simm.s32 $_scs_section_size  }
0x9a: {  	s4 =	simm.s32 $_size__tile_overlayer_lowered;
	s5 =	simm.s32 $_tile_overlayer_lowered  }
0x9b: {  	s22 =	simm.s32 $0x1BFF;
	s21 =	sshll.u32 s5, $0x1;
	s2 =	sadd.s32 s19, s18  }
0x9c: {  	s6 =	simm.s32 $0x0;
	s20 =	sshll.u32 s4, $0x1;
	s4 =	sadd.s32 s21, s2  }
0x9d: {  	[timem:s6], [sflag:s22] =	dma.local [hbm:s4], s20  }
0x9e: {  	_ =	swait.ge [sflag:s22], s20  }
0x9f: {  	s3 =	ssub.s32 $0x0, s20;
	[sflag:s22] =	ssyncset.done $0x0  }
0xa0: {  	[sflag:s22] =	ssyncadd.s32 s3;
	_ =	sdelay $0x1  }
0xa1: {  	s23 =	simm.s32 $0x1B8B  }
0xa2: {  	_ =	swait.ge [sflag:s23], $0x1  }
0xa3: {  	[sflag:s23] =	ssyncset.done $0x0  }
0xa4: {  	s25 =	simm.s32 $0x1B8E;
	s24 =	sld [smem:$0x3FFE];
	[sflag:s23] =	ssyncadd.s32 $0xFFFFFFFF  }
0xa5: {  	s26 =	simm.s32 $execute0_lowered;
	[smem:$0x3FD2] =	sst s25  }
0xa6: {  	s4 =	sshll.u32 s26, $0x1;
	_ =	strace $0x8000004C;
	[dreg:$0x1] =	wrdreg $0xFFFFFFFF  }
0xa7: {  	s28 =	simm.s32 $_size_execute0_lowered;
	s2 =	sadd.s32 s2, s4;
	[dreg:$0x0] =	wrdreg $0x0  }
0xa8: {  	s4 =	sshll.u32 s28, $0x1;
	[dreg:$0x2] =	wrdreg s2  }
0xa9: {  	[dreg:$0x3] =	wrdreg s4  }
0xaa: {  	[dreg:$0x4] =	wrdreg $0xC0  }
0xab: {  	_ =	task [dreg:s6], $0x5FFFF  }
0xac: {  	[dreg:$0x1] =	wrdreg $0xFFFFFFFF  }
0xad: {  	[dreg:$0x0] =	wrdreg $0x60  }
0xae: {  	[dreg:$0x2] =	wrdreg s24  }
0xaf: {  	[dreg:$0x3] =	wrdreg $0xA9000  }
0xb0: {  	[dreg:$0x4] =	wrdreg $0x9  }
0xb1: {  	_ =	task.clear_ibuf [dreg:s6], $0x5FFFF;
	_ =	strace $0x9000004C  }
0xb2: {  	s29 =	simm.s32 $0x9;
	_ =	strace $0x8000004E  }
0xb3: {  	_ =	swait.ge [sflag:s29], $0x1  }
0xb4: {  	[sflag:s29] =	ssyncadd.s32 $0xFFFFFFFF  }
0xb5: {  	_ =	strace $0x9000004E  }
0xb6: {  	_ =	sfence  }
0xb7: {  	s30 =	sld [smem:$0x0];
	_ =	sdelay $0x2  }
0xb8: {  	s31 =	sshll.u32 s1, $0xD;
	s1 =	sshrl.u32 s1, $0x2  }
0xb9: {  	s3 =	sand.u32 $0x4000, s31;
	s1 =	sadd.s32 s1, s30  }
0xba: {  	s0 =	sor.u32 s3, s0;
	s1 =	sshll.u32 s1, $0x11  }
0xbb: {  	s0 =	sor.u32 s1, s0  }
0xbc: {  	s0 =	sadd.s32 $0x8F2B, s0  }
0xbd: {  	[sflag:s0] =	ssyncadd.remote.s32 $0x1  }
0xbe: {  	_ =	sfence.sel $0xFFFF  }
0xbf: {  	[dreg:$0x0] =	wrdreg $0xFFFFFFFF;
	(pc) =	sbr.abs _section_cstart, $3  }
0xc0: {  	[dreg:$0x1] =	wrdreg $0xFFFFFFFF  }
0xc1: {  	_ =	task.clear_ibuf [dreg:s6], $0x2FFFF;
	_ =	strace $0x9FFFFFFF  }
0xc2: {  	(tm) =	ssettm $0x7FFFFFFF  }
0xc3: {  	_ =	shalt  }
tec
execute0_lowered:
.L_overlay_start_1:
0x0: {  	(tag) =	ssettag $0x1  }
0x1: {  	s25 =	stileid.u32  }
0x2: {  	s0 =	srdreg.scid;
	s9 =	smul.u32 $0x500, s25  }
0x3: {  	s8 =	sand.u32 $0x1, s0;
	s19 =	smul.u32 $0x2800, s25  }
0x4: {  	s6 =	sor.u32 $0x10, s25;
	s10 =	smul.u32 $0x138800, s8  }
0x5: {  	s4 =	sor.u32 $0x20, s25;
	s11 =	smul.u32 $0x500, s6  }
0x6: {  	s5 =	sor.u32 $0x30, s25;
	s12 =	smul.u32 $0x500, s4  }
0x7: {  	s3 =	sor.u32 $0x40, s25;
	s13 =	smul.u32 $0x500, s5  }
0x8: {  	s2 =	sor.u32 $0x50, s25;
	s14 =	smul.u32 $0x500, s3  }
0x9: {  	s1 =	sor.u32 $0x60, s25;
	s15 =	smul.u32 $0x500, s2  }
0xa: {  	s0 =	sor.u32 $0x70, s25;
	s16 =	smul.u32 $0x500, s1  }
0xb: {  	s17 =	smul.u32 $0x500, s0  }
0xc: {  	s21 =	smul.u32 $0x2800, s6  }
0xd: {  	s18 =	sshll.u32 s25, $0x1;
	s24 =	smul.u32 $0x2800, s4  }
0xe: {  	s18 =	sor.u32 s8, s18;
	s20 =	ssub.s32 $0x2, s8;
	s8 =	smul.u32 $0x50, s8  }
0xf: {  	s29 =	smul.u32 $0x2800, s2  }
0x10: {  	s6 =	smul.u32 $0xA000, s6  }
0x11: {  	s7 =	rddreg [dreg:$0x0];
	s4 =	smul.u32 $0xA000, s4  }
0x12: {  	s22 =	sadd.s32 $0x3F400, s7;
	s2 =	smul.u32 $0xA000, s2  }
0x13: {  	p0 =	sgt.u32 s0, $0x7D;
	s23 =	sshrl.u32 s20, $0x1;
	s9 =	sadd.s32 s22, s9  }
0x14: {  	p1 =	sgt.u32 s0, $0x7C;
	s20 =	ssub.s32 s20, s23;
	[dreg:$0x3] =	wrdreg s9  }
0x15: {  	s9 =	smul.u32 $0x2800, s5;
	s11 =	sadd.s32 s22, s11;
	s12 =	sadd.s32 s22, s12  }
0x16: {  	s13 =	sadd.s32 s22, s13;
	s14 =	sadd.s32 s22, s14;
	s31 =	sadd.s32 s10, s19  }
0x17: {  	s19 =	sadd.s32 s10, s24;
	s24 =	smul.u32 $0x500, s18;
	s18 =	rddreg [dreg:$0x1]  }
0x18: {  	s23 =	smul.u32 $0x2800, s3;
	s26 =	sadd.s32 s22, s15;
	[dreg:$0x4] =	wrdreg s11  }
0x19: {  	s28 =	sadd.s32 s22, s16;
	s15 =	smul.u32 $0x2800, s1;
	[dreg:$0x5] =	wrdreg s12  }
0x1a: {  	s16 =	sadd.s32 s10, s21;
	s21 =	smul.u32 $0x2800, s0;
	[dreg:$0x6] =	wrdreg s13  }
0x1b: {  	s30 =	sadd.s32 s22, s17;
	s5 =	smul.u32 $0xA000, s5;
	[dreg:$0x7] =	wrdreg s14  }
0x1c: {  	s6 =	sshrl.u32 s6, $0x2;
	s3 =	smul.u32 $0xA000, s3;
	[dreg:$0x8] =	wrdreg s26  }
0x1d: {  	s4 =	sshrl.u32 s4, $0x2;
	s1 =	smul.u32 $0xA000, s1;
	[dreg:$0x9] =	wrdreg s28  }
0x1e: {  	s0 =	smul.u32 $0xA000, s0;
	s2 =	sshrl.u32 s2, $0x2;
	[dreg:$0xa] =	wrdreg s30  }
0x1f: {  	s12 =	sadd.s32 s10, s29;
	s13 =	sshrl.u32 s31, $0x3;
	s26 =	sadd.s32 $0x66A00, s7  }
0x20: {  	s28 =	sshrl.u32 s16, $0x3;
	s29 =	sshrl.u32 s19, $0x3;
	s16 =	sadd.s32 $0x35400, s7  }
0x21: {  	s6 =	sadd.s32 s6, s18;
	s4 =	sadd.s32 s4, s18;
	s2 =	sadd.s32 s2, s18  }
0x22: {  	s22 =	sadd.s32 s10, s9;
	s11 =	sadd.s32 s10, s23;
	s23 =	smul.u32 $0xA0, s25  }
0x23: {  	s14 =	sadd.s32 s10, s15;
	s9 =	simm.s32 $0x0;
	s10 =	sadd.s32 s10, s21  }
0x24: {  	s13 =	sadd.s32 s26, s13;
	s30 =	sadd.s32 s26, s29;
	s12 =	sshrl.u32 s12, $0x3  }
0x25: {  	s19 =	sadd.s32 s16, s24;
	s21 =	sadd.s32 $0x4200, s7;
	s29 =	sshll.u32 s25, $0x6  }
0x26: {  	s5 =	sshrl.u32 s5, $0x2;
	s3 =	sshrl.u32 s3, $0x2;
	[smem:$0x7FF] =	sst s9  }
0x27: {  	s1 =	sshrl.u32 s1, $0x2;
	s0 =	sshrl.u32 s0, $0x2;
	[dreg:$0xb] =	wrdreg s13  }
0x28: {  	s13 =	sadd.s32 s26, s28;
	[dreg:$0xd] =	wrdreg s30;
	s31 =	sshrl.u32 s22, $0x3  }
0x29: {  	s11 =	sshrl.u32 s11, $0x3;
	s15 =	sshrl.u32 s14, $0x3;
	s10 =	sshrl.u32 s10, $0x3  }
0x2a: {  	s22 =	sadd.s32 s24, s7;
	[dreg:$0xc] =	wrdreg s13;
	s13 =	sadd.s32 s26, s31  }
0x2b: {  	s30 =	sadd.s32 s5, s18;
	s11 =	sadd.s32 s26, s11;
	[dreg:$0xe] =	wrdreg s13  }
0x2c: {  	s3 =	sadd.s32 s3, s18;
	s10 =	sadd.s32 s26, s10;
	[dreg:$0xf] =	wrdreg s11  }
0x2d: {  	s1 =	sadd.s32 s1, s18;
	s13 =	sadd.s32 s26, s12;
	[dreg:$0x12] =	wrdreg s10  }
0x2e: {  	s0 =	sadd.s32 s0, s18;
	s11 =	sadd.s32 s26, s15;
	[dreg:$0x10] =	wrdreg s13  }
0x2f: {  	s5 =	simm.s32 $0x2800;
	s24 =	sadd.s32 $0x2B400, s22;
	[dreg:$0x11] =	wrdreg s11  }
0x30: {  	s26 =	smax.u32 s20, $0x1;
	_ =	strace $0x8000004D;
	[dreg:$0x14] =	wrdreg s24  }
0x31: {  	s14 =	simm.s32 $0x4;
	s8 =	sadd.s32 s8, s23;
	[dreg:$0x15] =	wrdreg s26  }
0x32: {  	s23 =	smul.u32 $0xA000, s25;
	s25 =	sor.u32 $0x1C05, s29;
	[dreg:$0x17] =	wrdreg s6  }
0x33: {  	s31 =	sadd.s32 $0x4F0, s19;
	s8 =	sshll.u32 s8, $0x4;
	[dreg:$0x18] =	wrdreg s4  }
0x34: {  	s10 =	simm.s32 $0x6900;
	s12 =	simm.s32 $0x3;
	[dreg:$0x19] =	wrdreg s30  }
0x35: {  	s8 =	sadd.s32 s8, s16;
	s28 =	sshrl.u32 s23, $0x2;
	[dreg:$0x1a] =	wrdreg s3  }
0x36: {  	s11 =	simm.s32 $0x1;
	s13 =	simm.s32 $0x2;
	[dreg:$0x1b] =	wrdreg s2  }
0x37: {  	s16 =	simm.s32 $0x0;
	s7 =	sadd.s32 s28, s18;
	[dreg:$0x1c] =	wrdreg s1  }
0x38: {  	s1 =	sadd.s32 $0x10, s8;
	s2 =	sadd.s32 $0x20, s8;
	[dreg:$0x13] =	wrdreg s19  }
0x39: {  	[dreg:$0x1d] =	wrdreg s31;
	s4 =	simm.s32 $0x5;
	s6 =	simm.s32 $0x2900  }
0x3a: {  	s8 =	simm.s32 $0x80;
	[dreg:$0x16] =	wrdreg s7;
	s7 =	simm.s32 $0x2880  }
.LBB2_1:
0x3b: {  	s3 =	rddreg [dreg:$0x16]  }
0x3c: {  	s22 =	rddreg [dreg:$0x3];
	s17 =	sshrl.u32 s3, $0x3  }
0x3d: {  	[spmem:s17], [sflag:s25] =	dma.local [hbm:s22], $0x500  }
0x3e: {  	_ =	swait.ge [sflag:s4], $0x500  }
0x3f: {  	[sflag:s4] =	ssyncset.done $0x0;
	s23 =	rddreg [dreg:$0x17]  }
0x40: {  	s24 =	rddreg [dreg:$0x4];
	[sflag:s4] =	ssyncadd.s32 $0xFFFFFB00;
	s19 =	sshrl.u32 s23, $0x3  }
0x41: {  	[spmem:s19], [sflag:s25] =	dma.local [hbm:s24], $0x500  }
0x42: {  	_ =	swait.ge [sflag:s4], $0x500  }
0x43: {  	[sflag:s4] =	ssyncset.done $0x0;
	s26 =	rddreg [dreg:$0x18]  }
0x44: {  	s31 =	rddreg [dreg:$0x5];
	[sflag:s4] =	ssyncadd.s32 $0xFFFFFB00;
	s22 =	sshrl.u32 s26, $0x3  }
0x45: {  	[spmem:s22], [sflag:s25] =	dma.local [hbm:s31], $0x500  }
0x46: {  	_ =	swait.ge [sflag:s4], $0x500  }
0x47: {  	[sflag:s4] =	ssyncset.done $0x0;
	s15 =	rddreg [dreg:$0x19]  }
0x48: {  	s20 =	rddreg [dreg:$0x6];
	[sflag:s4] =	ssyncadd.s32 $0xFFFFFB00;
	s23 =	sshrl.u32 s15, $0x3  }
0x49: {  	[spmem:s23], [sflag:s25] =	dma.local [hbm:s20], $0x500  }
0x4a: {  	_ =	swait.ge [sflag:s4], $0x500  }
0x4b: {  	[sflag:s4] =	ssyncset.done $0x0;
	s24 =	rddreg [dreg:$0x1a]  }
0x4c: {  	s26 =	rddreg [dreg:$0x7];
	[sflag:s4] =	ssyncadd.s32 $0xFFFFFB00;
	s20 =	sshrl.u32 s24, $0x3  }
0x4d: {  	[spmem:s20], [sflag:s25] =	dma.local [hbm:s26], $0x500  }
0x4e: {  	_ =	swait.ge [sflag:s4], $0x500  }
0x4f: {  	[sflag:s4] =	ssyncset.done $0x0;
	s31 =	rddreg [dreg:$0x1b]  }
0x50: {  	s15 =	rddreg [dreg:$0x8];
	[sflag:s4] =	ssyncadd.s32 $0xFFFFFB00;
	s24 =	sshrl.u32 s31, $0x3  }
0x51: {  	[spmem:s24], [sflag:s25] =	dma.local [hbm:s15], $0x500  }
0x52: {  	_ =	swait.ge [sflag:s4], $0x500  }
0x53: {  	[sflag:s4] =	ssyncset.done $0x0;
	s26 =	rddreg [dreg:$0x1c]  }
0x54: {  	s31 =	rddreg [dreg:$0x9];
	[sflag:s4] =	ssyncadd.s32 $0xFFFFFB00;
	s26 =	sshrl.u32 s26, $0x3  }
0x55: {  	[spmem:s26], [sflag:s25] =	dma.local [hbm:s31], $0x500  }
0x56: {  	_ =	swait.ge [sflag:s4], $0x500  }
0x57: {  	[sflag:s4] =	ssyncset.done $0x0  }
0x58: {  	s28 =	sshrl.u32 @!p0 s0, $0x3;
	s3 =	rddreg [dreg:$0xa];
	[sflag:s4] =	ssyncadd.s32 $0xFFFFFB00  }
0x59: {  	[spmem:s28], [sflag:s25] =	dma.local @!p0 [hbm:s3], $0x500  }
0x5a: {  	s28 =	simm.s32 @!p0 $0x5  }
0x5b: {  	_ =	swait.ge @!p0 [sflag:s28], $0x500  }
0x5c: {  	[sflag:s28] =	ssyncset.done @!p0 $0x0  }
0x5d: {  	s15 =	rddreg [dreg:$0x14];
	[sflag:s28] =	ssyncadd.s32 @!p0 $0xFFFFFB00  }
0x5e: {  	[tilespmem:s9], [sflag:$0x5] =	stream.linear.gather [hbm4b:s15+s9], $0x2800, $0x38;
	[tilespmem:$0x1E400] =	vst v63  }
0x5f: {  	_ =	swait.ge [sflag:s4], $0x2800  }
0x60: {  	[sflag:s4] =	ssyncset.done $0x0  }
0x61: {  	[sflag:s4] =	ssyncadd.s32 $0xFFFFD800  }
0x62: {  	[bflag:$0x0] =	sbarrier.arrive $0xFFFF  }
0x63: {  	s31 =	rddreg [dreg:$0x13]  }
0x64: {  	[tilespmem:s5], [sflag:$0x3] =	stream.linear.gather [hbm4b:s31+s9], $0x80, $0x38;
	[tilespmem:$0x1E400] =	vst v63  }
0x65: {  	_ = 	snop  }
0x66: {  	[tilespmem:s6], [sflag:$0x1] =	stream.indirect.gather [hbm4b:s21+s8], $0x80, s9, s8, $0xb8;
	[tilespmem:$0x1E400] =	vst v63  }
0x67: {  	s28 =	sadd.s32 $0x0, s1  }
0x68: {  	[tilespmem:s7], [sflag:$0x4] =	stream.linear.gather [hbm4b:s28+s9], $0x80, $0x38;
	[tilespmem:$0x1E400] =	vst v63  }
0x69: {  	_ = 	snop  }
0x6a: {  	[tilespmem:s10], [sflag:$0x2] =	stream.indirect.gather [hbm4b:s21+s8], $0x80, s8, s8, $0xb8;
	[tilespmem:$0x1E400] =	vst v63  }
0x6b: {  	_ =	swait.ge [sflag:s11], $0x4000  }
0x6c: {  	[sflag:s11] =	ssyncset.done $0x0  }
0x6d: {  	[sflag:s11] =	ssyncadd.s32 $0xFFFFC000  }
0x6e: {  	_ =	swait.ge [sflag:s12], $0x80  }
0x6f: {  	[sflag:s12] =	ssyncset.done $0x0  }
0x70: {  	[sflag:s12] =	ssyncadd.s32 $0xFFFFFF80  }
0x71: {  	[spmem:s18] =	stream.indirect.scatter.add.f32 [tilespmem:s6], [sflag:$0x5], $0x80, s5, s8, $0xb8;
	[tilespmem:$0x1E400] =	vst v63  }
0x72: {  	_ =	swait.ge [sflag:s4], $0x4000  }
0x73: {  	[sflag:s4] =	ssyncset.done $0x0  }
0x74: {  	s28 =	sadd.s32 $0x0, s2;
	[sflag:s4] =	ssyncadd.s32 $0xFFFFC000  }
0x75: {  	[tilespmem:s5], [sflag:$0x3] =	stream.linear.gather [hbm4b:s28+s9], $0x80, $0x38;
	[tilespmem:$0x1E400] =	vst v63  }
0x76: {  	s28 =	simm.s32 $0x100  }
0x77: {  	[tilespmem:s6], [sflag:$0x1] =	stream.indirect.gather [hbm4b:s21+s8], $0x80, s28, s8, $0xb8;
	[tilespmem:$0x1E400] =	vst v63  }
0x78: {  	_ =	swait.ge [sflag:s13], $0x4000  }
0x79: {  	[sflag:s13] =	ssyncset.done $0x0  }
0x7a: {  	[sflag:s13] =	ssyncadd.s32 $0xFFFFC000  }
0x7b: {  	_ =	swait.ge [sflag:s14], $0x80  }
0x7c: {  	[sflag:s14] =	ssyncset.done $0x0  }
0x7d: {  	[sflag:s14] =	ssyncadd.s32 $0xFFFFFF80  }
0x7e: {  	[spmem:s18] =	stream.indirect.scatter.add.f32 [tilespmem:s10], [sflag:$0x5], $0x80, s7, s8, $0xb8;
	[tilespmem:$0x1E400] =	vst v63  }
0x7f: {  	s30 =	simm.s32 $0x40;
	_ =	swait.ge [sflag:s4], $0x4000  }
0x80: {  	s29 =	simm.s32 $0x180;
	s28 =	simm.s32 $0x20;
	[sflag:s4] =	ssyncset.done $0x0  }
.LBB2_2:
0x81: {  	s31 =	sadd.s32 s28, s1  }
0x82: {  	[sflag:s4] =	ssyncadd.s32 $0xFFFFC000;
	s15 =	smov.u32 s30;
	s3 =	sadd.s32 $0x20, s30  }
0x83: {  	[tilespmem:s7], [sflag:$0x4] =	stream.linear.gather [hbm4b:s31+s9], $0x80, $0x38;
	[tilespmem:$0x1E400] =	vst v63  }
0x84: {  	p2 =	sne.s32 s30, $0x4C0  }
0x85: {  	[tilespmem:s10], [sflag:$0x2] =	stream.indirect.gather [hbm4b:s21+s8], $0x80, s29, s8, $0xb8;
	[tilespmem:$0x1E400] =	vst v63  }
0x86: {  	_ =	swait.ge [sflag:s11], $0x4000  }
0x87: {  	[sflag:s11] =	ssyncset.done $0x0  }
0x88: {  	[sflag:s11] =	ssyncadd.s32 $0xFFFFC000  }
0x89: {  	_ =	swait.ge [sflag:s12], $0x80  }
0x8a: {  	[sflag:s12] =	ssyncset.done $0x0  }
0x8b: {  	[sflag:s12] =	ssyncadd.s32 $0xFFFFFF80  }
0x8c: {  	[spmem:s18] =	stream.indirect.scatter.add.f32 [tilespmem:s6], [sflag:$0x5], $0x80, s5, s8, $0xb8;
	[tilespmem:$0x1E400] =	vst v63  }
0x8d: {  	_ =	swait.ge [sflag:s4], $0x4000  }
0x8e: {  	[sflag:s4] =	ssyncset.done $0x0  }
0x8f: {  	s30 =	sadd.s32 s28, s2;
	s28 =	smov.u32 s15;
	[sflag:s4] =	ssyncadd.s32 $0xFFFFC000  }
0x90: {  	[tilespmem:s5], [sflag:$0x3] =	stream.linear.gather [hbm4b:s30+s9], $0x80, $0x38;
	[tilespmem:$0x1E400] =	vst v63  }
0x91: {  	s15 =	sadd.s32 $0x80, s29  }
0x92: {  	[tilespmem:s6], [sflag:$0x1] =	stream.indirect.gather [hbm4b:s21+s8], $0x80, s15, s8, $0xb8;
	[tilespmem:$0x1E400] =	vst v63  }
0x93: {  	_ =	swait.ge [sflag:s13], $0x4000  }
0x94: {  	[sflag:s13] =	ssyncset.done $0x0  }
0x95: {  	[sflag:s13] =	ssyncadd.s32 $0xFFFFC000  }
0x96: {  	_ =	swait.ge [sflag:s14], $0x80  }
.Ltmp0:
0x97: {  	[sflag:s14] =	ssyncset.done $0x0;
	(pc) =	sbr.rel @p2 .LBB2_2-.Ltmp0, $4  }
0x98: {  	[sflag:s14] =	ssyncadd.s32 $0xFFFFFF80  }
0x99: {  	[spmem:s18] =	stream.indirect.scatter.add.f32 [tilespmem:s10], [sflag:$0x5], $0x80, s7, s8, $0xb8;
	[tilespmem:$0x1E400] =	vst v63  }
0x9a: {  	_ =	swait.ge [sflag:s4], $0x4000  }
0x9b: {  	s29 =	sadd.s32 $0x100, s29;
	s30 =	smov.u32 s3;
	[sflag:s4] =	ssyncset.done $0x0  }
0x9c: {  	s3 =	sadd.s32 s28, s1;
	[sflag:s4] =	ssyncadd.s32 $0xFFFFC000  }
0x9d: {  	[tilespmem:s7], [sflag:$0x4] =	stream.linear.gather [hbm4b:s3+s9], $0x80, $0x38;
	[tilespmem:$0x1E400] =	vst v63  }
0x9e: {  	_ = 	snop  }
0x9f: {  	[tilespmem:s10], [sflag:$0x2] =	stream.indirect.gather [hbm4b:s21+s8], $0x80, s29, s8, $0xb8;
	[tilespmem:$0x1E400] =	vst v63  }
0xa0: {  	_ =	swait.ge [sflag:s11], $0x4000  }
0xa1: {  	[sflag:s11] =	ssyncset.done $0x0  }
0xa2: {  	[sflag:s11] =	ssyncadd.s32 $0xFFFFC000  }
0xa3: {  	_ =	swait.ge [sflag:s12], $0x80  }
0xa4: {  	[sflag:s12] =	ssyncset.done $0x0  }
0xa5: {  	[sflag:s12] =	ssyncadd.s32 $0xFFFFFF80  }
0xa6: {  	[spmem:s18] =	stream.indirect.scatter.add.f32 [tilespmem:s6], [sflag:$0x5], $0x80, s5, s8, $0xb8;
	[tilespmem:$0x1E400] =	vst v63  }
0xa7: {  	_ =	swait.ge [sflag:s4], $0x4000  }
0xa8: {  	[sflag:s4] =	ssyncset.done $0x0  }
0xa9: {  	s28 =	sadd.s32 s28, s2;
	[sflag:s4] =	ssyncadd.s32 $0xFFFFC000  }
0xaa: {  	[tilespmem:s5], [sflag:$0x3] =	stream.linear.gather [hbm4b:s28+s9], $0x80, $0x38;
	[tilespmem:$0x1E400] =	vst v63  }
0xab: {  	s29 =	sadd.s32 $0x80, s29  }
0xac: {  	[tilespmem:s6], [sflag:$0x1] =	stream.indirect.gather [hbm4b:s21+s8], $0x80, s29, s8, $0xb8;
	[tilespmem:$0x1E400] =	vst v63  }
0xad: {  	_ =	swait.ge [sflag:s13], $0x4000  }
0xae: {  	[sflag:s13] =	ssyncset.done $0x0  }
0xaf: {  	[sflag:s13] =	ssyncadd.s32 $0xFFFFC000  }
0xb0: {  	_ =	swait.ge [sflag:s14], $0x80  }
0xb1: {  	[sflag:s14] =	ssyncset.done $0x0  }
0xb2: {  	[sflag:s14] =	ssyncadd.s32 $0xFFFFFF80  }
0xb3: {  	[spmem:s18] =	stream.indirect.scatter.add.f32 [tilespmem:s10], [sflag:$0x5], $0x80, s7, s8, $0xb8;
	[tilespmem:$0x1E400] =	vst v63  }
0xb4: {  	_ =	swait.ge [sflag:s4], $0x4000  }
0xb5: {  	[sflag:s4] =	ssyncset.done $0x0  }
0xb6: {  	s30 =	rddreg [dreg:$0x1d];
	[sflag:s4] =	ssyncadd.s32 $0xFFFFC000  }
0xb7: {  	[tilespmem:s7], [sflag:$0x4] =	stream.linear.gather [hbm4b:s30+s9], $0x80, $0x38;
	[tilespmem:$0x1E400] =	vst v63  }
0xb8: {  	s31 =	simm.s32 $0x2780  }
0xb9: {  	[tilespmem:s10], [sflag:$0x2] =	stream.indirect.gather [hbm4b:s21+s8], $0x80, s31, s8, $0xb8;
	[tilespmem:$0x1E400] =	vst v63  }
0xba: {  	_ =	swait.ge [sflag:s11], $0x4000  }
0xbb: {  	[sflag:s11] =	ssyncset.done $0x0  }
0xbc: {  	[sflag:s11] =	ssyncadd.s32 $0xFFFFC000  }
0xbd: {  	_ =	swait.ge [sflag:s12], $0x80  }
0xbe: {  	[sflag:s12] =	ssyncset.done $0x0  }
0xbf: {  	[sflag:s12] =	ssyncadd.s32 $0xFFFFFF80  }
0xc0: {  	[spmem:s18] =	stream.indirect.scatter.add.f32 [tilespmem:s6], [sflag:$0x5], $0x80, s5, s8, $0xb8;
	[tilespmem:$0x1E400] =	vst v63  }
0xc1: {  	_ =	swait.ge [sflag:s4], $0x4000  }
0xc2: {  	[sflag:s4] =	ssyncset.done $0x0  }
0xc3: {  	[sflag:s4] =	ssyncadd.s32 $0xFFFFC000  }
0xc4: {  	_ =	swait.ge [sflag:s13], $0x4000  }
0xc5: {  	[sflag:s13] =	ssyncset.done $0x0  }
0xc6: {  	[sflag:s13] =	ssyncadd.s32 $0xFFFFC000  }
0xc7: {  	_ =	swait.ge [sflag:s14], $0x80  }
0xc8: {  	[sflag:s14] =	ssyncset.done $0x0  }
0xc9: {  	[sflag:s14] =	ssyncadd.s32 $0xFFFFFF80  }
0xca: {  	[spmem:s18] =	stream.indirect.scatter.add.f32 [tilespmem:s10], [sflag:$0x5], $0x80, s7, s8, $0xb8;
	[tilespmem:$0x1E400] =	vst v63  }
0xcb: {  	_ =	swait.ge [sflag:s4], $0x4000  }
0xcc: {  	[sflag:s4] =	ssyncset.done $0x0  }
0xcd: {  	[sflag:s4] =	ssyncadd.s32 $0xFFFFC000  }
0xce: {  	[bflag:$0x0] =	sbarrier.arrive $0xFFFF  }
0xcf: {  	s15 =	rddreg [dreg:$0xb]  }
0xd0: {  	[hbm:s15], [sflag:s25] =	dma.local [spmem:s17], $0x500  }
0xd1: {  	_ =	swait.ge [sflag:s4], $0x500  }
0xd2: {  	[sflag:s4] =	ssyncset.done $0x0  }
0xd3: {  	s17 =	rddreg [dreg:$0xc];
	[sflag:s4] =	ssyncadd.s32 $0xFFFFFB00  }
0xd4: {  	[hbm:s17], [sflag:s25] =	dma.local [spmem:s19], $0x500  }
0xd5: {  	_ =	swait.ge [sflag:s4], $0x500  }
0xd6: {  	[sflag:s4] =	ssyncset.done $0x0  }
0xd7: {  	s19 =	rddreg [dreg:$0xd];
	[sflag:s4] =	ssyncadd.s32 $0xFFFFFB00  }
0xd8: {  	[hbm:s19], [sflag:s25] =	dma.local [spmem:s22], $0x500  }
0xd9: {  	_ =	swait.ge [sflag:s4], $0x500  }
0xda: {  	[sflag:s4] =	ssyncset.done $0x0  }
0xdb: {  	s22 =	rddreg [dreg:$0xe];
	[sflag:s4] =	ssyncadd.s32 $0xFFFFFB00  }
0xdc: {  	[hbm:s22], [sflag:s25] =	dma.local [spmem:s23], $0x500  }
0xdd: {  	_ =	swait.ge [sflag:s4], $0x500  }
0xde: {  	[sflag:s4] =	ssyncset.done $0x0  }
0xdf: {  	s28 =	rddreg [dreg:$0xf];
	[sflag:s4] =	ssyncadd.s32 $0xFFFFFB00  }
0xe0: {  	[hbm:s28], [sflag:s25] =	dma.local [spmem:s20], $0x500  }
0xe1: {  	_ =	swait.ge [sflag:s4], $0x500  }
0xe2: {  	[sflag:s4] =	ssyncset.done $0x0  }
0xe3: {  	s29 =	rddreg [dreg:$0x10];
	[sflag:s4] =	ssyncadd.s32 $0xFFFFFB00  }
0xe4: {  	[hbm:s29], [sflag:s25] =	dma.local [spmem:s24], $0x500  }
0xe5: {  	_ =	swait.ge [sflag:s4], $0x500  }
0xe6: {  	[sflag:s4] =	ssyncset.done $0x0  }
0xe7: {  	s30 =	rddreg [dreg:$0x11];
	[sflag:s4] =	ssyncadd.s32 $0xFFFFFB00  }
0xe8: {  	[hbm:s30], [sflag:s25] =	dma.local [spmem:s26], $0x500  }
0xe9: {  	_ =	swait.ge [sflag:s4], $0x500  }
0xea: {  	[sflag:s4] =	ssyncset.done $0x0  }
0xeb: {  	s3 =	sshrl.u32 @!p1 s0, $0x3;
	s15 =	rddreg [dreg:$0x12];
	[sflag:s4] =	ssyncadd.s32 $0xFFFFFB00  }
0xec: {  	[hbm:s15], [sflag:s25] =	dma.local @!p1 [spmem:s3], $0x500  }
0xed: {  	s3 =	simm.s32 @!p1 $0x5  }
0xee: {  	_ =	swait.ge @!p1 [sflag:s3], $0x500  }
0xef: {  	s16 =	sadd.s32 $0x1, s16;
	s31 =	rddreg [dreg:$0x15]  }
0xf0: {  	p2 =	sne.s32 s16, s31  }
.Ltmp1:
0xf1: {  	_ = 	snop;
	(pc) =	sbr.rel @p2 .LBB2_1-.Ltmp1, $3  }
0xf2: {  	_ =	sdelay $0x1  }
0xf3: {  	[sflag:s3] =	ssyncset.done @!p1 $0x0  }
0xf4: {  	[sflag:s3] =	ssyncadd.s32 @!p1 $0xFFFFFB00  }
0xf5: {  	_ =	sfence.sel $0x180000  }
0xf6: {  	[bflag:$0x0] =	sbarrier.arrive $0xFFFF  }
0xf7: {  	_ =	strace $0x9000004D  }
0xf8: {  	s0 =	stileid.u32;
	[bflag:$0x2] =	sbarrier.arrive $0xFFFF  }
0xf9: {  	p0 =	sne.s32 s0, $0x0;
	s0 =	rddreg [dreg:$0x2]  }
0xfa: {  	s0 =	sadd.s32 @!p0 $0x100000, s0  }
0xfb: {  	[sflag:s0] =	ssyncadd.tile.s32 @!p0 $0x1;
	_ =	shalt  }
.Lfunc_end2:
_tile_overlayer_lowered:
.L_overlay_start_2:
0xfc: {  	(tag) =	ssettag $0x2  }
0xfd: {  	s0 =	rddreg [dreg:$0x0];
	s2 =	stileid.u32  }
0xfe: {  	s1 =	rddreg [dreg:$0x1];
	p0 =	sne.s32 s2, $0x0  }
0xff: {  	s3 =	rddreg [dreg:$0x2];
	[bflag:$0x3] =	sbarrier.arrive $0xFFFF;
	s2 =	simm.s32 @!p0 $0x1C05  }
0x100: {  	[timem:s3], [sflag:s2] =	dma.local @!p0 [hbm:s0], s1  }
0x101: {  	s0 =	simm.s32 @!p0 $0x5  }
0x102: {  	_ =	swait.ge @!p0 [sflag:s0], s1  }
0x103: {  	s1 =	ssub.s32 @!p0 $0x0, s1;
	[sflag:s0] =	ssyncset.done @!p0 $0x0  }
0x104: {  	[sflag:s0] =	ssyncadd.s32 @!p0 s1  }
0x105: {  	[bflag:$0x3] =	sbarrier.arrive $0xFFFF  }
0x106: {  	_ =	shalt  }

// kernel: kernel.19.cloned.1.call-start
scs
__scs_entry_jumppad:
0x0: {  	(pc) =	sbr.rel $0x88, $3  }
0x1: {  	(tag) =	ssettag $0x0;
	lr =	simm.s32 $0x1  }
0x2: {  	[smem:$0x3F90] =	sst lr;
	_ =	strace $0xD0000000  }
0x3: {  	_ = 	snop  }
0x4: {  	_ = 	snop  }
0x5: {  	_ = 	snop  }
0x6: {  	_ = 	snop  }
0x7: {  	_ = 	snop  }
__scs_overlays_trampoline_lowered:
0x8: {  	[smem:$0x3F9F] =	sst s0  }
0x9: {  	[smem:$0x3FA0] =	sst s1  }
0xa: {  	[smem:$0x3FA1] =	sst s2  }
0xb: {  	[smem:$0x3FA2] =	sst s3  }
0xc: {  	[smem:$0x3FA3] =	sst s4  }
0xd: {  	[smem:$0x3FA4] =	sst s5  }
0xe: {  	[smem:$0x3FA5] =	sst s6  }
0xf: {  	[smem:$0x3FA6] =	sst s7  }
0x10: {  	[smem:$0x3FA7] =	sst s8  }
0x11: {  	[smem:$0x3FA8] =	sst s9;
	s0 =	simm.s32 @!p0 $0x0  }
0x12: {  	s1 =	sld [smem:$0x3F8E];
	s0 =	simm.s32 @p0 $0x1  }
0x13: {  	[smem:$0x3FA9] =	sst s0;
	s0 =	simm.s32 @!p1 $0x0  }
0x14: {  	s2 =	sld [smem:$0x3F8D];
	s0 =	simm.s32 @p1 $0x1  }
0x15: {  	[smem:$0x3FAA] =	sst s0;
	s0 =	simm.s32 @!p2 $0x0  }
0x16: {  	s3 =	sld [smem:$0x3FDB];
	s0 =	simm.s32 @p2 $0x1  }
0x17: {  	s4 =	simm.s32 $0x1BF5;
	[smem:$0x3FAC] =	sst s0  }
0x18: {  	s0 =	sld [smem:$0x3F8F];
	_ =	swait.ge [sflag:s4], $0x0  }
0x19: {  	s7 =	sld [smem:$0x3F90]  }
0x1a: {  	s8 =	sadd.s32 $0xFFFFE003, lr  }
0x1b: {  	s9 =	sadd.s32 $0xFFFFFEF7, lr;
	s5 =	simm.s32 $0xFFFFFFFF;
	p2 =	slt.u32 s8, $0xFFFFF086  }
0x1c: {  	p1 =	slt.u32 s9, $0xF7A;
	s5 =	simm.s32 @!p2 $0x0  }
0x1d: {  	s5 =	simm.s32 @p1 $0x1;
	p0 =	seq.s32 s7, s2  }
0x1e: {  	s7 =	smul.u32 @!p0 $0xF7A, s2;
	p2 =	seq.s32 @!p0 s5, $0x0  }
0x1f: {  	s9 =	smul.u32 $0xF7A, s1;
	s8 =	simm.s32 @!p0 $0x1BF5;
	p2 =	por !p2, p0  }
0x20: {  	[sflag:s8] =	ssyncset.s32 @!p0 $0xFFFFF086;
	s6 =	sadd.s32 @!p0 s3, s7;
	s7 =	simm.s32 @!p0 $0x108  }
0x21: {  	s3 =	sadd.s32 s3, s9;
	s6 =	sadd.s32 @!p0 $0x88, s6;
	s7 =	simm.s32 @p2 $0x1082  }
0x22: {  	[simem:s7], [sflag:s8] =	dma.local @!p0 [hbm:s6], $0xF7A  }
0x23: {  	s9 =	sor.u32 $0xD0000000, s2;
	s6 =	simm.s32 $0x108;
	_ =	swait.ge @!p0 [sflag:s8], $0x0  }
0x24: {  	s3 =	sadd.s32 $0x88, s3;
	s6 =	simm.s32 @!p1 $0x1082;
	[sflag:s4] =	ssyncset.s32 $0xFFFFF086  }
0x25: {  	[simem:s6], [sflag:s4] =	dma.local [hbm:s3], $0xF7A  }
0x26: {  	[smem:$0x3F90] =	sst s1;
	(tag) =	ssettag s2;
	_ =	strace s9  }
0x27: {  	s1 =	sld [smem:$0x3FA0]  }
0x28: {  	s2 =	sld [smem:$0x3FA1]  }
0x29: {  	s4 =	sld [smem:$0x3FA3]  }
0x2a: {  	p0 =	seq.s32 s5, $0x0;
	s5 =	sld [smem:$0x3FA4]  }
0x2b: {  	s6 =	sld [smem:$0x3FA5]  }
0x2c: {  	s7 =	sld [smem:$0x3FA6]  }
0x2d: {  	s3 =	simm.s32 $0x108;
	s8 =	sld [smem:$0x3FA7]  }
0x2e: {  	s3 =	simm.s32 @!p0 $0x1082;
	s9 =	sld [smem:$0x3FA8]  }
0x2f: {  	lr =	sadd.s32 s0, s3;
	s0 =	sld [smem:$0x3F9F]  }
0x30: {  	s3 =	sld [smem:$0x3FA2]  }
0x31: {  	[smem:$0x3FAB] =	sst s10  }
0x32: {  	s10 =	sld [smem:$0x3FA9];
	_ =	sdelay $0x3  }
0x33: {  	p0 =	seq.s32 s10, $0x1;
	s10 =	sld [smem:$0x3FAB];
	_ =	sdelay $0x3  }
0x34: {  	[smem:$0x3FAB] =	sst s10  }
0x35: {  	s10 =	sld [smem:$0x3FAA];
	_ =	sdelay $0x3  }
0x36: {  	p1 =	seq.s32 s10, $0x1;
	s10 =	sld [smem:$0x3FAB];
	_ =	sdelay $0x3  }
0x37: {  	[smem:$0x3FAB] =	sst s10  }
0x38: {  	s10 =	sld [smem:$0x3FAC]  }
0x39: {  	_ = 	snop;
	(pc) =	sbr.ind lr, $3  }
0x3a: {  	_ = 	snop  }
0x3b: {  	_ = 	snop  }
0x3c: {  	p2 =	seq.s32 s10, $0x1;
	s10 =	sld [smem:$0x3FAB]  }
0x3d: {  	_ =	shalt  }
0x3e: {  	_ =	shalt  }
0x3f: {  	_ =	shalt  }
0x40: {  	_ =	shalt  }
0x41: {  	_ =	shalt  }
0x42: {  	_ =	shalt  }
0x43: {  	_ =	shalt  }
0x44: {  	_ =	shalt  }
0x45: {  	_ =	shalt  }
0x46: {  	_ =	shalt  }
0x47: {  	_ =	shalt  }
0x48: {  	_ =	shalt  }
0x49: {  	_ =	shalt  }
0x4a: {  	_ =	shalt  }
0x4b: {  	_ =	shalt  }
0x4c: {  	_ =	shalt  }
0x4d: {  	_ =	shalt  }
0x4e: {  	_ =	shalt  }
0x4f: {  	_ =	shalt  }
0x50: {  	_ =	shalt  }
0x51: {  	_ =	shalt  }
0x52: {  	_ =	shalt  }
0x53: {  	_ =	shalt  }
0x54: {  	_ =	shalt  }
0x55: {  	_ =	shalt  }
0x56: {  	_ =	shalt  }
0x57: {  	_ =	shalt  }
0x58: {  	_ =	shalt  }
0x59: {  	_ =	shalt  }
0x5a: {  	_ =	shalt  }
0x5b: {  	_ =	shalt  }
0x5c: {  	_ =	shalt  }
0x5d: {  	_ =	shalt  }
0x5e: {  	_ =	shalt  }
0x5f: {  	_ =	shalt  }
0x60: {  	_ =	shalt  }
0x61: {  	_ =	shalt  }
0x62: {  	_ =	shalt  }
0x63: {  	_ =	shalt  }
0x64: {  	_ =	shalt  }
0x65: {  	_ =	shalt  }
0x66: {  	_ =	shalt  }
0x67: {  	_ =	shalt  }
0x68: {  	_ =	shalt  }
0x69: {  	_ =	shalt  }
0x6a: {  	_ =	shalt  }
0x6b: {  	_ =	shalt  }
0x6c: {  	_ =	shalt  }
0x6d: {  	_ =	shalt  }
0x6e: {  	_ =	shalt  }
0x6f: {  	_ =	shalt  }
0x70: {  	_ =	shalt  }
0x71: {  	_ =	shalt  }
0x72: {  	_ =	shalt  }
0x73: {  	_ =	shalt  }
0x74: {  	_ =	shalt  }
0x75: {  	_ =	shalt  }
0x76: {  	_ =	shalt  }
0x77: {  	_ =	shalt  }
0x78: {  	_ =	shalt  }
0x79: {  	_ =	shalt  }
0x7a: {  	_ =	shalt  }
0x7b: {  	_ =	shalt  }
0x7c: {  	_ =	shalt  }
0x7d: {  	_ =	shalt  }
0x7e: {  	_ =	shalt  }
0x7f: {  	_ =	shalt  }
0x80: {  	_ =	shalt  }
0x81: {  	_ =	shalt  }
0x82: {  	_ =	shalt  }
0x83: {  	_ =	shalt  }
0x84: {  	_ =	shalt  }
0x85: {  	_ =	shalt  }
0x86: {  	_ =	shalt  }
0x87: {  	_ =	shalt  }
.Lfunc_end0:
.L_simem_size_0:
called_computation.3_lowered:
.L_overlay_start_0:
0x88: {  	s2 =	sld [smem:$0x3FD9]  }
0x89: {  	s3 =	sld [smem:$0x3FFE];
	_ =	sdelay $0x1  }
0x8a: {  	s1 =	srdreg.scid  }
0x8b: {  	s0 =	sand.u32 $0x1, s1  }
0x8c: {  	s16 =	sshll.u32 s0, $0xA;
	s2 =	sadd.s32 s3, s2  }
0x8d: {  	s2 =	sadd.s32 s2, s16  }
0x8e: {  	[smem:$0x3FB7] =	sst s2  }
0x8f: {  	_ = 	snop  }
0x90: {  	(tm) =	ssettm $0x1  }
0x91: {  	s17 =	sld [smem:$0x3FFB];
	_ =	sdelay $0x3  }
0x92: {  	_ =	strace s17  }
0x93: {  	s2 =	sld [smem:$0x3FFC];
	_ =	sdelay $0x3  }
0x94: {  	_ =	strace s2  }
0x95: {  	s2 =	sld [smem:$0x3FFD];
	_ =	sdelay $0x3  }
0x96: {  	_ =	strace s2  }
0x97: {  	_ =	strace $0x8FFFFFFF  }
0x98: {  	s18 =	sld [smem:$0x3FDB];
	_ =	sdelay $0x1  }
0x99: {  	s19 =	simm.s32 $_scs_section_size  }
0x9a: {  	s4 =	simm.s32 $_size__tile_overlayer_lowered;
	s5 =	simm.s32 $_tile_overlayer_lowered  }
0x9b: {  	s22 =	simm.s32 $0x1BFF;
	s21 =	sshll.u32 s5, $0x1;
	s2 =	sadd.s32 s19, s18  }
0x9c: {  	s6 =	simm.s32 $0x0;
	s20 =	sshll.u32 s4, $0x1;
	s4 =	sadd.s32 s21, s2  }
0x9d: {  	[timem:s6], [sflag:s22] =	dma.local [hbm:s4], s20  }
0x9e: {  	_ =	swait.ge [sflag:s22], s20  }
0x9f: {  	s3 =	ssub.s32 $0x0, s20;
	[sflag:s22] =	ssyncset.done $0x0  }
0xa0: {  	[sflag:s22] =	ssyncadd.s32 s3;
	_ =	sdelay $0x1  }
0xa1: {  	s23 =	simm.s32 $0x1B8B  }
0xa2: {  	_ =	swait.ge [sflag:s23], $0x1  }
0xa3: {  	[sflag:s23] =	ssyncset.done $0x0  }
0xa4: {  	s25 =	simm.s32 $0x1B8E;
	s24 =	sld [smem:$0x3FFE];
	[sflag:s23] =	ssyncadd.s32 $0xFFFFFFFF  }
0xa5: {  	s26 =	simm.s32 $execute0_lowered;
	[smem:$0x3FD2] =	sst s25  }
0xa6: {  	s4 =	sshll.u32 s26, $0x1;
	_ =	strace $0x8000004F;
	[dreg:$0x1] =	wrdreg $0xFFFFFFFF  }
0xa7: {  	s28 =	simm.s32 $_size_execute0_lowered;
	s2 =	sadd.s32 s2, s4;
	[dreg:$0x0] =	wrdreg $0x0  }
0xa8: {  	s4 =	sshll.u32 s28, $0x1;
	[dreg:$0x2] =	wrdreg s2  }
0xa9: {  	[dreg:$0x3] =	wrdreg s4  }
0xaa: {  	[dreg:$0x4] =	wrdreg $0xC0  }
0xab: {  	_ =	task [dreg:s6], $0x5FFFF  }
0xac: {  	[dreg:$0x1] =	wrdreg $0xFFFFFFFF  }
0xad: {  	[dreg:$0x0] =	wrdreg $0x60  }
0xae: {  	[dreg:$0x2] =	wrdreg s24  }
0xaf: {  	[dreg:$0x3] =	wrdreg $0xA9000  }
0xb0: {  	[dreg:$0x4] =	wrdreg $0x9  }
0xb1: {  	_ =	task.clear_ibuf [dreg:s6], $0x5FFFF;
	_ =	strace $0x9000004F  }
0xb2: {  	s29 =	simm.s32 $0x9;
	_ =	strace $0x80000051  }
0xb3: {  	_ =	swait.ge [sflag:s29], $0x1  }
0xb4: {  	[sflag:s29] =	ssyncadd.s32 $0xFFFFFFFF  }
0xb5: {  	_ =	strace $0x90000051  }
0xb6: {  	_ =	sfence  }
0xb7: {  	s30 =	sld [smem:$0x0];
	_ =	sdelay $0x2  }
0xb8: {  	s31 =	sshll.u32 s1, $0xD;
	s1 =	sshrl.u32 s1, $0x2  }
0xb9: {  	s3 =	sand.u32 $0x4000, s31;
	s1 =	sadd.s32 s1, s30  }
0xba: {  	s0 =	sor.u32 s3, s0;
	s1 =	sshll.u32 s1, $0x11  }
0xbb: {  	s0 =	sor.u32 s1, s0  }
0xbc: {  	s0 =	sadd.s32 $0x8F2B, s0  }
0xbd: {  	[sflag:s0] =	ssyncadd.remote.s32 $0x1  }
0xbe: {  	_ =	sfence.sel $0xFFFF  }
0xbf: {  	[dreg:$0x0] =	wrdreg $0xFFFFFFFF;
	(pc) =	sbr.abs _section_cstart, $3  }
0xc0: {  	[dreg:$0x1] =	wrdreg $0xFFFFFFFF  }
0xc1: {  	_ =	task.clear_ibuf [dreg:s6], $0x2FFFF;
	_ =	strace $0x9FFFFFFF  }
0xc2: {  	(tm) =	ssettm $0x7FFFFFFF  }
0xc3: {  	_ =	shalt  }
tec
execute0_lowered:
.L_overlay_start_1:
0x0: {  	(tag) =	ssettag $0x1  }
0x1: {  	s25 =	stileid.u32  }
0x2: {  	s0 =	srdreg.scid;
	s9 =	smul.u32 $0x500, s25  }
0x3: {  	s8 =	sand.u32 $0x1, s0;
	s19 =	smul.u32 $0x2800, s25  }
0x4: {  	s6 =	sor.u32 $0x10, s25;
	s10 =	smul.u32 $0x138800, s8  }
0x5: {  	s4 =	sor.u32 $0x20, s25;
	s11 =	smul.u32 $0x500, s6  }
0x6: {  	s5 =	sor.u32 $0x30, s25;
	s12 =	smul.u32 $0x500, s4  }
0x7: {  	s3 =	sor.u32 $0x40, s25;
	s13 =	smul.u32 $0x500, s5  }
0x8: {  	s2 =	sor.u32 $0x50, s25;
	s14 =	smul.u32 $0x500, s3  }
0x9: {  	s1 =	sor.u32 $0x60, s25;
	s15 =	smul.u32 $0x500, s2  }
0xa: {  	s0 =	sor.u32 $0x70, s25;
	s16 =	smul.u32 $0x500, s1  }
0xb: {  	s17 =	smul.u32 $0x500, s0  }
0xc: {  	s21 =	smul.u32 $0x2800, s6  }
0xd: {  	s18 =	sshll.u32 s25, $0x1;
	s24 =	smul.u32 $0x2800, s4  }
0xe: {  	s18 =	sor.u32 s8, s18;
	s20 =	ssub.s32 $0x2, s8;
	s8 =	smul.u32 $0x50, s8  }
0xf: {  	s29 =	smul.u32 $0x2800, s2  }
0x10: {  	s6 =	smul.u32 $0xA000, s6  }
0x11: {  	s7 =	rddreg [dreg:$0x0];
	s4 =	smul.u32 $0xA000, s4  }
0x12: {  	s22 =	sadd.s32 $0x3F400, s7;
	s2 =	smul.u32 $0xA000, s2  }
0x13: {  	p0 =	sgt.u32 s0, $0x7D;
	s23 =	sshrl.u32 s20, $0x1;
	s9 =	sadd.s32 s22, s9  }
0x14: {  	p1 =	sgt.u32 s0, $0x7C;
	s20 =	ssub.s32 s20, s23;
	[dreg:$0x3] =	wrdreg s9  }
0x15: {  	s9 =	smul.u32 $0x2800, s5;
	s11 =	sadd.s32 s22, s11;
	s12 =	sadd.s32 s22, s12  }
0x16: {  	s13 =	sadd.s32 s22, s13;
	s14 =	sadd.s32 s22, s14;
	s31 =	sadd.s32 s10, s19  }
0x17: {  	s19 =	sadd.s32 s10, s24;
	s24 =	smul.u32 $0x500, s18;
	s18 =	rddreg [dreg:$0x1]  }
0x18: {  	s23 =	smul.u32 $0x2800, s3;
	s26 =	sadd.s32 s22, s15;
	[dreg:$0x4] =	wrdreg s11  }
0x19: {  	s28 =	sadd.s32 s22, s16;
	s15 =	smul.u32 $0x2800, s1;
	[dreg:$0x5] =	wrdreg s12  }
0x1a: {  	s16 =	sadd.s32 s10, s21;
	s21 =	smul.u32 $0x2800, s0;
	[dreg:$0x6] =	wrdreg s13  }
0x1b: {  	s30 =	sadd.s32 s22, s17;
	s5 =	smul.u32 $0xA000, s5;
	[dreg:$0x7] =	wrdreg s14  }
0x1c: {  	s6 =	sshrl.u32 s6, $0x2;
	s3 =	smul.u32 $0xA000, s3;
	[dreg:$0x8] =	wrdreg s26  }
0x1d: {  	s4 =	sshrl.u32 s4, $0x2;
	s1 =	smul.u32 $0xA000, s1;
	[dreg:$0x9] =	wrdreg s28  }
0x1e: {  	s0 =	smul.u32 $0xA000, s0;
	s2 =	sshrl.u32 s2, $0x2;
	[dreg:$0xa] =	wrdreg s30  }
0x1f: {  	s12 =	sadd.s32 s10, s29;
	s13 =	sshrl.u32 s31, $0x3;
	s26 =	sadd.s32 $0x66A00, s7  }
0x20: {  	s28 =	sshrl.u32 s16, $0x3;
	s29 =	sshrl.u32 s19, $0x3;
	s16 =	sadd.s32 $0x35400, s7  }
0x21: {  	s6 =	sadd.s32 s6, s18;
	s4 =	sadd.s32 s4, s18;
	s2 =	sadd.s32 s2, s18  }
0x22: {  	s22 =	sadd.s32 s10, s9;
	s11 =	sadd.s32 s10, s23;
	s23 =	smul.u32 $0xA0, s25  }
0x23: {  	s14 =	sadd.s32 s10, s15;
	s9 =	simm.s32 $0x0;
	s10 =	sadd.s32 s10, s21  }
0x24: {  	s13 =	sadd.s32 s26, s13;
	s30 =	sadd.s32 s26, s29;
	s12 =	sshrl.u32 s12, $0x3  }
0x25: {  	s19 =	sadd.s32 s16, s24;
	s21 =	sadd.s32 $0x4200, s7;
	s29 =	sshll.u32 s25, $0x6  }
0x26: {  	s5 =	sshrl.u32 s5, $0x2;
	s3 =	sshrl.u32 s3, $0x2;
	[smem:$0x7FF] =	sst s9  }
0x27: {  	s1 =	sshrl.u32 s1, $0x2;
	s0 =	sshrl.u32 s0, $0x2;
	[dreg:$0xb] =	wrdreg s13  }
0x28: {  	s13 =	sadd.s32 s26, s28;
	[dreg:$0xd] =	wrdreg s30;
	s31 =	sshrl.u32 s22, $0x3  }
0x29: {  	s11 =	sshrl.u32 s11, $0x3;
	s15 =	sshrl.u32 s14, $0x3;
	s10 =	sshrl.u32 s10, $0x3  }
0x2a: {  	s22 =	sadd.s32 s24, s7;
	[dreg:$0xc] =	wrdreg s13;
	s13 =	sadd.s32 s26, s31  }
0x2b: {  	s30 =	sadd.s32 s5, s18;
	s11 =	sadd.s32 s26, s11;
	[dreg:$0xe] =	wrdreg s13  }
0x2c: {  	s3 =	sadd.s32 s3, s18;
	s10 =	sadd.s32 s26, s10;
	[dreg:$0xf] =	wrdreg s11  }
0x2d: {  	s1 =	sadd.s32 s1, s18;
	s13 =	sadd.s32 s26, s12;
	[dreg:$0x12] =	wrdreg s10  }
0x2e: {  	s0 =	sadd.s32 s0, s18;
	s11 =	sadd.s32 s26, s15;
	[dreg:$0x10] =	wrdreg s13  }
0x2f: {  	s5 =	simm.s32 $0x2800;
	s24 =	sadd.s32 $0x2B400, s22;
	[dreg:$0x11] =	wrdreg s11  }
0x30: {  	s26 =	smax.u32 s20, $0x1;
	_ =	strace $0x80000050;
	[dreg:$0x14] =	wrdreg s24  }
0x31: {  	s14 =	simm.s32 $0x4;
	s8 =	sadd.s32 s8, s23;
	[dreg:$0x15] =	wrdreg s26  }
0x32: {  	s23 =	smul.u32 $0xA000, s25;
	s25 =	sor.u32 $0x1C05, s29;
	[dreg:$0x17] =	wrdreg s6  }
0x33: {  	s31 =	sadd.s32 $0x4F0, s19;
	s8 =	sshll.u32 s8, $0x4;
	[dreg:$0x18] =	wrdreg s4  }
0x34: {  	s10 =	simm.s32 $0x6900;
	s12 =	simm.s32 $0x3;
	[dreg:$0x19] =	wrdreg s30  }
0x35: {  	s8 =	sadd.s32 s8, s16;
	s28 =	sshrl.u32 s23, $0x2;
	[dreg:$0x1a] =	wrdreg s3  }
0x36: {  	s11 =	simm.s32 $0x1;
	s13 =	simm.s32 $0x2;
	[dreg:$0x1b] =	wrdreg s2  }
0x37: {  	s16 =	simm.s32 $0x0;
	s7 =	sadd.s32 s28, s18;
	[dreg:$0x1c] =	wrdreg s1  }
0x38: {  	s1 =	sadd.s32 $0x10, s8;
	s2 =	sadd.s32 $0x20, s8;
	[dreg:$0x13] =	wrdreg s19  }
0x39: {  	[dreg:$0x1d] =	wrdreg s31;
	s4 =	simm.s32 $0x5;
	s6 =	simm.s32 $0x2900  }
0x3a: {  	s8 =	simm.s32 $0x80;
	[dreg:$0x16] =	wrdreg s7;
	s7 =	simm.s32 $0x2880  }
.LBB2_1:
0x3b: {  	s3 =	rddreg [dreg:$0x16]  }
0x3c: {  	s22 =	rddreg [dreg:$0x3];
	s17 =	sshrl.u32 s3, $0x3  }
0x3d: {  	[spmem:s17], [sflag:s25] =	dma.local [hbm:s22], $0x500  }
0x3e: {  	_ =	swait.ge [sflag:s4], $0x500  }
0x3f: {  	[sflag:s4] =	ssyncset.done $0x0;
	s23 =	rddreg [dreg:$0x17]  }
0x40: {  	s24 =	rddreg [dreg:$0x4];
	[sflag:s4] =	ssyncadd.s32 $0xFFFFFB00;
	s19 =	sshrl.u32 s23, $0x3  }
0x41: {  	[spmem:s19], [sflag:s25] =	dma.local [hbm:s24], $0x500  }
0x42: {  	_ =	swait.ge [sflag:s4], $0x500  }
0x43: {  	[sflag:s4] =	ssyncset.done $0x0;
	s26 =	rddreg [dreg:$0x18]  }
0x44: {  	s31 =	rddreg [dreg:$0x5];
	[sflag:s4] =	ssyncadd.s32 $0xFFFFFB00;
	s22 =	sshrl.u32 s26, $0x3  }
0x45: {  	[spmem:s22], [sflag:s25] =	dma.local [hbm:s31], $0x500  }
0x46: {  	_ =	swait.ge [sflag:s4], $0x500  }
0x47: {  	[sflag:s4] =	ssyncset.done $0x0;
	s15 =	rddreg [dreg:$0x19]  }
0x48: {  	s20 =	rddreg [dreg:$0x6];
	[sflag:s4] =	ssyncadd.s32 $0xFFFFFB00;
	s23 =	sshrl.u32 s15, $0x3  }
0x49: {  	[spmem:s23], [sflag:s25] =	dma.local [hbm:s20], $0x500  }
0x4a: {  	_ =	swait.ge [sflag:s4], $0x500  }
0x4b: {  	[sflag:s4] =	ssyncset.done $0x0;
	s24 =	rddreg [dreg:$0x1a]  }
0x4c: {  	s26 =	rddreg [dreg:$0x7];
	[sflag:s4] =	ssyncadd.s32 $0xFFFFFB00;
	s20 =	sshrl.u32 s24, $0x3  }
0x4d: {  	[spmem:s20], [sflag:s25] =	dma.local [hbm:s26], $0x500  }
0x4e: {  	_ =	swait.ge [sflag:s4], $0x500  }
0x4f: {  	[sflag:s4] =	ssyncset.done $0x0;
	s31 =	rddreg [dreg:$0x1b]  }
0x50: {  	s15 =	rddreg [dreg:$0x8];
	[sflag:s4] =	ssyncadd.s32 $0xFFFFFB00;
	s24 =	sshrl.u32 s31, $0x3  }
0x51: {  	[spmem:s24], [sflag:s25] =	dma.local [hbm:s15], $0x500  }
0x52: {  	_ =	swait.ge [sflag:s4], $0x500  }
0x53: {  	[sflag:s4] =	ssyncset.done $0x0;
	s26 =	rddreg [dreg:$0x1c]  }
0x54: {  	s31 =	rddreg [dreg:$0x9];
	[sflag:s4] =	ssyncadd.s32 $0xFFFFFB00;
	s26 =	sshrl.u32 s26, $0x3  }
0x55: {  	[spmem:s26], [sflag:s25] =	dma.local [hbm:s31], $0x500  }
0x56: {  	_ =	swait.ge [sflag:s4], $0x500  }
0x57: {  	[sflag:s4] =	ssyncset.done $0x0  }
0x58: {  	s28 =	sshrl.u32 @!p0 s0, $0x3;
	s3 =	rddreg [dreg:$0xa];
	[sflag:s4] =	ssyncadd.s32 $0xFFFFFB00  }
0x59: {  	[spmem:s28], [sflag:s25] =	dma.local @!p0 [hbm:s3], $0x500  }
0x5a: {  	s28 =	simm.s32 @!p0 $0x5  }
0x5b: {  	_ =	swait.ge @!p0 [sflag:s28], $0x500  }
0x5c: {  	[sflag:s28] =	ssyncset.done @!p0 $0x0  }
0x5d: {  	s15 =	rddreg [dreg:$0x14];
	[sflag:s28] =	ssyncadd.s32 @!p0 $0xFFFFFB00  }
0x5e: {  	[tilespmem:s9], [sflag:$0x5] =	stream.linear.gather [hbm4b:s15+s9], $0x2800, $0x38;
	[tilespmem:$0x1E400] =	vst v63  }
0x5f: {  	_ =	swait.ge [sflag:s4], $0x2800  }
0x60: {  	[sflag:s4] =	ssyncset.done $0x0  }
0x61: {  	[sflag:s4] =	ssyncadd.s32 $0xFFFFD800  }
0x62: {  	[bflag:$0x0] =	sbarrier.arrive $0xFFFF  }
0x63: {  	s31 =	rddreg [dreg:$0x13]  }
0x64: {  	[tilespmem:s5], [sflag:$0x3] =	stream.linear.gather [hbm4b:s31+s9], $0x80, $0x38;
	[tilespmem:$0x1E400] =	vst v63  }
0x65: {  	_ = 	snop  }
0x66: {  	[tilespmem:s6], [sflag:$0x1] =	stream.indirect.gather [hbm4b:s21+s8], $0x80, s9, s8, $0xb8;
	[tilespmem:$0x1E400] =	vst v63  }
0x67: {  	s28 =	sadd.s32 $0x0, s1  }
0x68: {  	[tilespmem:s7], [sflag:$0x4] =	stream.linear.gather [hbm4b:s28+s9], $0x80, $0x38;
	[tilespmem:$0x1E400] =	vst v63  }
0x69: {  	_ = 	snop  }
0x6a: {  	[tilespmem:s10], [sflag:$0x2] =	stream.indirect.gather [hbm4b:s21+s8], $0x80, s8, s8, $0xb8;
	[tilespmem:$0x1E400] =	vst v63  }
0x6b: {  	_ =	swait.ge [sflag:s11], $0x4000  }
0x6c: {  	[sflag:s11] =	ssyncset.done $0x0  }
0x6d: {  	[sflag:s11] =	ssyncadd.s32 $0xFFFFC000  }
0x6e: {  	_ =	swait.ge [sflag:s12], $0x80  }
0x6f: {  	[sflag:s12] =	ssyncset.done $0x0  }
0x70: {  	[sflag:s12] =	ssyncadd.s32 $0xFFFFFF80  }
0x71: {  	[spmem:s18] =	stream.indirect.scatter.add.f32 [tilespmem:s6], [sflag:$0x5], $0x80, s5, s8, $0xb8;
	[tilespmem:$0x1E400] =	vst v63  }
0x72: {  	_ =	swait.ge [sflag:s4], $0x4000  }
0x73: {  	[sflag:s4] =	ssyncset.done $0x0  }
0x74: {  	s28 =	sadd.s32 $0x0, s2;
	[sflag:s4] =	ssyncadd.s32 $0xFFFFC000  }
0x75: {  	[tilespmem:s5], [sflag:$0x3] =	stream.linear.gather [hbm4b:s28+s9], $0x80, $0x38;
	[tilespmem:$0x1E400] =	vst v63  }
0x76: {  	s28 =	simm.s32 $0x100  }
0x77: {  	[tilespmem:s6], [sflag:$0x1] =	stream.indirect.gather [hbm4b:s21+s8], $0x80, s28, s8, $0xb8;
	[tilespmem:$0x1E400] =	vst v63  }
0x78: {  	_ =	swait.ge [sflag:s13], $0x4000  }
0x79: {  	[sflag:s13] =	ssyncset.done $0x0  }
0x7a: {  	[sflag:s13] =	ssyncadd.s32 $0xFFFFC000  }
0x7b: {  	_ =	swait.ge [sflag:s14], $0x80  }
0x7c: {  	[sflag:s14] =	ssyncset.done $0x0  }
0x7d: {  	[sflag:s14] =	ssyncadd.s32 $0xFFFFFF80  }
0x7e: {  	[spmem:s18] =	stream.indirect.scatter.add.f32 [tilespmem:s10], [sflag:$0x5], $0x80, s7, s8, $0xb8;
	[tilespmem:$0x1E400] =	vst v63  }
0x7f: {  	s30 =	simm.s32 $0x40;
	_ =	swait.ge [sflag:s4], $0x4000  }
0x80: {  	s29 =	simm.s32 $0x180;
	s28 =	simm.s32 $0x20;
	[sflag:s4] =	ssyncset.done $0x0  }
.LBB2_2:
0x81: {  	s31 =	sadd.s32 s28, s1  }
0x82: {  	[sflag:s4] =	ssyncadd.s32 $0xFFFFC000;
	s15 =	smov.u32 s30;
	s3 =	sadd.s32 $0x20, s30  }
0x83: {  	[tilespmem:s7], [sflag:$0x4] =	stream.linear.gather [hbm4b:s31+s9], $0x80, $0x38;
	[tilespmem:$0x1E400] =	vst v63  }
0x84: {  	p2 =	sne.s32 s30, $0x4C0  }
0x85: {  	[tilespmem:s10], [sflag:$0x2] =	stream.indirect.gather [hbm4b:s21+s8], $0x80, s29, s8, $0xb8;
	[tilespmem:$0x1E400] =	vst v63  }
0x86: {  	_ =	swait.ge [sflag:s11], $0x4000  }
0x87: {  	[sflag:s11] =	ssyncset.done $0x0  }
0x88: {  	[sflag:s11] =	ssyncadd.s32 $0xFFFFC000  }
0x89: {  	_ =	swait.ge [sflag:s12], $0x80  }
0x8a: {  	[sflag:s12] =	ssyncset.done $0x0  }
0x8b: {  	[sflag:s12] =	ssyncadd.s32 $0xFFFFFF80  }
0x8c: {  	[spmem:s18] =	stream.indirect.scatter.add.f32 [tilespmem:s6], [sflag:$0x5], $0x80, s5, s8, $0xb8;
	[tilespmem:$0x1E400] =	vst v63  }
0x8d: {  	_ =	swait.ge [sflag:s4], $0x4000  }
0x8e: {  	[sflag:s4] =	ssyncset.done $0x0  }
0x8f: {  	s30 =	sadd.s32 s28, s2;
	s28 =	smov.u32 s15;
	[sflag:s4] =	ssyncadd.s32 $0xFFFFC000  }
0x90: {  	[tilespmem:s5], [sflag:$0x3] =	stream.linear.gather [hbm4b:s30+s9], $0x80, $0x38;
	[tilespmem:$0x1E400] =	vst v63  }
0x91: {  	s15 =	sadd.s32 $0x80, s29  }
0x92: {  	[tilespmem:s6], [sflag:$0x1] =	stream.indirect.gather [hbm4b:s21+s8], $0x80, s15, s8, $0xb8;
	[tilespmem:$0x1E400] =	vst v63  }
0x93: {  	_ =	swait.ge [sflag:s13], $0x4000  }
0x94: {  	[sflag:s13] =	ssyncset.done $0x0  }
0x95: {  	[sflag:s13] =	ssyncadd.s32 $0xFFFFC000  }
0x96: {  	_ =	swait.ge [sflag:s14], $0x80  }
.Ltmp0:
0x97: {  	[sflag:s14] =	ssyncset.done $0x0;
	(pc) =	sbr.rel @p2 .LBB2_2-.Ltmp0, $4  }
0x98: {  	[sflag:s14] =	ssyncadd.s32 $0xFFFFFF80  }
0x99: {  	[spmem:s18] =	stream.indirect.scatter.add.f32 [tilespmem:s10], [sflag:$0x5], $0x80, s7, s8, $0xb8;
	[tilespmem:$0x1E400] =	vst v63  }
0x9a: {  	_ =	swait.ge [sflag:s4], $0x4000  }
0x9b: {  	s29 =	sadd.s32 $0x100, s29;
	s30 =	smov.u32 s3;
	[sflag:s4] =	ssyncset.done $0x0  }
0x9c: {  	s3 =	sadd.s32 s28, s1;
	[sflag:s4] =	ssyncadd.s32 $0xFFFFC000  }
0x9d: {  	[tilespmem:s7], [sflag:$0x4] =	stream.linear.gather [hbm4b:s3+s9], $0x80, $0x38;
	[tilespmem:$0x1E400] =	vst v63  }
0x9e: {  	_ = 	snop  }
0x9f: {  	[tilespmem:s10], [sflag:$0x2] =	stream.indirect.gather [hbm4b:s21+s8], $0x80, s29, s8, $0xb8;
	[tilespmem:$0x1E400] =	vst v63  }
0xa0: {  	_ =	swait.ge [sflag:s11], $0x4000  }
0xa1: {  	[sflag:s11] =	ssyncset.done $0x0  }
0xa2: {  	[sflag:s11] =	ssyncadd.s32 $0xFFFFC000  }
0xa3: {  	_ =	swait.ge [sflag:s12], $0x80  }
0xa4: {  	[sflag:s12] =	ssyncset.done $0x0  }
0xa5: {  	[sflag:s12] =	ssyncadd.s32 $0xFFFFFF80  }
0xa6: {  	[spmem:s18] =	stream.indirect.scatter.add.f32 [tilespmem:s6], [sflag:$0x5], $0x80, s5, s8, $0xb8;
	[tilespmem:$0x1E400] =	vst v63  }
0xa7: {  	_ =	swait.ge [sflag:s4], $0x4000  }
0xa8: {  	[sflag:s4] =	ssyncset.done $0x0  }
0xa9: {  	s28 =	sadd.s32 s28, s2;
	[sflag:s4] =	ssyncadd.s32 $0xFFFFC000  }
0xaa: {  	[tilespmem:s5], [sflag:$0x3] =	stream.linear.gather [hbm4b:s28+s9], $0x80, $0x38;
	[tilespmem:$0x1E400] =	vst v63  }
0xab: {  	s29 =	sadd.s32 $0x80, s29  }
0xac: {  	[tilespmem:s6], [sflag:$0x1] =	stream.indirect.gather [hbm4b:s21+s8], $0x80, s29, s8, $0xb8;
	[tilespmem:$0x1E400] =	vst v63  }
0xad: {  	_ =	swait.ge [sflag:s13], $0x4000  }
0xae: {  	[sflag:s13] =	ssyncset.done $0x0  }
0xaf: {  	[sflag:s13] =	ssyncadd.s32 $0xFFFFC000  }
0xb0: {  	_ =	swait.ge [sflag:s14], $0x80  }
0xb1: {  	[sflag:s14] =	ssyncset.done $0x0  }
0xb2: {  	[sflag:s14] =	ssyncadd.s32 $0xFFFFFF80  }
0xb3: {  	[spmem:s18] =	stream.indirect.scatter.add.f32 [tilespmem:s10], [sflag:$0x5], $0x80, s7, s8, $0xb8;
	[tilespmem:$0x1E400] =	vst v63  }
0xb4: {  	_ =	swait.ge [sflag:s4], $0x4000  }
0xb5: {  	[sflag:s4] =	ssyncset.done $0x0  }
0xb6: {  	s30 =	rddreg [dreg:$0x1d];
	[sflag:s4] =	ssyncadd.s32 $0xFFFFC000  }
0xb7: {  	[tilespmem:s7], [sflag:$0x4] =	stream.linear.gather [hbm4b:s30+s9], $0x80, $0x38;
	[tilespmem:$0x1E400] =	vst v63  }
0xb8: {  	s31 =	simm.s32 $0x2780  }
0xb9: {  	[tilespmem:s10], [sflag:$0x2] =	stream.indirect.gather [hbm4b:s21+s8], $0x80, s31, s8, $0xb8;
	[tilespmem:$0x1E400] =	vst v63  }
0xba: {  	_ =	swait.ge [sflag:s11], $0x4000  }
0xbb: {  	[sflag:s11] =	ssyncset.done $0x0  }
0xbc: {  	[sflag:s11] =	ssyncadd.s32 $0xFFFFC000  }
0xbd: {  	_ =	swait.ge [sflag:s12], $0x80  }
0xbe: {  	[sflag:s12] =	ssyncset.done $0x0  }
0xbf: {  	[sflag:s12] =	ssyncadd.s32 $0xFFFFFF80  }
0xc0: {  	[spmem:s18] =	stream.indirect.scatter.add.f32 [tilespmem:s6], [sflag:$0x5], $0x80, s5, s8, $0xb8;
	[tilespmem:$0x1E400] =	vst v63  }
0xc1: {  	_ =	swait.ge [sflag:s4], $0x4000  }
0xc2: {  	[sflag:s4] =	ssyncset.done $0x0  }
0xc3: {  	[sflag:s4] =	ssyncadd.s32 $0xFFFFC000  }
0xc4: {  	_ =	swait.ge [sflag:s13], $0x4000  }
0xc5: {  	[sflag:s13] =	ssyncset.done $0x0  }
0xc6: {  	[sflag:s13] =	ssyncadd.s32 $0xFFFFC000  }
0xc7: {  	_ =	swait.ge [sflag:s14], $0x80  }
0xc8: {  	[sflag:s14] =	ssyncset.done $0x0  }
0xc9: {  	[sflag:s14] =	ssyncadd.s32 $0xFFFFFF80  }
0xca: {  	[spmem:s18] =	stream.indirect.scatter.add.f32 [tilespmem:s10], [sflag:$0x5], $0x80, s7, s8, $0xb8;
	[tilespmem:$0x1E400] =	vst v63  }
0xcb: {  	_ =	swait.ge [sflag:s4], $0x4000  }
0xcc: {  	[sflag:s4] =	ssyncset.done $0x0  }
0xcd: {  	[sflag:s4] =	ssyncadd.s32 $0xFFFFC000  }
0xce: {  	[bflag:$0x0] =	sbarrier.arrive $0xFFFF  }
0xcf: {  	s15 =	rddreg [dreg:$0xb]  }
0xd0: {  	[hbm:s15], [sflag:s25] =	dma.local [spmem:s17], $0x500  }
0xd1: {  	_ =	swait.ge [sflag:s4], $0x500  }
0xd2: {  	[sflag:s4] =	ssyncset.done $0x0  }
0xd3: {  	s17 =	rddreg [dreg:$0xc];
	[sflag:s4] =	ssyncadd.s32 $0xFFFFFB00  }
0xd4: {  	[hbm:s17], [sflag:s25] =	dma.local [spmem:s19], $0x500  }
0xd5: {  	_ =	swait.ge [sflag:s4], $0x500  }
0xd6: {  	[sflag:s4] =	ssyncset.done $0x0  }
0xd7: {  	s19 =	rddreg [dreg:$0xd];
	[sflag:s4] =	ssyncadd.s32 $0xFFFFFB00  }
0xd8: {  	[hbm:s19], [sflag:s25] =	dma.local [spmem:s22], $0x500  }
0xd9: {  	_ =	swait.ge [sflag:s4], $0x500  }
0xda: {  	[sflag:s4] =	ssyncset.done $0x0  }
0xdb: {  	s22 =	rddreg [dreg:$0xe];
	[sflag:s4] =	ssyncadd.s32 $0xFFFFFB00  }
0xdc: {  	[hbm:s22], [sflag:s25] =	dma.local [spmem:s23], $0x500  }
0xdd: {  	_ =	swait.ge [sflag:s4], $0x500  }
0xde: {  	[sflag:s4] =	ssyncset.done $0x0  }
0xdf: {  	s28 =	rddreg [dreg:$0xf];
	[sflag:s4] =	ssyncadd.s32 $0xFFFFFB00  }
0xe0: {  	[hbm:s28], [sflag:s25] =	dma.local [spmem:s20], $0x500  }
0xe1: {  	_ =	swait.ge [sflag:s4], $0x500  }
0xe2: {  	[sflag:s4] =	ssyncset.done $0x0  }
0xe3: {  	s29 =	rddreg [dreg:$0x10];
	[sflag:s4] =	ssyncadd.s32 $0xFFFFFB00  }
0xe4: {  	[hbm:s29], [sflag:s25] =	dma.local [spmem:s24], $0x500  }
0xe5: {  	_ =	swait.ge [sflag:s4], $0x500  }
0xe6: {  	[sflag:s4] =	ssyncset.done $0x0  }
0xe7: {  	s30 =	rddreg [dreg:$0x11];
	[sflag:s4] =	ssyncadd.s32 $0xFFFFFB00  }
0xe8: {  	[hbm:s30], [sflag:s25] =	dma.local [spmem:s26], $0x500  }
0xe9: {  	_ =	swait.ge [sflag:s4], $0x500  }
0xea: {  	[sflag:s4] =	ssyncset.done $0x0  }
0xeb: {  	s3 =	sshrl.u32 @!p1 s0, $0x3;
	s15 =	rddreg [dreg:$0x12];
	[sflag:s4] =	ssyncadd.s32 $0xFFFFFB00  }
0xec: {  	[hbm:s15], [sflag:s25] =	dma.local @!p1 [spmem:s3], $0x500  }
0xed: {  	s3 =	simm.s32 @!p1 $0x5  }
0xee: {  	_ =	swait.ge @!p1 [sflag:s3], $0x500  }
0xef: {  	s16 =	sadd.s32 $0x1, s16;
	s31 =	rddreg [dreg:$0x15]  }
0xf0: {  	p2 =	sne.s32 s16, s31  }
.Ltmp1:
0xf1: {  	_ = 	snop;
	(pc) =	sbr.rel @p2 .LBB2_1-.Ltmp1, $3  }
0xf2: {  	_ =	sdelay $0x1  }
0xf3: {  	[sflag:s3] =	ssyncset.done @!p1 $0x0  }
0xf4: {  	[sflag:s3] =	ssyncadd.s32 @!p1 $0xFFFFFB00  }
0xf5: {  	_ =	sfence.sel $0x180000  }
0xf6: {  	[bflag:$0x0] =	sbarrier.arrive $0xFFFF  }
0xf7: {  	_ =	strace $0x90000050  }
0xf8: {  	s0 =	stileid.u32;
	[bflag:$0x2] =	sbarrier.arrive $0xFFFF  }
0xf9: {  	p0 =	sne.s32 s0, $0x0;
	s0 =	rddreg [dreg:$0x2]  }
0xfa: {  	s0 =	sadd.s32 @!p0 $0x100000, s0  }
0xfb: {  	[sflag:s0] =	ssyncadd.tile.s32 @!p0 $0x1;
	_ =	shalt  }
.Lfunc_end2:
_tile_overlayer_lowered:
.L_overlay_start_2:
0xfc: {  	(tag) =	ssettag $0x2  }
0xfd: {  	s0 =	rddreg [dreg:$0x0];
	s2 =	stileid.u32  }
0xfe: {  	s1 =	rddreg [dreg:$0x1];
	p0 =	sne.s32 s2, $0x0  }
0xff: {  	s3 =	rddreg [dreg:$0x2];
	[bflag:$0x3] =	sbarrier.arrive $0xFFFF;
	s2 =	simm.s32 @!p0 $0x1C05  }
0x100: {  	[timem:s3], [sflag:s2] =	dma.local @!p0 [hbm:s0], s1  }
0x101: {  	s0 =	simm.s32 @!p0 $0x5  }
0x102: {  	_ =	swait.ge @!p0 [sflag:s0], s1  }
0x103: {  	s1 =	ssub.s32 @!p0 $0x0, s1;
	[sflag:s0] =	ssyncset.done @!p0 $0x0  }
0x104: {  	[sflag:s0] =	ssyncadd.s32 @!p0 s1  }
0x105: {  	[bflag:$0x3] =	sbarrier.arrive $0xFFFF  }
0x106: {  	_ =	shalt  }

</sc_bundles>
